<compile_context>
chip_gen: v7x
topology: tpu7x:2x2x1
jax: 0.10.2.dev20260603
libtpu: 0.0.44.dev20260713+nightly
codegen_flags: <defaults>
</compile_context>

<pallas_src>
import jax
import jax.numpy as jnp
from jax.experimental import pallas as pl
from jax.experimental.pallas import tpu as pltpu
from jax.experimental.pallas import tpu_sc as plsc



def _proj_body(x_ref, s_ref, b_ref, wc_ref, bc_ref, wn_ref, bn_ref,
               zc_ref, zn_ref):
    x = x_ref[...]
    mu = jnp.mean(x, axis=-1, keepdims=True)
    var = jnp.mean((x - mu) ** 2, axis=-1, keepdims=True)
    normed = (x - mu) * jax.lax.rsqrt(var + 1e-6) * s_ref[...] + b_ref[...]
    zc_ref[...] = jnp.dot(normed, wc_ref[...],
                          preferred_element_type=jnp.float32) + bc_ref[...]
    zn_ref[...] = jnp.dot(normed, wn_ref[...],
                          preferred_element_type=jnp.float32) + bn_ref[...]


def _projections(atom_in_fea, ln_scale, ln_bias, W_center, b_center,
                 W_nbr, b_nbr, block):
    n, d = atom_in_fea.shape
    grid = (n // block,)
    full = lambda i: (0, 0)
    return pl.pallas_call(
        _proj_body,
        grid=grid,
        in_specs=[
            pl.BlockSpec((block, d), lambda i: (i, 0)),
            pl.BlockSpec((1, d), full),
            pl.BlockSpec((1, d), full),
            pl.BlockSpec((d, d), full),
            pl.BlockSpec((1, d), full),
            pl.BlockSpec((d, d), full),
            pl.BlockSpec((1, d), full),
        ],
        out_specs=[
            pl.BlockSpec((block, d), lambda i: (i, 0)),
            pl.BlockSpec((block, d), lambda i: (i, 0)),
        ],
        out_shape=[
            jax.ShapeDtypeStruct((n, d), jnp.float32),
            jax.ShapeDtypeStruct((n, d), jnp.float32),
        ],
        compiler_params=pltpu.CompilerParams(
            dimension_semantics=("parallel",)),
    )(atom_in_fea, ln_scale.reshape(1, d), ln_bias.reshape(1, d),
      W_center, b_center.reshape(1, d), W_nbr, b_nbr.reshape(1, d))



def _sc_gather(table, flat_idx, window):
    n, d = table.shape
    num = flat_idx.shape[0]
    idx2 = flat_idx.reshape(1, num)
    mesh = plsc.VectorSubcoreMesh(core_axis_name="core",
                                  subcore_axis_name="subcore")

    @pl.kernel(out_type=jax.ShapeDtypeStruct((num, d), table.dtype),
               mesh=mesh)
    def gather_kernel(x_hbm, i_hbm, o_hbm):
        def body(i_vmem, o_vmem):
            pltpu.sync_copy(x_hbm.at[i_vmem.at[0]], o_vmem)

        pltpu.emit_pipeline(
            body,
            grid=(num // window,),
            in_specs=[pl.BlockSpec((1, window), index_map=lambda i: (0, i))],
            out_specs=[pl.BlockSpec((window, d), index_map=lambda i: (i, 0))],
            core_axis_name=("core", "subcore"),
            dimension_semantics=(pltpu.PARALLEL,),
        )(i_hbm, o_hbm)

    return gather_kernel(table, idx2)



def _inter_body(x_ref, zc_ref, g_ref, nbr_ref, we_ref, be_ref, wgm_ref,
                bgm_ref, out_ref):
    m = g_ref.shape[1]
    d = zc_ref.shape[1]
    zc = zc_ref[...]
    acc = jnp.zeros_like(zc)
    for j in range(m):
        pe = jnp.dot(nbr_ref[:, j, :].astype(jnp.bfloat16), we_ref[...],
                     preferred_element_type=jnp.float32) + be_ref[...]
        inter = zc * g_ref[:, j, :] * pe
        z = jnp.dot(inter.astype(jnp.bfloat16), wgm_ref[...],
                    preferred_element_type=jnp.float32) + bgm_ref[...]
        gate = jax.nn.sigmoid(z[:, :d])
        mag = jax.nn.softplus(z[:, d:])
        acc = acc + gate * mag
    out_ref[...] = x_ref[...] + acc


def _interaction(atom_in_fea, zc, gathered3, nbr_fea, W_edge, b_edge,
                 W_gm, b_gm, block):
    n, d = atom_in_fea.shape
    m = nbr_fea.shape[1]
    de = nbr_fea.shape[2]
    grid = (n // block,)
    full = lambda i: (0, 0)
    return pl.pallas_call(
        _inter_body,
        grid=grid,
        in_specs=[
            pl.BlockSpec((block, d), lambda i: (i, 0)),
            pl.BlockSpec((block, d), lambda i: (i, 0)),
            pl.BlockSpec((block, m, d), lambda i: (i, 0, 0)),
            pl.BlockSpec((block, m, de), lambda i: (i, 0, 0)),
            pl.BlockSpec((de, d), full),
            pl.BlockSpec((1, d), full),
            pl.BlockSpec((d, 2 * d), full),
            pl.BlockSpec((1, 2 * d), full),
        ],
        out_specs=pl.BlockSpec((block, d), lambda i: (i, 0)),
        out_shape=jax.ShapeDtypeStruct((n, d), jnp.float32),
        compiler_params=pltpu.CompilerParams(
            dimension_semantics=("parallel",)),
    )(atom_in_fea, zc, gathered3, nbr_fea, W_edge.astype(jnp.bfloat16),
      b_edge.reshape(1, d), W_gm, b_gm)


def kernel(atom_in_fea, nbr_fea, nbr_fea_idx, ln_scale, ln_bias, W_center,
           b_center, W_nbr, b_nbr, W_edge, b_edge, W_gate, b_gate, W_mag,
           b_mag):
    n, d = atom_in_fea.shape
    m = nbr_fea_idx.shape[1]
    zc, zn = _projections(atom_in_fea, ln_scale, ln_bias, W_center, b_center,
                          W_nbr, b_nbr, block=400)
    gathered = _sc_gather(zn, nbr_fea_idx.reshape(-1), window=128)
    gathered3 = gathered.reshape(n, m, d)
    W_gm = jnp.concatenate([W_gate, W_mag], axis=1).astype(jnp.bfloat16)
    b_gm = jnp.concatenate([b_gate, b_mag]).reshape(1, 2 * d)
    return _interaction(atom_in_fea, zc, gathered3, nbr_fea, W_edge, b_edge,
                        W_gm, b_gm, block=200)

# --- scband reference (transcript-rebuilt; emitter-appended) ---
"""Pipeline reference for scband-ceinteraction-layer-28149215658669 (READ-ONLY COPY).

The authoritative reference and input builder live on the scoring server;
editing this copy changes nothing except your own understanding.
"""

import jax, jax.numpy as jnp
import numpy as np

N = 10000
M = 32
D = 128
DE = 16


def _w(k, fi, fo):
    return jax.random.normal(k, (fi, fo), dtype=jnp.float32) / np.sqrt(fi)


def setup_inputs(seed: int = 0):
    key = jax.random.key(seed)
    ks = jax.random.split(key, 10)
    inp = {}
    inp["atom_in_fea"] = jax.random.normal(ks[0], (N, D), dtype=jnp.float32)
    inp["nbr_fea"] = jax.random.normal(ks[1], (N, M, DE), dtype=jnp.float32)
    inp["nbr_fea_idx"] = jax.random.randint(ks[2], (N, M), 0, N, dtype=jnp.int32)
    inp["ln_scale"] = jnp.ones((D,), dtype=jnp.float32)
    inp["ln_bias"] = jnp.zeros((D,), dtype=jnp.float32)
    inp["W_center"] = _w(ks[3], D, D)
    inp["b_center"] = jnp.zeros((D,), dtype=jnp.float32)
    inp["W_nbr"] = _w(ks[4], D, D)
    inp["b_nbr"] = jnp.zeros((D,), dtype=jnp.float32)
    inp["W_edge"] = _w(ks[5], DE, D)
    inp["b_edge"] = jnp.zeros((D,), dtype=jnp.float32)
    inp["W_gate"] = _w(ks[6], D, D)
    inp["b_gate"] = jnp.zeros((D,), dtype=jnp.float32)
    inp["W_mag"] = _w(ks[7], D, D)
    inp["b_mag"] = jnp.zeros((D,), dtype=jnp.float32)
    return inp


def reference(atom_in_fea, nbr_fea, nbr_fea_idx, ln_scale, ln_bias, W_center, b_center, W_nbr, b_nbr, W_edge, b_edge, W_gate, b_gate, W_mag, b_mag):
    mu = jnp.mean(atom_in_fea, axis=-1, keepdims=True)
    var = jnp.mean((atom_in_fea - mu) ** 2, axis=-1, keepdims=True)
    atom_normed = (atom_in_fea - mu) / jnp.sqrt(var + 1e-6) * ln_scale + ln_bias
    atom_nbr_fea = jnp.take(atom_normed, nbr_fea_idx, axis=0)
    Mloc = nbr_fea_idx.shape[1]
    atom_center_fea = jnp.tile(atom_normed[:, None, :], (1, Mloc, 1))
    phi_center = atom_center_fea @ W_center + b_center
    phi_nbr = atom_nbr_fea @ W_nbr + b_nbr
    phi_edge = nbr_fea @ W_edge + b_edge
    interaction = phi_center * phi_nbr * phi_edge
    gate = jax.nn.sigmoid(interaction @ W_gate + b_gate)
    magnitude = jax.nn.softplus(interaction @ W_mag + b_mag)
    nbr_sumed = jnp.sum(gate * magnitude, axis=1)
    return atom_in_fea + nbr_sumed

if __name__ == "__main__":
    import jax
    _d = setup_inputs()
    print(jax.jit(kernel)(*tuple(_d.values())))

</pallas_src>

<mosaic_0001>
#map = affine_map<(d0, d1) -> (0, 0)>
module attributes {stable_mosaic.version = 14 : i64} {
  func.func @gather_kernel(%arg0: i32, %arg1: i32, %arg2: memref<10000x128xf32, #tpu.memory_space<hbm>>, %arg3: memref<1x320000xi32, #tpu.memory_space<hbm>>, %arg4: memref<320000x128xf32, #tpu.memory_space<hbm>>) attributes {dimension_semantics = [#tpu.dimension_semantics<core_parallel>, #tpu.dimension_semantics<subcore_parallel>], iteration_bounds = array<i64: 2, 16>, scalar_prefetch = 0 : i64, scratch_operands = 0 : i64, tpu.core_type = #tpu.core_type<sc_vector_subcore>, window_params = [{transform_indices = #map}, {transform_indices = #map}, {transform_indices = #map}]} {
    %mul3A = arith.constant 1 : i32
    %mul3A_0 = arith.muli %arg1, %mul3A : i32
    %add3A = arith.constant 0 : i32
    %add3A_1 = arith.addi %add3A, %mul3A_0 : i32
    %mul3A_2 = arith.constant 16 : i32
    %mul3A_3 = arith.muli %arg0, %mul3A_2 : i32
    %add3A_4 = arith.addi %add3A_1, %mul3A_3 : i32
    %lt3A = arith.constant 4 : i32
    %lt3A_5 = arith.cmpi slt, %add3A_4, %lt3A : i32
    %jit3A = arith.constant 79 : i32
    %jit3A_6 = arith.constant 78 : i32
    %select_n3A = arith.select %lt3A_5, %jit3A, %jit3A_6 : i32
    %lt3A_7 = arith.constant 4 : i32
    %lt3A_8 = arith.cmpi slt, %add3A_4, %lt3A_7 : i32
    %mul3A_9 = arith.muli %add3A_4, %select_n3A : i32
    %mul3A_10 = arith.constant 78 : i32
    %mul3A_11 = arith.muli %add3A_4, %mul3A_10 : i32
    %add3A_12 = arith.constant 4 : i32
    %add3A_13 = arith.addi %mul3A_11, %add3A_12 : i32
    %select_n3A_14 = arith.select %lt3A_8, %mul3A_9, %add3A_13 : i32
    %mul3A_15 = arith.constant 1 : i32
    %mul3A_16 = arith.muli %mul3A_15, %select_n3A : i32
    "tpu.region"() ({
      %run_scoped3A = memref.alloca() : memref<2x1x128xi32, #tpu.memory_space<vmem>>
      %run_scoped3A_17 = tpu.sem_alloc : memref<2x!tpu.dma_semaphore, #tpu.memory_space<semaphore_mem>>
      %run_scoped3A_18 = memref.alloca() : memref<2x128x128xf32, #tpu.memory_space<vmem>>
      %run_scoped3A_19 = tpu.sem_alloc : memref<2x!tpu.dma_semaphore, #tpu.memory_space<semaphore_mem>>
      %gt3A = arith.constant 0 : i32
      %gt3A_20 = arith.cmpi sgt, %mul3A_16, %gt3A : i32
      %convert_element_type3A = arith.extui %gt3A_20 : i1 to i32
      %cond3A = arith.constant 0 : i32
      %cond3A_21 = arith.cmpi ne, %convert_element_type3A, %cond3A : i32
      scf.if %cond3A_21 {
        %mul3A_22 = arith.constant 1 : i32
        %mul3A_23 = arith.muli %mul3A_22, %select_n3A : i32
        %sub3A = arith.constant 1 : i32
        %sub3A_24 = arith.subi %mul3A_23, %sub3A : i32
        %eq3A = arith.constant 0 : i32
        %eq3A_25 = arith.cmpi eq, %sub3A_24, %eq3A : i32
        %add3A_26 = arith.constant 0 : i32
        %add3A_27 = arith.addi %add3A_26, %select_n3A_14 : i32
        %select_n3A_28 = arith.constant true
        %select_n3A_29 = arith.constant 0 : i32
        %select_n3A_30 = arith.constant -1 : i32
        %select_n3A_31 = arith.select %select_n3A_28, %select_n3A_30, %select_n3A_29 : i32
        %eq3A_32 = arith.constant -1 : i32
        %eq3A_33 = arith.cmpi eq, %select_n3A_31, %eq3A_32 : i32
        %sub3A_34 = arith.constant 1 : i32
        %sub3A_35 = arith.subi %select_n3A, %sub3A_34 : i32
        %select_n3A_36 = arith.select %eq3A_33, %sub3A_35, %select_n3A_31 : i32
        %add3A_37 = arith.addi %select_n3A_36, %select_n3A_14 : i32
        %select_n3A_38 = arith.constant true
        %select_n3A_39 = arith.constant 0 : i32
        %select_n3A_40 = arith.constant 1 : i32
        %select_n3A_41 = arith.select %select_n3A_38, %select_n3A_40, %select_n3A_39 : i32
        %eq3A_42 = arith.cmpi eq, %select_n3A_41, %select_n3A : i32
        %select_n3A_43 = arith.constant 0 : i32
        %select_n3A_44 = arith.select %eq3A_42, %select_n3A_43, %select_n3A_41 : i32
        %add3A_45 = arith.addi %select_n3A_44, %select_n3A_14 : i32
        %add3A_46 = arith.constant 1 : i32
        %add3A_47 = arith.addi %select_n3A_44, %add3A_46 : i32
        %select_n3A_48 = arith.constant true
        %select_n3A_49 = arith.select %select_n3A_48, %add3A_47, %select_n3A_44 : i32
        %eq3A_50 = arith.cmpi eq, %select_n3A_49, %select_n3A : i32
        %select_n3A_51 = arith.constant 0 : i32
        %select_n3A_52 = arith.select %eq3A_50, %select_n3A_51, %select_n3A_49 : i32
        %add3A_53 = arith.addi %select_n3A_52, %select_n3A_14 : i32
        "tpu.trace_start"() <{level = 10 : i32, message = "ep_initialize_0"}> : () -> ()
        %rem3A = arith.constant 0 : i32
        %rem3A_54 = arith.constant 2 : i32
        %rem3A_55 = arith.remui %rem3A, %rem3A_54 : i32
        %mul3A_56 = arith.constant 128 : i32
        %mul3A_57 = arith.muli %mul3A_56, %add3A_27 : i32
        %dma_start3A = arith.constant 0 : i32
        %dma_start3A_58 = arith.constant 0 : i32
        %dma_start3A_59 = tpu.memref_slice %run_scoped3A[%rem3A_55, %dma_start3A, %dma_start3A_58] : memref<2x1x128xi32, #tpu.memory_space<vmem>> -> memref<1x1x128xi32, #tpu.memory_space<vmem>>
        %dma_start3A_60 = tpu.memref_squeeze %dma_start3A_59 : memref<1x1x128xi32, #tpu.memory_space<vmem>> -> memref<1x128xi32, #tpu.memory_space<vmem>>
        %dma_start3A_61 = arith.constant 0 : i32
        %dma_start3A_62 = tpu.memref_slice %arg3[%dma_start3A_61, %mul3A_57] : memref<1x320000xi32, #tpu.memory_space<hbm>> -> memref<1x128xi32, #tpu.memory_space<hbm>>
        %dma_start3A_63 = tpu.memref_slice %run_scoped3A_17[%rem3A_55] : memref<2x!tpu.dma_semaphore, #tpu.memory_space<semaphore_mem>> -> memref<1x!tpu.dma_semaphore, #tpu.memory_space<semaphore_mem>>
        %dma_start3A_64 = tpu.memref_squeeze %dma_start3A_63 : memref<1x!tpu.dma_semaphore, #tpu.memory_space<semaphore_mem>> -> memref<!tpu.dma_semaphore, #tpu.memory_space<semaphore_mem>>
        %dma_start3A_65 = arith.constant 0 : i32
        %dma_start3A_66 = arith.constant 0 : i32
        %dma_start3A_67 = tpu.memref_slice %run_scoped3A[%rem3A_55, %dma_start3A_65, %dma_start3A_66] : memref<2x1x128xi32, #tpu.memory_space<vmem>> -> memref<1x1x128xi32, #tpu.memory_space<vmem>>
        %dma_start3A_68 = tpu.memref_squeeze %dma_start3A_67 : memref<1x1x128xi32, #tpu.memory_space<vmem>> -> memref<1x128xi32, #tpu.memory_space<vmem>>
        %dma_start3A_69 = arith.constant 0 : i32
        %dma_start3A_70 = tpu.memref_slice %arg3[%dma_start3A_69, %mul3A_57] : memref<1x320000xi32, #tpu.memory_space<hbm>> -> memref<1x128xi32, #tpu.memory_space<hbm>>
        tpu.enqueue_dma source(%dma_start3A_70 : memref<1x128xi32, #tpu.memory_space<hbm>>) target(%dma_start3A_68 : memref<1x128xi32, #tpu.memory_space<vmem>>) target_semaphore(%dma_start3A_64 : memref<!tpu.dma_semaphore, #tpu.memory_space<semaphore_mem>>)
        %add3A_71 = arith.constant 0 : i32
        %add3A_72 = arith.constant 1 : i32
        %add3A_73 = arith.addi %add3A_71, %add3A_72 : i32
        %select_n3A_74 = arith.constant true
        %select_n3A_75 = arith.constant 0 : i32
        %select_n3A_76 = arith.select %select_n3A_74, %add3A_73, %select_n3A_75 : i32
        %while3A = arith.constant 0 : i32
        %while3A_77 = arith.constant 0 : i32
        %while3A_78 = arith.constant 0 : i32
        %while3A_79 = arith.constant 0 : i32
        %while3A_80 = arith.constant 0 : i32
        "tpu.trace_stop"() : () -> ()
        %while3A_81 = arith.subi %mul3A_16, %while3A : i32
        %while3A_82 = arith.addi %while3A, %while3A_81 : i32
        %while3A_83 = arith.constant 1 : i32
        %while3A_84 = arith.divsi %while3A_81, %while3A_83 : i32
        %while3A_85 = arith.muli %while3A_84, %while3A_83 : i32
        %while3A_86 = arith.addi %while3A, %while3A_85 : i32
        %while3A_87 = arith.constant 1 : i32
        %while3A_88:5 = scf.for %while3A_142 = %while3A to %while3A_86 step %while3A_87 iter_args(%while3A_143 = %select_n3A_76, %while3A_144 = %while3A_77, %while3A_145 = %while3A_78, %while3A_146 = %while3A_79, %while3A_147 = %while3A_80) -> (i32, i32, i32, i32, i32)  : i32 {
          %mul3A_148 = arith.constant 1 : i32
          %mul3A_149 = arith.muli %mul3A_148, %select_n3A : i32
          %eq3A_150 = arith.constant 0 : i32
          %eq3A_151 = arith.cmpi eq, %while3A_142, %eq3A_150 : i32
          %sub3A_152 = arith.constant 1 : i32
          %sub3A_153 = arith.subi %mul3A_149, %sub3A_152 : i32
          %eq3A_154 = arith.cmpi eq, %while3A_142, %sub3A_153 : i32
          %add3A_155 = arith.addi %while3A_147, %select_n3A_14 : i32
          %sub3A_156 = arith.constant 1 : i32
          %sub3A_157 = arith.subi %while3A_147, %sub3A_156 : i32
          %select_n3A_158 = arith.constant true
          %select_n3A_159 = arith.select %select_n3A_158, %sub3A_157, %while3A_147 : i32
          %eq3A_160 = arith.constant -1 : i32
          %eq3A_161 = arith.cmpi eq, %select_n3A_159, %eq3A_160 : i32
          %sub3A_162 = arith.constant 1 : i32
          %sub3A_163 = arith.subi %select_n3A, %sub3A_162 : i32
          %select_n3A_164 = arith.select %eq3A_161, %sub3A_163, %select_n3A_159 : i32
          %add3A_165 = arith.addi %select_n3A_164, %select_n3A_14 : i32
          %add3A_166 = arith.constant 1 : i32
          %add3A_167 = arith.addi %while3A_147, %add3A_166 : i32
          %select_n3A_168 = arith.constant true
          %select_n3A_169 = arith.select %select_n3A_168, %add3A_167, %while3A_147 : i32
          %eq3A_170 = arith.cmpi eq, %select_n3A_169, %select_n3A : i32
          %select_n3A_171 = arith.constant 0 : i32
          %select_n3A_172 = arith.select %eq3A_170, %select_n3A_171, %select_n3A_169 : i32
          %add3A_173 = arith.addi %select_n3A_172, %select_n3A_14 : i32
          %add3A_174 = arith.constant 1 : i32
          %add3A_175 = arith.addi %select_n3A_172, %add3A_174 : i32
          %select_n3A_176 = arith.constant true
          %select_n3A_177 = arith.select %select_n3A_176, %add3A_175, %select_n3A_172 : i32
          %eq3A_178 = arith.cmpi eq, %select_n3A_177, %select_n3A : i32
          %select_n3A_179 = arith.constant 0 : i32
          %select_n3A_180 = arith.select %eq3A_178, %select_n3A_179, %select_n3A_177 : i32
          %add3A_181 = arith.addi %select_n3A_180, %select_n3A_14 : i32
          %ne3A = arith.cmpi ne, %add3A_155, %add3A_173 : i32
          %or3A = arith.constant false
          %or3A_182 = arith.ori %or3A, %ne3A : i1
          %sub3A_183 = arith.constant 2 : i32
          %sub3A_184 = arith.subi %mul3A_149, %sub3A_183 : i32
          %add3A_185 = arith.constant 1 : i32
          %add3A_186 = arith.addi %sub3A_184, %add3A_185 : i32
          %ge3A = arith.cmpi sge, %while3A_142, %add3A_186 : i32
          %not3A = arith.constant true
          %not3A_187 = arith.xori %ge3A, %not3A : i1
          %and3A = arith.andi %or3A_182, %not3A_187 : i1
          %convert_element_type3A_188 = arith.extui %and3A : i1 to i32
          %cond3A_189 = arith.constant 0 : i32
          %cond3A_190 = arith.cmpi ne, %convert_element_type3A_188, %cond3A_189 : i32
          scf.if %cond3A_190 {
            "tpu.trace_start"() <{level = 10 : i32, message = "ep_copy_in"}> : () -> ()
            %rem3A_294 = arith.constant 2 : i32
            %rem3A_295 = arith.remui %while3A_143, %rem3A_294 : i32
            %mul3A_296 = arith.constant 128 : i32
            %mul3A_297 = arith.muli %mul3A_296, %add3A_173 : i32
            %dma_start3A_298 = arith.constant 0 : i32
            %dma_start3A_299 = arith.constant 0 : i32
            %dma_start3A_300 = tpu.memref_slice %run_scoped3A[%rem3A_295, %dma_start3A_298, %dma_start3A_299] : memref<2x1x128xi32, #tpu.memory_space<vmem>> -> memref<1x1x128xi32, #tpu.memory_space<vmem>>
            %dma_start3A_301 = tpu.memref_squeeze %dma_start3A_300 : memref<1x1x128xi32, #tpu.memory_space<vmem>> -> memref<1x128xi32, #tpu.memory_space<vmem>>
            %dma_start3A_302 = arith.constant 0 : i32
            %dma_start3A_303 = tpu.memref_slice %arg3[%dma_start3A_302, %mul3A_297] : memref<1x320000xi32, #tpu.memory_space<hbm>> -> memref<1x128xi32, #tpu.memory_space<hbm>>
            %dma_start3A_304 = tpu.memref_slice %run_scoped3A_17[%rem3A_295] : memref<2x!tpu.dma_semaphore, #tpu.memory_space<semaphore_mem>> -> memref<1x!tpu.dma_semaphore, #tpu.memory_space<semaphore_mem>>
            %dma_start3A_305 = tpu.memref_squeeze %dma_start3A_304 : memref<1x!tpu.dma_semaphore, #tpu.memory_space<semaphore_mem>> -> memref<!tpu.dma_semaphore, #tpu.memory_space<semaphore_mem>>
            %dma_start3A_306 = arith.constant 0 : i32
            %dma_start3A_307 = arith.constant 0 : i32
            %dma_start3A_308 = tpu.memref_slice %run_scoped3A[%rem3A_295, %dma_start3A_306, %dma_start3A_307] : memref<2x1x128xi32, #tpu.memory_space<vmem>> -> memref<1x1x128xi32, #tpu.memory_space<vmem>>
            %dma_start3A_309 = tpu.memref_squeeze %dma_start3A_308 : memref<1x1x128xi32, #tpu.memory_space<vmem>> -> memref<1x128xi32, #tpu.memory_space<vmem>>
            %dma_start3A_310 = arith.constant 0 : i32
            %dma_start3A_311 = tpu.memref_slice %arg3[%dma_start3A_310, %mul3A_297] : memref<1x320000xi32, #tpu.memory_space<hbm>> -> memref<1x128xi32, #tpu.memory_space<hbm>>
            tpu.enqueue_dma source(%dma_start3A_311 : memref<1x128xi32, #tpu.memory_space<hbm>>) target(%dma_start3A_309 : memref<1x128xi32, #tpu.memory_space<vmem>>) target_semaphore(%dma_start3A_305 : memref<!tpu.dma_semaphore, #tpu.memory_space<semaphore_mem>>)
            "tpu.trace_stop"() : () -> ()
          } else {
          }
          %and3A_191 = arith.constant true
          %and3A_192 = arith.andi %and3A, %and3A_191 : i1
          %add3A_193 = arith.constant 1 : i32
          %add3A_194 = arith.addi %while3A_143, %add3A_193 : i32
          %select_n3A_195 = arith.select %and3A_192, %add3A_194, %while3A_143 : i32
          %ne3A_196 = arith.cmpi ne, %add3A_155, %add3A_173 : i32
          %or3A_197 = arith.constant false
          %or3A_198 = arith.ori %or3A_197, %ne3A_196 : i1
          %or3A_199 = arith.constant false
          %or3A_200 = arith.ori %or3A_198, %or3A_199 : i1
          %sub3A_201 = arith.constant 2 : i32
          %sub3A_202 = arith.subi %mul3A_149, %sub3A_201 : i32
          %add3A_203 = arith.constant 1 : i32
          %add3A_204 = arith.addi %sub3A_202, %add3A_203 : i32
          %ge3A_205 = arith.cmpi sge, %while3A_142, %add3A_204 : i32
          %not3A_206 = arith.constant true
          %not3A_207 = arith.xori %ge3A_205, %not3A_206 : i1
          %and3A_208 = arith.andi %or3A_200, %not3A_207 : i1
          %ne3A_209 = arith.cmpi ne, %add3A_155, %add3A_165 : i32
          %or3A_210 = arith.constant false
          %or3A_211 = arith.ori %or3A_210, %ne3A_209 : i1
          %or3A_212 = arith.ori %or3A_211, %eq3A_151 : i1
          %convert_element_type3A_213 = arith.extui %or3A_212 : i1 to i32
          %cond3A_214 = arith.constant 0 : i32
          %cond3A_215 = arith.cmpi ne, %convert_element_type3A_213, %cond3A_214 : i32
          scf.if %cond3A_215 {
            "tpu.trace_start"() <{level = 10 : i32, message = "ep_wait_in"}> : () -> ()
            %mul3A_294 = arith.constant 128 : i32
            %mul3A_295 = arith.muli %mul3A_294, %add3A_155 : i32
            %rem3A_296 = arith.constant 2 : i32
            %rem3A_297 = arith.remui %while3A_144, %rem3A_296 : i32
            %dma_wait3A = arith.constant 0 : i32
            %dma_wait3A_298 = arith.constant 0 : i32
            %dma_wait3A_299 = tpu.memref_slice %run_scoped3A[%rem3A_297, %dma_wait3A, %dma_wait3A_298] : memref<2x1x128xi32, #tpu.memory_space<vmem>> -> memref<1x1x128xi32, #tpu.memory_space<vmem>>
            %dma_wait3A_300 = tpu.memref_squeeze %dma_wait3A_299 : memref<1x1x128xi32, #tpu.memory_space<vmem>> -> memref<1x128xi32, #tpu.memory_space<vmem>>
            %dma_wait3A_301 = arith.constant 0 : i32
            %dma_wait3A_302 = tpu.memref_slice %arg3[%dma_wait3A_301, %mul3A_295] : memref<1x320000xi32, #tpu.memory_space<hbm>> -> memref<1x128xi32, #tpu.memory_space<hbm>>
            %dma_wait3A_303 = tpu.memref_slice %run_scoped3A_17[%rem3A_297] : memref<2x!tpu.dma_semaphore, #tpu.memory_space<semaphore_mem>> -> memref<1x!tpu.dma_semaphore, #tpu.memory_space<semaphore_mem>>
            %dma_wait3A_304 = tpu.memref_squeeze %dma_wait3A_303 : memref<1x!tpu.dma_semaphore, #tpu.memory_space<semaphore_mem>> -> memref<!tpu.dma_semaphore, #tpu.memory_space<semaphore_mem>>
            %dma_wait3A_305 = arith.constant 0 : i32
            %dma_wait3A_306 = arith.constant 0 : i32
            %dma_wait3A_307 = tpu.memref_slice %run_scoped3A[%rem3A_297, %dma_wait3A_305, %dma_wait3A_306] : memref<2x1x128xi32, #tpu.memory_space<vmem>> -> memref<1x1x128xi32, #tpu.memory_space<vmem>>
            %dma_wait3A_308 = tpu.memref_squeeze %dma_wait3A_307 : memref<1x1x128xi32, #tpu.memory_space<vmem>> -> memref<1x128xi32, #tpu.memory_space<vmem>>
            %dma_wait3A_309 = arith.constant 0 : i32
            %dma_wait3A_310 = tpu.memref_slice %arg3[%dma_wait3A_309, %mul3A_295] : memref<1x320000xi32, #tpu.memory_space<hbm>> -> memref<1x128xi32, #tpu.memory_space<hbm>>
            tpu.wait_dma2 semaphore(%dma_wait3A_304 : memref<!tpu.dma_semaphore, #tpu.memory_space<semaphore_mem>>) src(%dma_wait3A_310 : memref<1x128xi32, #tpu.memory_space<hbm>>) dst(%dma_wait3A_308 : memref<1x128xi32, #tpu.memory_space<vmem>>)
            "tpu.trace_stop"() : () -> ()
          } else {
          }
          %ne3A_216 = arith.cmpi ne, %add3A_155, %add3A_165 : i32
          %or3A_217 = arith.constant false
          %or3A_218 = arith.ori %or3A_217, %ne3A_216 : i1
          %or3A_219 = arith.constant false
          %or3A_220 = arith.ori %or3A_218, %or3A_219 : i1
          %or3A_221 = arith.ori %or3A_220, %eq3A_151 : i1
          %convert_element_type3A_222 = arith.extui %or3A_221 : i1 to i32
          %cond3A_223 = arith.constant 0 : i32
          %cond3A_224 = arith.cmpi ne, %convert_element_type3A_222, %cond3A_223 : i32
          scf.if %cond3A_224 {
          } else {
          }
          %rem3A_225 = arith.constant 2 : i32
          %rem3A_226 = arith.remui %while3A_144, %rem3A_225 : i32
          %rem3A_227 = arith.constant 2 : i32
          %rem3A_228 = arith.remui %while3A_145, %rem3A_227 : i32
          %run_scoped3A_229 = arith.constant 0 : i32
          "tpu.trace_start"() <{level = 10 : i32, message = "ep_run_kernel"}> : () -> ()
          "tpu.region"() ({
            %run_scoped3A_294 = tpu.sem_alloc : memref<!tpu.dma_semaphore, #tpu.memory_space<semaphore_mem>>
            %dma_start3A_295 = arith.constant 0 : i32
            %dma_start3A_296 = arith.constant 0 : i32
            %dma_start3A_297 = tpu.memref_slice %run_scoped3A_18[%rem3A_228, %dma_start3A_295, %dma_start3A_296] : memref<2x128x128xf32, #tpu.memory_space<vmem>> -> memref<1x128x128xf32, #tpu.memory_space<vmem>>
            %dma_start3A_298 = tpu.memref_squeeze %dma_start3A_297 : memref<1x128x128xf32, #tpu.memory_space<vmem>> -> memref<128x128xf32, #tpu.memory_space<vmem>>
            %dma_start3A_299 = arith.constant 0 : i32
            %dma_start3A_300 = arith.constant 0 : i32
            %dma_start3A_301 = tpu.memref_slice %run_scoped3A[%rem3A_226, %dma_start3A_299, %dma_start3A_300] : memref<2x1x128xi32, #tpu.memory_space<vmem>> -> memref<1x1x128xi32, #tpu.memory_space<vmem>>
            %dma_start3A_302 = tpu.memref_squeeze %dma_start3A_301 : memref<1x1x128xi32, #tpu.memory_space<vmem>> -> memref<1x128xi32, #tpu.memory_space<vmem>>
            %dma_start3A_303 = arith.constant 0 : i32
            %dma_start3A_304 = tpu.memref_slice %dma_start3A_302[%run_scoped3A_229, %dma_start3A_303] : memref<1x128xi32, #tpu.memory_space<vmem>> -> memref<1x128xi32, #tpu.memory_space<vmem>>
            %dma_start3A_305 = tpu.memref_squeeze %dma_start3A_304 : memref<1x128xi32, #tpu.memory_space<vmem>> -> memref<128xi32, #tpu.memory_space<vmem>>
            %dma_start3A_306 = arith.constant 0 : i32
            %dma_start3A_307 = arith.constant 0 : i32
            %dma_start3A_308 = tpu.memref_slice %arg2[%dma_start3A_306, %dma_start3A_307] : memref<10000x128xf32, #tpu.memory_space<hbm>> -> memref<10000x128xf32, #tpu.memory_space<hbm>>
            tpu.enqueue_indirect_dma source(%dma_start3A_308 : memref<10000x128xf32, #tpu.memory_space<hbm>>) target(%dma_start3A_298 : memref<128x128xf32, #tpu.memory_space<vmem>>) offsets(%dma_start3A_305 : memref<128xi32, #tpu.memory_space<vmem>>) semaphore(%run_scoped3A_294 : memref<!tpu.dma_semaphore, #tpu.memory_space<semaphore_mem>>)
            %dma_wait3A = arith.constant 0 : i32
            %dma_wait3A_309 = arith.constant 0 : i32
            %dma_wait3A_310 = tpu.memref_slice %run_scoped3A_18[%rem3A_228, %dma_wait3A, %dma_wait3A_309] : memref<2x128x128xf32, #tpu.memory_space<vmem>> -> memref<1x128x128xf32, #tpu.memory_space<vmem>>
            %dma_wait3A_311 = tpu.memref_squeeze %dma_wait3A_310 : memref<1x128x128xf32, #tpu.memory_space<vmem>> -> memref<128x128xf32, #tpu.memory_space<vmem>>
            %dma_wait3A_312 = arith.constant 0 : i32
            %dma_wait3A_313 = arith.constant 0 : i32
            %dma_wait3A_314 = tpu.memref_slice %run_scoped3A[%rem3A_226, %dma_wait3A_312, %dma_wait3A_313] : memref<2x1x128xi32, #tpu.memory_space<vmem>> -> memref<1x1x128xi32, #tpu.memory_space<vmem>>
            %dma_wait3A_315 = tpu.memref_squeeze %dma_wait3A_314 : memref<1x1x128xi32, #tpu.memory_space<vmem>> -> memref<1x128xi32, #tpu.memory_space<vmem>>
            %dma_wait3A_316 = arith.constant 0 : i32
            %dma_wait3A_317 = tpu.memref_slice %dma_wait3A_315[%run_scoped3A_229, %dma_wait3A_316] : memref<1x128xi32, #tpu.memory_space<vmem>> -> memref<1x128xi32, #tpu.memory_space<vmem>>
            %dma_wait3A_318 = tpu.memref_squeeze %dma_wait3A_317 : memref<1x128xi32, #tpu.memory_space<vmem>> -> memref<128xi32, #tpu.memory_space<vmem>>
            %dma_wait3A_319 = arith.constant 0 : i32
            %dma_wait3A_320 = arith.constant 0 : i32
            %dma_wait3A_321 = tpu.memref_slice %arg2[%dma_wait3A_319, %dma_wait3A_320] : memref<10000x128xf32, #tpu.memory_space<hbm>> -> memref<10000x128xf32, #tpu.memory_space<hbm>>
            tpu.wait_indirect_dma semaphore(%run_scoped3A_294 : memref<!tpu.dma_semaphore, #tpu.memory_space<semaphore_mem>>) src(%dma_wait3A_321 : memref<10000x128xf32, #tpu.memory_space<hbm>>) dst(%dma_wait3A_311 : memref<128x128xf32, #tpu.memory_space<vmem>>)
            tpu.yield
          }) : () -> ()
          "tpu.trace_stop"() : () -> ()
          %ne3A_230 = arith.cmpi ne, %add3A_155, %add3A_173 : i32
          %or3A_231 = arith.constant false
          %or3A_232 = arith.ori %or3A_231, %ne3A_230 : i1
          %or3A_233 = arith.ori %or3A_232, %eq3A_154 : i1
          %convert_element_type3A_234 = arith.extui %or3A_233 : i1 to i32
          %cond3A_235 = arith.constant 0 : i32
          %cond3A_236 = arith.cmpi ne, %convert_element_type3A_234, %cond3A_235 : i32
          scf.if %cond3A_236 {
          } else {
          }
          %and3A_237 = arith.constant false
          %and3A_238 = arith.andi %or3A_233, %and3A_237 : i1
          %ne3A_239 = arith.cmpi ne, %add3A_155, %add3A_173 : i32
          %or3A_240 = arith.constant false
          %or3A_241 = arith.ori %or3A_240, %ne3A_239 : i1
          %or3A_242 = arith.constant false
          %or3A_243 = arith.ori %or3A_241, %or3A_242 : i1
          %or3A_244 = arith.ori %or3A_243, %eq3A_154 : i1
          %convert_element_type3A_245 = arith.extui %or3A_244 : i1 to i32
          %cond3A_246 = arith.constant 0 : i32
          %cond3A_247 = arith.cmpi ne, %convert_element_type3A_245, %cond3A_246 : i32
          scf.if %cond3A_247 {
            "tpu.trace_start"() <{level = 10 : i32, message = "ep_copy_out"}> : () -> ()
            %rem3A_294 = arith.constant 2 : i32
            %rem3A_295 = arith.remui %while3A_145, %rem3A_294 : i32
            %mul3A_296 = arith.constant 128 : i32
            %mul3A_297 = arith.muli %mul3A_296, %add3A_155 : i32
            %dma_start3A_298 = arith.constant 0 : i32
            %dma_start3A_299 = arith.constant 0 : i32
            %dma_start3A_300 = tpu.memref_slice %run_scoped3A_18[%rem3A_295, %dma_start3A_298, %dma_start3A_299] : memref<2x128x128xf32, #tpu.memory_space<vmem>> -> memref<1x128x128xf32, #tpu.memory_space<vmem>>
            %dma_start3A_301 = tpu.memref_squeeze %dma_start3A_300 : memref<1x128x128xf32, #tpu.memory_space<vmem>> -> memref<128x128xf32, #tpu.memory_space<vmem>>
            %dma_start3A_302 = arith.constant 0 : i32
            %dma_start3A_303 = tpu.memref_slice %arg4[%mul3A_297, %dma_start3A_302] : memref<320000x128xf32, #tpu.memory_space<hbm>> -> memref<128x128xf32, #tpu.memory_space<hbm>>
            %dma_start3A_304 = tpu.memref_slice %run_scoped3A_19[%rem3A_295] : memref<2x!tpu.dma_semaphore, #tpu.memory_space<semaphore_mem>> -> memref<1x!tpu.dma_semaphore, #tpu.memory_space<semaphore_mem>>
            %dma_start3A_305 = tpu.memref_squeeze %dma_start3A_304 : memref<1x!tpu.dma_semaphore, #tpu.memory_space<semaphore_mem>> -> memref<!tpu.dma_semaphore, #tpu.memory_space<semaphore_mem>>
            %dma_start3A_306 = arith.constant 0 : i32
            %dma_start3A_307 = tpu.memref_slice %arg4[%mul3A_297, %dma_start3A_306] : memref<320000x128xf32, #tpu.memory_space<hbm>> -> memref<128x128xf32, #tpu.memory_space<hbm>>
            %dma_start3A_308 = arith.constant 0 : i32
            %dma_start3A_309 = arith.constant 0 : i32
            %dma_start3A_310 = tpu.memref_slice %run_scoped3A_18[%rem3A_295, %dma_start3A_308, %dma_start3A_309] : memref<2x128x128xf32, #tpu.memory_space<vmem>> -> memref<1x128x128xf32, #tpu.memory_space<vmem>>
            %dma_start3A_311 = tpu.memref_squeeze %dma_start3A_310 : memref<1x128x128xf32, #tpu.memory_space<vmem>> -> memref<128x128xf32, #tpu.memory_space<vmem>>
            tpu.enqueue_dma source(%dma_start3A_311 : memref<128x128xf32, #tpu.memory_space<vmem>>) target(%dma_start3A_307 : memref<128x128xf32, #tpu.memory_space<hbm>>) target_semaphore(%dma_start3A_305 : memref<!tpu.dma_semaphore, #tpu.memory_space<semaphore_mem>>)
            "tpu.trace_stop"() : () -> ()
          } else {
          }
          %and3A_248 = arith.constant true
          %and3A_249 = arith.andi %or3A_244, %and3A_248 : i1
          %add3A_250 = arith.constant 1 : i32
          %add3A_251 = arith.addi %while3A_145, %add3A_250 : i32
          %select_n3A_252 = arith.select %and3A_249, %add3A_251, %while3A_145 : i32
          %ne3A_253 = arith.cmpi ne, %add3A_155, %add3A_165 : i32
          %or3A_254 = arith.constant false
          %or3A_255 = arith.ori %or3A_254, %ne3A_253 : i1
          %not3A_256 = arith.constant true
          %not3A_257 = arith.xori %eq3A_151, %not3A_256 : i1
          %and3A_258 = arith.andi %or3A_255, %not3A_257 : i1
          %convert_element_type3A_259 = arith.extui %and3A_258 : i1 to i32
          %cond3A_260 = arith.constant 0 : i32
          %cond3A_261 = arith.cmpi ne, %convert_element_type3A_259, %cond3A_260 : i32
          scf.if %cond3A_261 {
          } else {
          }
          %and3A_262 = arith.constant false
          %and3A_263 = arith.andi %and3A_258, %and3A_262 : i1
          %ne3A_264 = arith.cmpi ne, %add3A_155, %add3A_165 : i32
          %or3A_265 = arith.constant false
          %or3A_266 = arith.ori %or3A_265, %ne3A_264 : i1
          %or3A_267 = arith.constant false
          %or3A_268 = arith.ori %or3A_266, %or3A_267 : i1
          %not3A_269 = arith.constant true
          %not3A_270 = arith.xori %eq3A_151, %not3A_269 : i1
          %and3A_271 = arith.andi %or3A_268, %not3A_270 : i1
          %convert_element_type3A_272 = arith.extui %and3A_271 : i1 to i32
          %cond3A_273 = arith.constant 0 : i32
          %cond3A_274 = arith.cmpi ne, %convert_element_type3A_272, %cond3A_273 : i32
          scf.if %cond3A_274 {
            "tpu.trace_start"() <{level = 10 : i32, message = "ep_wait_out"}> : () -> ()
            %rem3A_294 = arith.constant 2 : i32
            %rem3A_295 = arith.remui %while3A_146, %rem3A_294 : i32
            %mul3A_296 = arith.constant 128 : i32
            %mul3A_297 = arith.muli %mul3A_296, %add3A_165 : i32
            %dma_wait3A = arith.constant 0 : i32
            %dma_wait3A_298 = arith.constant 0 : i32
            %dma_wait3A_299 = tpu.memref_slice %run_scoped3A_18[%rem3A_295, %dma_wait3A, %dma_wait3A_298] : memref<2x128x128xf32, #tpu.memory_space<vmem>> -> memref<1x128x128xf32, #tpu.memory_space<vmem>>
            %dma_wait3A_300 = tpu.memref_squeeze %dma_wait3A_299 : memref<1x128x128xf32, #tpu.memory_space<vmem>> -> memref<128x128xf32, #tpu.memory_space<vmem>>
            %dma_wait3A_301 = arith.constant 0 : i32
            %dma_wait3A_302 = tpu.memref_slice %arg4[%mul3A_297, %dma_wait3A_301] : memref<320000x128xf32, #tpu.memory_space<hbm>> -> memref<128x128xf32, #tpu.memory_space<hbm>>
            %dma_wait3A_303 = tpu.memref_slice %run_scoped3A_19[%rem3A_295] : memref<2x!tpu.dma_semaphore, #tpu.memory_space<semaphore_mem>> -> memref<1x!tpu.dma_semaphore, #tpu.memory_space<semaphore_mem>>
            %dma_wait3A_304 = tpu.memref_squeeze %dma_wait3A_303 : memref<1x!tpu.dma_semaphore, #tpu.memory_space<semaphore_mem>> -> memref<!tpu.dma_semaphore, #tpu.memory_space<semaphore_mem>>
            %dma_wait3A_305 = arith.constant 0 : i32
            %dma_wait3A_306 = tpu.memref_slice %arg4[%mul3A_297, %dma_wait3A_305] : memref<320000x128xf32, #tpu.memory_space<hbm>> -> memref<128x128xf32, #tpu.memory_space<hbm>>
            %dma_wait3A_307 = arith.constant 0 : i32
            %dma_wait3A_308 = arith.constant 0 : i32
            %dma_wait3A_309 = tpu.memref_slice %run_scoped3A_18[%rem3A_295, %dma_wait3A_307, %dma_wait3A_308] : memref<2x128x128xf32, #tpu.memory_space<vmem>> -> memref<1x128x128xf32, #tpu.memory_space<vmem>>
            %dma_wait3A_310 = tpu.memref_squeeze %dma_wait3A_309 : memref<1x128x128xf32, #tpu.memory_space<vmem>> -> memref<128x128xf32, #tpu.memory_space<vmem>>
            tpu.wait_dma2 semaphore(%dma_wait3A_304 : memref<!tpu.dma_semaphore, #tpu.memory_space<semaphore_mem>>) src(%dma_wait3A_310 : memref<128x128xf32, #tpu.memory_space<vmem>>) dst(%dma_wait3A_306 : memref<128x128xf32, #tpu.memory_space<hbm>>)
            "tpu.trace_stop"() : () -> ()
          } else {
          }
          %and3A_275 = arith.constant true
          %and3A_276 = arith.andi %and3A_271, %and3A_275 : i1
          %add3A_277 = arith.constant 1 : i32
          %add3A_278 = arith.addi %while3A_146, %add3A_277 : i32
          %select_n3A_279 = arith.select %and3A_276, %add3A_278, %while3A_146 : i32
          %ne3A_280 = arith.cmpi ne, %add3A_155, %add3A_173 : i32
          %or3A_281 = arith.constant false
          %or3A_282 = arith.ori %or3A_281, %ne3A_280 : i1
          %or3A_283 = arith.ori %or3A_282, %eq3A_154 : i1
          %add3A_284 = arith.constant 1 : i32
          %add3A_285 = arith.addi %while3A_144, %add3A_284 : i32
          %select_n3A_286 = arith.select %or3A_283, %add3A_285, %while3A_144 : i32
          %add3A_287 = arith.constant 1 : i32
          %add3A_288 = arith.addi %while3A_147, %add3A_287 : i32
          %select_n3A_289 = arith.constant true
          %select_n3A_290 = arith.select %select_n3A_289, %add3A_288, %while3A_147 : i32
          %eq3A_291 = arith.cmpi eq, %select_n3A_290, %select_n3A : i32
          %select_n3A_292 = arith.constant 0 : i32
          %select_n3A_293 = arith.select %eq3A_291, %select_n3A_292, %select_n3A_290 : i32
          scf.yield %select_n3A_195, %select_n3A_286, %select_n3A_252, %select_n3A_279, %select_n3A_293 : i32, i32, i32, i32, i32
        }
        %while3A_89 = arith.constant 1 : i32
        %while3A_90:5 = scf.for %while3A_142 = %while3A_86 to %while3A_82 step %while3A_89 iter_args(%while3A_143 = %while3A_88#0, %while3A_144 = %while3A_88#1, %while3A_145 = %while3A_88#2, %while3A_146 = %while3A_88#3, %while3A_147 = %while3A_88#4) -> (i32, i32, i32, i32, i32)  : i32 {
          %mul3A_148 = arith.constant 1 : i32
          %mul3A_149 = arith.muli %mul3A_148, %select_n3A : i32
          %eq3A_150 = arith.constant 0 : i32
          %eq3A_151 = arith.cmpi eq, %while3A_142, %eq3A_150 : i32
          %sub3A_152 = arith.constant 1 : i32
          %sub3A_153 = arith.subi %mul3A_149, %sub3A_152 : i32
          %eq3A_154 = arith.cmpi eq, %while3A_142, %sub3A_153 : i32
          %add3A_155 = arith.addi %while3A_147, %select_n3A_14 : i32
          %sub3A_156 = arith.constant 1 : i32
          %sub3A_157 = arith.subi %while3A_147, %sub3A_156 : i32
          %select_n3A_158 = arith.constant true
          %select_n3A_159 = arith.select %select_n3A_158, %sub3A_157, %while3A_147 : i32
          %eq3A_160 = arith.constant -1 : i32
          %eq3A_161 = arith.cmpi eq, %select_n3A_159, %eq3A_160 : i32
          %sub3A_162 = arith.constant 1 : i32
          %sub3A_163 = arith.subi %select_n3A, %sub3A_162 : i32
          %select_n3A_164 = arith.select %eq3A_161, %sub3A_163, %select_n3A_159 : i32
          %add3A_165 = arith.addi %select_n3A_164, %select_n3A_14 : i32
          %add3A_166 = arith.constant 1 : i32
          %add3A_167 = arith.addi %while3A_147, %add3A_166 : i32
          %select_n3A_168 = arith.constant true
          %select_n3A_169 = arith.select %select_n3A_168, %add3A_167, %while3A_147 : i32
          %eq3A_170 = arith.cmpi eq, %select_n3A_169, %select_n3A : i32
          %select_n3A_171 = arith.constant 0 : i32
          %select_n3A_172 = arith.select %eq3A_170, %select_n3A_171, %select_n3A_169 : i32
          %add3A_173 = arith.addi %select_n3A_172, %select_n3A_14 : i32
          %add3A_174 = arith.constant 1 : i32
          %add3A_175 = arith.addi %select_n3A_172, %add3A_174 : i32
          %select_n3A_176 = arith.constant true
          %select_n3A_177 = arith.select %select_n3A_176, %add3A_175, %select_n3A_172 : i32
          %eq3A_178 = arith.cmpi eq, %select_n3A_177, %select_n3A : i32
          %select_n3A_179 = arith.constant 0 : i32
          %select_n3A_180 = arith.select %eq3A_178, %select_n3A_179, %select_n3A_177 : i32
          %add3A_181 = arith.addi %select_n3A_180, %select_n3A_14 : i32
          %ne3A = arith.cmpi ne, %add3A_155, %add3A_173 : i32
          %or3A = arith.constant false
          %or3A_182 = arith.ori %or3A, %ne3A : i1
          %sub3A_183 = arith.constant 2 : i32
          %sub3A_184 = arith.subi %mul3A_149, %sub3A_183 : i32
          %add3A_185 = arith.constant 1 : i32
          %add3A_186 = arith.addi %sub3A_184, %add3A_185 : i32
          %ge3A = arith.cmpi sge, %while3A_142, %add3A_186 : i32
          %not3A = arith.constant true
          %not3A_187 = arith.xori %ge3A, %not3A : i1
          %and3A = arith.andi %or3A_182, %not3A_187 : i1
          %convert_element_type3A_188 = arith.extui %and3A : i1 to i32
          %cond3A_189 = arith.constant 0 : i32
          %cond3A_190 = arith.cmpi ne, %convert_element_type3A_188, %cond3A_189 : i32
          scf.if %cond3A_190 {
            "tpu.trace_start"() <{level = 10 : i32, message = "ep_copy_in"}> : () -> ()
            %rem3A_294 = arith.constant 2 : i32
            %rem3A_295 = arith.remui %while3A_143, %rem3A_294 : i32
            %mul3A_296 = arith.constant 128 : i32
            %mul3A_297 = arith.muli %mul3A_296, %add3A_173 : i32
            %dma_start3A_298 = arith.constant 0 : i32
            %dma_start3A_299 = arith.constant 0 : i32
            %dma_start3A_300 = tpu.memref_slice %run_scoped3A[%rem3A_295, %dma_start3A_298, %dma_start3A_299] : memref<2x1x128xi32, #tpu.memory_space<vmem>> -> memref<1x1x128xi32, #tpu.memory_space<vmem>>
            %dma_start3A_301 = tpu.memref_squeeze %dma_start3A_300 : memref<1x1x128xi32, #tpu.memory_space<vmem>> -> memref<1x128xi32, #tpu.memory_space<vmem>>
            %dma_start3A_302 = arith.constant 0 : i32
            %dma_start3A_303 = tpu.memref_slice %arg3[%dma_start3A_302, %mul3A_297] : memref<1x320000xi32, #tpu.memory_space<hbm>> -> memref<1x128xi32, #tpu.memory_space<hbm>>
            %dma_start3A_304 = tpu.memref_slice %run_scoped3A_17[%rem3A_295] : memref<2x!tpu.dma_semaphore, #tpu.memory_space<semaphore_mem>> -> memref<1x!tpu.dma_semaphore, #tpu.memory_space<semaphore_mem>>
            %dma_start3A_305 = tpu.memref_squeeze %dma_start3A_304 : memref<1x!tpu.dma_semaphore, #tpu.memory_space<semaphore_mem>> -> memref<!tpu.dma_semaphore, #tpu.memory_space<semaphore_mem>>
            %dma_start3A_306 = arith.constant 0 : i32
            %dma_start3A_307 = arith.constant 0 : i32
            %dma_start3A_308 = tpu.memref_slice %run_scoped3A[%rem3A_295, %dma_start3A_306, %dma_start3A_307] : memref<2x1x128xi32, #tpu.memory_space<vmem>> -> memref<1x1x128xi32, #tpu.memory_space<vmem>>
            %dma_start3A_309 = tpu.memref_squeeze %dma_start3A_308 : memref<1x1x128xi32, #tpu.memory_space<vmem>> -> memref<1x128xi32, #tpu.memory_space<vmem>>
            %dma_start3A_310 = arith.constant 0 : i32
            %dma_start3A_311 = tpu.memref_slice %arg3[%dma_start3A_310, %mul3A_297] : memref<1x320000xi32, #tpu.memory_space<hbm>> -> memref<1x128xi32, #tpu.memory_space<hbm>>
            tpu.enqueue_dma source(%dma_start3A_311 : memref<1x128xi32, #tpu.memory_space<hbm>>) target(%dma_start3A_309 : memref<1x128xi32, #tpu.memory_space<vmem>>) target_semaphore(%dma_start3A_305 : memref<!tpu.dma_semaphore, #tpu.memory_space<semaphore_mem>>)
            "tpu.trace_stop"() : () -> ()
          } else {
          }
          %and3A_191 = arith.constant true
          %and3A_192 = arith.andi %and3A, %and3A_191 : i1
          %add3A_193 = arith.constant 1 : i32
          %add3A_194 = arith.addi %while3A_143, %add3A_193 : i32
          %select_n3A_195 = arith.select %and3A_192, %add3A_194, %while3A_143 : i32
          %ne3A_196 = arith.cmpi ne, %add3A_155, %add3A_173 : i32
          %or3A_197 = arith.constant false
          %or3A_198 = arith.ori %or3A_197, %ne3A_196 : i1
          %or3A_199 = arith.constant false
          %or3A_200 = arith.ori %or3A_198, %or3A_199 : i1
          %sub3A_201 = arith.constant 2 : i32
          %sub3A_202 = arith.subi %mul3A_149, %sub3A_201 : i32
          %add3A_203 = arith.constant 1 : i32
          %add3A_204 = arith.addi %sub3A_202, %add3A_203 : i32
          %ge3A_205 = arith.cmpi sge, %while3A_142, %add3A_204 : i32
          %not3A_206 = arith.constant true
          %not3A_207 = arith.xori %ge3A_205, %not3A_206 : i1
          %and3A_208 = arith.andi %or3A_200, %not3A_207 : i1
          %ne3A_209 = arith.cmpi ne, %add3A_155, %add3A_165 : i32
          %or3A_210 = arith.constant false
          %or3A_211 = arith.ori %or3A_210, %ne3A_209 : i1
          %or3A_212 = arith.ori %or3A_211, %eq3A_151 : i1
          %convert_element_type3A_213 = arith.extui %or3A_212 : i1 to i32
          %cond3A_214 = arith.constant 0 : i32
          %cond3A_215 = arith.cmpi ne, %convert_element_type3A_213, %cond3A_214 : i32
          scf.if %cond3A_215 {
            "tpu.trace_start"() <{level = 10 : i32, message = "ep_wait_in"}> : () -> ()
            %mul3A_294 = arith.constant 128 : i32
            %mul3A_295 = arith.muli %mul3A_294, %add3A_155 : i32
            %rem3A_296 = arith.constant 2 : i32
            %rem3A_297 = arith.remui %while3A_144, %rem3A_296 : i32
            %dma_wait3A = arith.constant 0 : i32
            %dma_wait3A_298 = arith.constant 0 : i32
            %dma_wait3A_299 = tpu.memref_slice %run_scoped3A[%rem3A_297, %dma_wait3A, %dma_wait3A_298] : memref<2x1x128xi32, #tpu.memory_space<vmem>> -> memref<1x1x128xi32, #tpu.memory_space<vmem>>
            %dma_wait3A_300 = tpu.memref_squeeze %dma_wait3A_299 : memref<1x1x128xi32, #tpu.memory_space<vmem>> -> memref<1x128xi32, #tpu.memory_space<vmem>>
            %dma_wait3A_301 = arith.constant 0 : i32
            %dma_wait3A_302 = tpu.memref_slice %arg3[%dma_wait3A_301, %mul3A_295] : memref<1x320000xi32, #tpu.memory_space<hbm>> -> memref<1x128xi32, #tpu.memory_space<hbm>>
            %dma_wait3A_303 = tpu.memref_slice %run_scoped3A_17[%rem3A_297] : memref<2x!tpu.dma_semaphore, #tpu.memory_space<semaphore_mem>> -> memref<1x!tpu.dma_semaphore, #tpu.memory_space<semaphore_mem>>
            %dma_wait3A_304 = tpu.memref_squeeze %dma_wait3A_303 : memref<1x!tpu.dma_semaphore, #tpu.memory_space<semaphore_mem>> -> memref<!tpu.dma_semaphore, #tpu.memory_space<semaphore_mem>>
            %dma_wait3A_305 = arith.constant 0 : i32
            %dma_wait3A_306 = arith.constant 0 : i32
            %dma_wait3A_307 = tpu.memref_slice %run_scoped3A[%rem3A_297, %dma_wait3A_305, %dma_wait3A_306] : memref<2x1x128xi32, #tpu.memory_space<vmem>> -> memref<1x1x128xi32, #tpu.memory_space<vmem>>
            %dma_wait3A_308 = tpu.memref_squeeze %dma_wait3A_307 : memref<1x1x128xi32, #tpu.memory_space<vmem>> -> memref<1x128xi32, #tpu.memory_space<vmem>>
            %dma_wait3A_309 = arith.constant 0 : i32
            %dma_wait3A_310 = tpu.memref_slice %arg3[%dma_wait3A_309, %mul3A_295] : memref<1x320000xi32, #tpu.memory_space<hbm>> -> memref<1x128xi32, #tpu.memory_space<hbm>>
            tpu.wait_dma2 semaphore(%dma_wait3A_304 : memref<!tpu.dma_semaphore, #tpu.memory_space<semaphore_mem>>) src(%dma_wait3A_310 : memref<1x128xi32, #tpu.memory_space<hbm>>) dst(%dma_wait3A_308 : memref<1x128xi32, #tpu.memory_space<vmem>>)
            "tpu.trace_stop"() : () -> ()
          } else {
          }
          %ne3A_216 = arith.cmpi ne, %add3A_155, %add3A_165 : i32
          %or3A_217 = arith.constant false
          %or3A_218 = arith.ori %or3A_217, %ne3A_216 : i1
          %or3A_219 = arith.constant false
          %or3A_220 = arith.ori %or3A_218, %or3A_219 : i1
          %or3A_221 = arith.ori %or3A_220, %eq3A_151 : i1
          %convert_element_type3A_222 = arith.extui %or3A_221 : i1 to i32
          %cond3A_223 = arith.constant 0 : i32
          %cond3A_224 = arith.cmpi ne, %convert_element_type3A_222, %cond3A_223 : i32
          scf.if %cond3A_224 {
          } else {
          }
          %rem3A_225 = arith.constant 2 : i32
          %rem3A_226 = arith.remui %while3A_144, %rem3A_225 : i32
          %rem3A_227 = arith.constant 2 : i32
          %rem3A_228 = arith.remui %while3A_145, %rem3A_227 : i32
          %run_scoped3A_229 = arith.constant 0 : i32
          "tpu.trace_start"() <{level = 10 : i32, message = "ep_run_kernel"}> : () -> ()
          "tpu.region"() ({
            %run_scoped3A_294 = tpu.sem_alloc : memref<!tpu.dma_semaphore, #tpu.memory_space<semaphore_mem>>
            %dma_start3A_295 = arith.constant 0 : i32
            %dma_start3A_296 = arith.constant 0 : i32
            %dma_start3A_297 = tpu.memref_slice %run_scoped3A_18[%rem3A_228, %dma_start3A_295, %dma_start3A_296] : memref<2x128x128xf32, #tpu.memory_space<vmem>> -> memref<1x128x128xf32, #tpu.memory_space<vmem>>
            %dma_start3A_298 = tpu.memref_squeeze %dma_start3A_297 : memref<1x128x128xf32, #tpu.memory_space<vmem>> -> memref<128x128xf32, #tpu.memory_space<vmem>>
            %dma_start3A_299 = arith.constant 0 : i32
            %dma_start3A_300 = arith.constant 0 : i32
            %dma_start3A_301 = tpu.memref_slice %run_scoped3A[%rem3A_226, %dma_start3A_299, %dma_start3A_300] : memref<2x1x128xi32, #tpu.memory_space<vmem>> -> memref<1x1x128xi32, #tpu.memory_space<vmem>>
            %dma_start3A_302 = tpu.memref_squeeze %dma_start3A_301 : memref<1x1x128xi32, #tpu.memory_space<vmem>> -> memref<1x128xi32, #tpu.memory_space<vmem>>
            %dma_start3A_303 = arith.constant 0 : i32
            %dma_start3A_304 = tpu.memref_slice %dma_start3A_302[%run_scoped3A_229, %dma_start3A_303] : memref<1x128xi32, #tpu.memory_space<vmem>> -> memref<1x128xi32, #tpu.memory_space<vmem>>
            %dma_start3A_305 = tpu.memref_squeeze %dma_start3A_304 : memref<1x128xi32, #tpu.memory_space<vmem>> -> memref<128xi32, #tpu.memory_space<vmem>>
            %dma_start3A_306 = arith.constant 0 : i32
            %dma_start3A_307 = arith.constant 0 : i32
            %dma_start3A_308 = tpu.memref_slice %arg2[%dma_start3A_306, %dma_start3A_307] : memref<10000x128xf32, #tpu.memory_space<hbm>> -> memref<10000x128xf32, #tpu.memory_space<hbm>>
            tpu.enqueue_indirect_dma source(%dma_start3A_308 : memref<10000x128xf32, #tpu.memory_space<hbm>>) target(%dma_start3A_298 : memref<128x128xf32, #tpu.memory_space<vmem>>) offsets(%dma_start3A_305 : memref<128xi32, #tpu.memory_space<vmem>>) semaphore(%run_scoped3A_294 : memref<!tpu.dma_semaphore, #tpu.memory_space<semaphore_mem>>)
            %dma_wait3A = arith.constant 0 : i32
            %dma_wait3A_309 = arith.constant 0 : i32
            %dma_wait3A_310 = tpu.memref_slice %run_scoped3A_18[%rem3A_228, %dma_wait3A, %dma_wait3A_309] : memref<2x128x128xf32, #tpu.memory_space<vmem>> -> memref<1x128x128xf32, #tpu.memory_space<vmem>>
            %dma_wait3A_311 = tpu.memref_squeeze %dma_wait3A_310 : memref<1x128x128xf32, #tpu.memory_space<vmem>> -> memref<128x128xf32, #tpu.memory_space<vmem>>
            %dma_wait3A_312 = arith.constant 0 : i32
            %dma_wait3A_313 = arith.constant 0 : i32
            %dma_wait3A_314 = tpu.memref_slice %run_scoped3A[%rem3A_226, %dma_wait3A_312, %dma_wait3A_313] : memref<2x1x128xi32, #tpu.memory_space<vmem>> -> memref<1x1x128xi32, #tpu.memory_space<vmem>>
            %dma_wait3A_315 = tpu.memref_squeeze %dma_wait3A_314 : memref<1x1x128xi32, #tpu.memory_space<vmem>> -> memref<1x128xi32, #tpu.memory_space<vmem>>
            %dma_wait3A_316 = arith.constant 0 : i32
            %dma_wait3A_317 = tpu.memref_slice %dma_wait3A_315[%run_scoped3A_229, %dma_wait3A_316] : memref<1x128xi32, #tpu.memory_space<vmem>> -> memref<1x128xi32, #tpu.memory_space<vmem>>
            %dma_wait3A_318 = tpu.memref_squeeze %dma_wait3A_317 : memref<1x128xi32, #tpu.memory_space<vmem>> -> memref<128xi32, #tpu.memory_space<vmem>>
            %dma_wait3A_319 = arith.constant 0 : i32
            %dma_wait3A_320 = arith.constant 0 : i32
            %dma_wait3A_321 = tpu.memref_slice %arg2[%dma_wait3A_319, %dma_wait3A_320] : memref<10000x128xf32, #tpu.memory_space<hbm>> -> memref<10000x128xf32, #tpu.memory_space<hbm>>
            tpu.wait_indirect_dma semaphore(%run_scoped3A_294 : memref<!tpu.dma_semaphore, #tpu.memory_space<semaphore_mem>>) src(%dma_wait3A_321 : memref<10000x128xf32, #tpu.memory_space<hbm>>) dst(%dma_wait3A_311 : memref<128x128xf32, #tpu.memory_space<vmem>>)
            tpu.yield
          }) : () -> ()
          "tpu.trace_stop"() : () -> ()
          %ne3A_230 = arith.cmpi ne, %add3A_155, %add3A_173 : i32
          %or3A_231 = arith.constant false
          %or3A_232 = arith.ori %or3A_231, %ne3A_230 : i1
          %or3A_233 = arith.ori %or3A_232, %eq3A_154 : i1
          %convert_element_type3A_234 = arith.extui %or3A_233 : i1 to i32
          %cond3A_235 = arith.constant 0 : i32
          %cond3A_236 = arith.cmpi ne, %convert_element_type3A_234, %cond3A_235 : i32
          scf.if %cond3A_236 {
          } else {
          }
          %and3A_237 = arith.constant false
          %and3A_238 = arith.andi %or3A_233, %and3A_237 : i1
          %ne3A_239 = arith.cmpi ne, %add3A_155, %add3A_173 : i32
          %or3A_240 = arith.constant false
          %or3A_241 = arith.ori %or3A_240, %ne3A_239 : i1
          %or3A_242 = arith.constant false
          %or3A_243 = arith.ori %or3A_241, %or3A_242 : i1
          %or3A_244 = arith.ori %or3A_243, %eq3A_154 : i1
          %convert_element_type3A_245 = arith.extui %or3A_244 : i1 to i32
          %cond3A_246 = arith.constant 0 : i32
          %cond3A_247 = arith.cmpi ne, %convert_element_type3A_245, %cond3A_246 : i32
          scf.if %cond3A_247 {
            "tpu.trace_start"() <{level = 10 : i32, message = "ep_copy_out"}> : () -> ()
            %rem3A_294 = arith.constant 2 : i32
            %rem3A_295 = arith.remui %while3A_145, %rem3A_294 : i32
            %mul3A_296 = arith.constant 128 : i32
            %mul3A_297 = arith.muli %mul3A_296, %add3A_155 : i32
            %dma_start3A_298 = arith.constant 0 : i32
            %dma_start3A_299 = arith.constant 0 : i32
            %dma_start3A_300 = tpu.memref_slice %run_scoped3A_18[%rem3A_295, %dma_start3A_298, %dma_start3A_299] : memref<2x128x128xf32, #tpu.memory_space<vmem>> -> memref<1x128x128xf32, #tpu.memory_space<vmem>>
            %dma_start3A_301 = tpu.memref_squeeze %dma_start3A_300 : memref<1x128x128xf32, #tpu.memory_space<vmem>> -> memref<128x128xf32, #tpu.memory_space<vmem>>
            %dma_start3A_302 = arith.constant 0 : i32
            %dma_start3A_303 = tpu.memref_slice %arg4[%mul3A_297, %dma_start3A_302] : memref<320000x128xf32, #tpu.memory_space<hbm>> -> memref<128x128xf32, #tpu.memory_space<hbm>>
            %dma_start3A_304 = tpu.memref_slice %run_scoped3A_19[%rem3A_295] : memref<2x!tpu.dma_semaphore, #tpu.memory_space<semaphore_mem>> -> memref<1x!tpu.dma_semaphore, #tpu.memory_space<semaphore_mem>>
            %dma_start3A_305 = tpu.memref_squeeze %dma_start3A_304 : memref<1x!tpu.dma_semaphore, #tpu.memory_space<semaphore_mem>> -> memref<!tpu.dma_semaphore, #tpu.memory_space<semaphore_mem>>
            %dma_start3A_306 = arith.constant 0 : i32
            %dma_start3A_307 = tpu.memref_slice %arg4[%mul3A_297, %dma_start3A_306] : memref<320000x128xf32, #tpu.memory_space<hbm>> -> memref<128x128xf32, #tpu.memory_space<hbm>>
            %dma_start3A_308 = arith.constant 0 : i32
            %dma_start3A_309 = arith.constant 0 : i32
            %dma_start3A_310 = tpu.memref_slice %run_scoped3A_18[%rem3A_295, %dma_start3A_308, %dma_start3A_309] : memref<2x128x128xf32, #tpu.memory_space<vmem>> -> memref<1x128x128xf32, #tpu.memory_space<vmem>>
            %dma_start3A_311 = tpu.memref_squeeze %dma_start3A_310 : memref<1x128x128xf32, #tpu.memory_space<vmem>> -> memref<128x128xf32, #tpu.memory_space<vmem>>
            tpu.enqueue_dma source(%dma_start3A_311 : memref<128x128xf32, #tpu.memory_space<vmem>>) target(%dma_start3A_307 : memref<128x128xf32, #tpu.memory_space<hbm>>) target_semaphore(%dma_start3A_305 : memref<!tpu.dma_semaphore, #tpu.memory_space<semaphore_mem>>)
            "tpu.trace_stop"() : () -> ()
          } else {
          }
          %and3A_248 = arith.constant true
          %and3A_249 = arith.andi %or3A_244, %and3A_248 : i1
          %add3A_250 = arith.constant 1 : i32
          %add3A_251 = arith.addi %while3A_145, %add3A_250 : i32
          %select_n3A_252 = arith.select %and3A_249, %add3A_251, %while3A_145 : i32
          %ne3A_253 = arith.cmpi ne, %add3A_155, %add3A_165 : i32
          %or3A_254 = arith.constant false
          %or3A_255 = arith.ori %or3A_254, %ne3A_253 : i1
          %not3A_256 = arith.constant true
          %not3A_257 = arith.xori %eq3A_151, %not3A_256 : i1
          %and3A_258 = arith.andi %or3A_255, %not3A_257 : i1
          %convert_element_type3A_259 = arith.extui %and3A_258 : i1 to i32
          %cond3A_260 = arith.constant 0 : i32
          %cond3A_261 = arith.cmpi ne, %convert_element_type3A_259, %cond3A_260 : i32
          scf.if %cond3A_261 {
          } else {
          }
          %and3A_262 = arith.constant false
          %and3A_263 = arith.andi %and3A_258, %and3A_262 : i1
          %ne3A_264 = arith.cmpi ne, %add3A_155, %add3A_165 : i32
          %or3A_265 = arith.constant false
          %or3A_266 = arith.ori %or3A_265, %ne3A_264 : i1
          %or3A_267 = arith.constant false
          %or3A_268 = arith.ori %or3A_266, %or3A_267 : i1
          %not3A_269 = arith.constant true
          %not3A_270 = arith.xori %eq3A_151, %not3A_269 : i1
          %and3A_271 = arith.andi %or3A_268, %not3A_270 : i1
          %convert_element_type3A_272 = arith.extui %and3A_271 : i1 to i32
          %cond3A_273 = arith.constant 0 : i32
          %cond3A_274 = arith.cmpi ne, %convert_element_type3A_272, %cond3A_273 : i32
          scf.if %cond3A_274 {
            "tpu.trace_start"() <{level = 10 : i32, message = "ep_wait_out"}> : () -> ()
            %rem3A_294 = arith.constant 2 : i32
            %rem3A_295 = arith.remui %while3A_146, %rem3A_294 : i32
            %mul3A_296 = arith.constant 128 : i32
            %mul3A_297 = arith.muli %mul3A_296, %add3A_165 : i32
            %dma_wait3A = arith.constant 0 : i32
            %dma_wait3A_298 = arith.constant 0 : i32
            %dma_wait3A_299 = tpu.memref_slice %run_scoped3A_18[%rem3A_295, %dma_wait3A, %dma_wait3A_298] : memref<2x128x128xf32, #tpu.memory_space<vmem>> -> memref<1x128x128xf32, #tpu.memory_space<vmem>>
            %dma_wait3A_300 = tpu.memref_squeeze %dma_wait3A_299 : memref<1x128x128xf32, #tpu.memory_space<vmem>> -> memref<128x128xf32, #tpu.memory_space<vmem>>
            %dma_wait3A_301 = arith.constant 0 : i32
            %dma_wait3A_302 = tpu.memref_slice %arg4[%mul3A_297, %dma_wait3A_301] : memref<320000x128xf32, #tpu.memory_space<hbm>> -> memref<128x128xf32, #tpu.memory_space<hbm>>
            %dma_wait3A_303 = tpu.memref_slice %run_scoped3A_19[%rem3A_295] : memref<2x!tpu.dma_semaphore, #tpu.memory_space<semaphore_mem>> -> memref<1x!tpu.dma_semaphore, #tpu.memory_space<semaphore_mem>>
            %dma_wait3A_304 = tpu.memref_squeeze %dma_wait3A_303 : memref<1x!tpu.dma_semaphore, #tpu.memory_space<semaphore_mem>> -> memref<!tpu.dma_semaphore, #tpu.memory_space<semaphore_mem>>
            %dma_wait3A_305 = arith.constant 0 : i32
            %dma_wait3A_306 = tpu.memref_slice %arg4[%mul3A_297, %dma_wait3A_305] : memref<320000x128xf32, #tpu.memory_space<hbm>> -> memref<128x128xf32, #tpu.memory_space<hbm>>
            %dma_wait3A_307 = arith.constant 0 : i32
            %dma_wait3A_308 = arith.constant 0 : i32
            %dma_wait3A_309 = tpu.memref_slice %run_scoped3A_18[%rem3A_295, %dma_wait3A_307, %dma_wait3A_308] : memref<2x128x128xf32, #tpu.memory_space<vmem>> -> memref<1x128x128xf32, #tpu.memory_space<vmem>>
            %dma_wait3A_310 = tpu.memref_squeeze %dma_wait3A_309 : memref<1x128x128xf32, #tpu.memory_space<vmem>> -> memref<128x128xf32, #tpu.memory_space<vmem>>
            tpu.wait_dma2 semaphore(%dma_wait3A_304 : memref<!tpu.dma_semaphore, #tpu.memory_space<semaphore_mem>>) src(%dma_wait3A_310 : memref<128x128xf32, #tpu.memory_space<vmem>>) dst(%dma_wait3A_306 : memref<128x128xf32, #tpu.memory_space<hbm>>)
            "tpu.trace_stop"() : () -> ()
          } else {
          }
          %and3A_275 = arith.constant true
          %and3A_276 = arith.andi %and3A_271, %and3A_275 : i1
          %add3A_277 = arith.constant 1 : i32
          %add3A_278 = arith.addi %while3A_146, %add3A_277 : i32
          %select_n3A_279 = arith.select %and3A_276, %add3A_278, %while3A_146 : i32
          %ne3A_280 = arith.cmpi ne, %add3A_155, %add3A_173 : i32
          %or3A_281 = arith.constant false
          %or3A_282 = arith.ori %or3A_281, %ne3A_280 : i1
          %or3A_283 = arith.ori %or3A_282, %eq3A_154 : i1
          %add3A_284 = arith.constant 1 : i32
          %add3A_285 = arith.addi %while3A_144, %add3A_284 : i32
          %select_n3A_286 = arith.select %or3A_283, %add3A_285, %while3A_144 : i32
          %add3A_287 = arith.constant 1 : i32
          %add3A_288 = arith.addi %while3A_147, %add3A_287 : i32
          %select_n3A_289 = arith.constant true
          %select_n3A_290 = arith.select %select_n3A_289, %add3A_288, %while3A_147 : i32
          %eq3A_291 = arith.cmpi eq, %select_n3A_290, %select_n3A : i32
          %select_n3A_292 = arith.constant 0 : i32
          %select_n3A_293 = arith.select %eq3A_291, %select_n3A_292, %select_n3A_290 : i32
          scf.yield %select_n3A_195, %select_n3A_286, %select_n3A_252, %select_n3A_279, %select_n3A_293 : i32, i32, i32, i32, i32
        }
        %sub3A_91 = arith.constant 1 : i32
        %sub3A_92 = arith.subi %while3A_90#4, %sub3A_91 : i32
        %select_n3A_93 = arith.constant true
        %select_n3A_94 = arith.select %select_n3A_93, %sub3A_92, %while3A_90#4 : i32
        %eq3A_95 = arith.constant -1 : i32
        %eq3A_96 = arith.cmpi eq, %select_n3A_94, %eq3A_95 : i32
        %sub3A_97 = arith.constant 1 : i32
        %sub3A_98 = arith.subi %select_n3A, %sub3A_97 : i32
        %select_n3A_99 = arith.select %eq3A_96, %sub3A_98, %select_n3A_94 : i32
        %sub3A_100 = arith.constant 1 : i32
        %sub3A_101 = arith.subi %mul3A_16, %sub3A_100 : i32
        %mul3A_102 = arith.constant 1 : i32
        %mul3A_103 = arith.muli %mul3A_102, %select_n3A : i32
        %eq3A_104 = arith.constant 0 : i32
        %eq3A_105 = arith.cmpi eq, %sub3A_101, %eq3A_104 : i32
        %sub3A_106 = arith.constant 1 : i32
        %sub3A_107 = arith.subi %mul3A_103, %sub3A_106 : i32
        %eq3A_108 = arith.cmpi eq, %sub3A_101, %sub3A_107 : i32
        %add3A_109 = arith.addi %select_n3A_99, %select_n3A_14 : i32
        %sub3A_110 = arith.constant 1 : i32
        %sub3A_111 = arith.subi %select_n3A_99, %sub3A_110 : i32
        %select_n3A_112 = arith.constant true
        %select_n3A_113 = arith.select %select_n3A_112, %sub3A_111, %select_n3A_99 : i32
        %eq3A_114 = arith.constant -1 : i32
        %eq3A_115 = arith.cmpi eq, %select_n3A_113, %eq3A_114 : i32
        %sub3A_116 = arith.constant 1 : i32
        %sub3A_117 = arith.subi %select_n3A, %sub3A_116 : i32
        %select_n3A_118 = arith.select %eq3A_115, %sub3A_117, %select_n3A_113 : i32
        %add3A_119 = arith.addi %select_n3A_118, %select_n3A_14 : i32
        %add3A_120 = arith.constant 1 : i32
        %add3A_121 = arith.addi %select_n3A_99, %add3A_120 : i32
        %select_n3A_122 = arith.constant true
        %select_n3A_123 = arith.select %select_n3A_122, %add3A_121, %select_n3A_99 : i32
        %eq3A_124 = arith.cmpi eq, %select_n3A_123, %select_n3A : i32
        %select_n3A_125 = arith.constant 0 : i32
        %select_n3A_126 = arith.select %eq3A_124, %select_n3A_125, %select_n3A_123 : i32
        %add3A_127 = arith.addi %select_n3A_126, %select_n3A_14 : i32
        %add3A_128 = arith.constant 1 : i32
        %add3A_129 = arith.addi %select_n3A_126, %add3A_128 : i32
        %select_n3A_130 = arith.constant true
        %select_n3A_131 = arith.select %select_n3A_130, %add3A_129, %select_n3A_126 : i32
        %eq3A_132 = arith.cmpi eq, %select_n3A_131, %select_n3A : i32
        %select_n3A_133 = arith.constant 0 : i32
        %select_n3A_134 = arith.select %eq3A_132, %select_n3A_133, %select_n3A_131 : i32
        %add3A_135 = arith.addi %select_n3A_134, %select_n3A_14 : i32
        %convert_element_type3A_136 = arith.extui %eq3A_108 : i1 to i32
        %cond3A_137 = arith.constant 0 : i32
        %cond3A_138 = arith.cmpi ne, %convert_element_type3A_136, %cond3A_137 : i32
        scf.if %cond3A_138 {
        } else {
        }
        %convert_element_type3A_139 = arith.extui %eq3A_108 : i1 to i32
        %cond3A_140 = arith.constant 0 : i32
        %cond3A_141 = arith.cmpi ne, %convert_element_type3A_139, %cond3A_140 : i32
        scf.if %cond3A_141 {
          "tpu.trace_start"() <{level = 10 : i32, message = "ep_finalize"}> : () -> ()
          %rem3A_142 = arith.constant 2 : i32
          %rem3A_143 = arith.remui %while3A_90#3, %rem3A_142 : i32
          %mul3A_144 = arith.constant 128 : i32
          %mul3A_145 = arith.muli %mul3A_144, %add3A_109 : i32
          %dma_wait3A = arith.constant 0 : i32
          %dma_wait3A_146 = arith.constant 0 : i32
          %dma_wait3A_147 = tpu.memref_slice %run_scoped3A_18[%rem3A_143, %dma_wait3A, %dma_wait3A_146] : memref<2x128x128xf32, #tpu.memory_space<vmem>> -> memref<1x128x128xf32, #tpu.memory_space<vmem>>
          %dma_wait3A_148 = tpu.memref_squeeze %dma_wait3A_147 : memref<1x128x128xf32, #tpu.memory_space<vmem>> -> memref<128x128xf32, #tpu.memory_space<vmem>>
          %dma_wait3A_149 = arith.constant 0 : i32
          %dma_wait3A_150 = tpu.memref_slice %arg4[%mul3A_145, %dma_wait3A_149] : memref<320000x128xf32, #tpu.memory_space<hbm>> -> memref<128x128xf32, #tpu.memory_space<hbm>>
          %dma_wait3A_151 = tpu.memref_slice %run_scoped3A_19[%rem3A_143] : memref<2x!tpu.dma_semaphore, #tpu.memory_space<semaphore_mem>> -> memref<1x!tpu.dma_semaphore, #tpu.memory_space<semaphore_mem>>
          %dma_wait3A_152 = tpu.memref_squeeze %dma_wait3A_151 : memref<1x!tpu.dma_semaphore, #tpu.memory_space<semaphore_mem>> -> memref<!tpu.dma_semaphore, #tpu.memory_space<semaphore_mem>>
          %dma_wait3A_153 = arith.constant 0 : i32
          %dma_wait3A_154 = tpu.memref_slice %arg4[%mul3A_145, %dma_wait3A_153] : memref<320000x128xf32, #tpu.memory_space<hbm>> -> memref<128x128xf32, #tpu.memory_space<hbm>>
          %dma_wait3A_155 = arith.constant 0 : i32
          %dma_wait3A_156 = arith.constant 0 : i32
          %dma_wait3A_157 = tpu.memref_slice %run_scoped3A_18[%rem3A_143, %dma_wait3A_155, %dma_wait3A_156] : memref<2x128x128xf32, #tpu.memory_space<vmem>> -> memref<1x128x128xf32, #tpu.memory_space<vmem>>
          %dma_wait3A_158 = tpu.memref_squeeze %dma_wait3A_157 : memref<1x128x128xf32, #tpu.memory_space<vmem>> -> memref<128x128xf32, #tpu.memory_space<vmem>>
          tpu.wait_dma2 semaphore(%dma_wait3A_152 : memref<!tpu.dma_semaphore, #tpu.memory_space<semaphore_mem>>) src(%dma_wait3A_158 : memref<128x128xf32, #tpu.memory_space<vmem>>) dst(%dma_wait3A_154 : memref<128x128xf32, #tpu.memory_space<hbm>>)
          "tpu.trace_stop"() : () -> ()
        } else {
        }
      } else {
      }
      tpu.yield
    }) : () -> ()
    return
  }
}

module attributes {stable_mosaic.version = 14 : i64} {
  func.func @_proj_body(%arg0: i32, %arg1: memref<400x128xf32, #tpu.memory_space<vmem>>, %arg2: memref<1x128xf32, #tpu.memory_space<vmem>>, %arg3: memref<1x128xf32, #tpu.memory_space<vmem>>, %arg4: memref<128x128xf32, #tpu.memory_space<vmem>>, %arg5: memref<1x128xf32, #tpu.memory_space<vmem>>, %arg6: memref<128x128xf32, #tpu.memory_space<vmem>>, %arg7: memref<1x128xf32, #tpu.memory_space<vmem>>, %arg8: memref<400x128xf32, #tpu.memory_space<vmem>>, %arg9: memref<400x128xf32, #tpu.memory_space<vmem>>) attributes {dimension_semantics = [#tpu.dimension_semantics<parallel>], iteration_bounds = array<i64: 25>, scalar_prefetch = 0 : i64, scratch_operands = 0 : i64, tpu.core_type = #tpu.core_type<tc>, window_params = [{transform_indices = @transform_0, window_bounds = array<i64: 400, 128>}, {pipeline_mode = #tpu.pipeline_mode<synchronous>, transform_indices = @transform_1, window_bounds = array<i64: 1, 128>}, {pipeline_mode = #tpu.pipeline_mode<synchronous>, transform_indices = @transform_2, window_bounds = array<i64: 1, 128>}, {pipeline_mode = #tpu.pipeline_mode<synchronous>, transform_indices = @transform_3, window_bounds = array<i64: 128, 128>}, {pipeline_mode = #tpu.pipeline_mode<synchronous>, transform_indices = @transform_4, window_bounds = array<i64: 1, 128>}, {pipeline_mode = #tpu.pipeline_mode<synchronous>, transform_indices = @transform_5, window_bounds = array<i64: 128, 128>}, {pipeline_mode = #tpu.pipeline_mode<synchronous>, transform_indices = @transform_6, window_bounds = array<i64: 1, 128>}, {transform_indices = @transform_7, window_bounds = array<i64: 400, 128>}, {transform_indices = @transform_8, window_bounds = array<i64: 400, 128>}]} {
    %get3A = arith.constant 0 : index
    %get3A_0 = arith.constant 0 : index
    %get3A_1 = vector.load %arg1[%get3A, %get3A_0] : memref<400x128xf32, #tpu.memory_space<vmem>>, vector<400x128xf32>
    %reduce_sum3A = arith.constant dense<0.000000e+00> : vector<400xf32>
    %reduce_sum3A_2 = vector.multi_reduction <add>, %get3A_1, %reduce_sum3A [1] : vector<400x128xf32> to vector<400xf32>
    %broadcast_in_dim3A = vector.shape_cast %reduce_sum3A_2 : vector<400xf32> to vector<400x1xf32>
    %div3A = arith.constant 1.280000e+02 : f32
    %div3A_3 = vector.broadcast %div3A : f32 to vector<400x1xf32>
    %div3A_4 = arith.divf %broadcast_in_dim3A, %div3A_3 : vector<400x1xf32>
    %sub3A = vector.broadcast %div3A_4 : vector<400x1xf32> to vector<400x128xf32>
    %sub3A_5 = arith.subf %get3A_1, %sub3A : vector<400x128xf32>
    %integer_pow3A = arith.mulf %sub3A_5, %sub3A_5 : vector<400x128xf32>
    %reduce_sum3A_6 = arith.constant dense<0.000000e+00> : vector<400xf32>
    %reduce_sum3A_7 = vector.multi_reduction <add>, %integer_pow3A, %reduce_sum3A_6 [1] : vector<400x128xf32> to vector<400xf32>
    %broadcast_in_dim3A_8 = vector.shape_cast %reduce_sum3A_7 : vector<400xf32> to vector<400x1xf32>
    %div3A_9 = arith.constant 1.280000e+02 : f32
    %div3A_10 = vector.broadcast %div3A_9 : f32 to vector<400x1xf32>
    %div3A_11 = arith.divf %broadcast_in_dim3A_8, %div3A_10 : vector<400x1xf32>
    %sub3A_12 = vector.broadcast %div3A_4 : vector<400x1xf32> to vector<400x128xf32>
    %sub3A_13 = arith.subf %get3A_1, %sub3A_12 : vector<400x128xf32>
    %add3A = arith.constant 9.99999997E-7 : f32
    %add3A_14 = vector.broadcast %add3A : f32 to vector<400x1xf32>
    %add3A_15 = arith.addf %div3A_11, %add3A_14 : vector<400x1xf32>
    %rsqrt3A = math.rsqrt %add3A_15 : vector<400x1xf32>
    %mul3A = vector.broadcast %rsqrt3A : vector<400x1xf32> to vector<400x128xf32>
    %mul3A_16 = arith.mulf %sub3A_13, %mul3A : vector<400x128xf32>
    %get3A_17 = arith.constant 0 : index
    %get3A_18 = arith.constant 0 : index
    %get3A_19 = vector.load %arg2[%get3A_17, %get3A_18] : memref<1x128xf32, #tpu.memory_space<vmem>>, vector<1x128xf32>
    %mul3A_20 = vector.broadcast %get3A_19 : vector<1x128xf32> to vector<400x128xf32>
    %mul3A_21 = arith.mulf %mul3A_16, %mul3A_20 : vector<400x128xf32>
    %get3A_22 = arith.constant 0 : index
    %get3A_23 = arith.constant 0 : index
    %get3A_24 = vector.load %arg3[%get3A_22, %get3A_23] : memref<1x128xf32, #tpu.memory_space<vmem>>, vector<1x128xf32>
    %add3A_25 = vector.broadcast %get3A_24 : vector<1x128xf32> to vector<400x128xf32>
    %add3A_26 = arith.addf %mul3A_21, %add3A_25 : vector<400x128xf32>
    %get3A_27 = arith.constant 0 : index
    %get3A_28 = arith.constant 0 : index
    %get3A_29 = vector.load %arg4[%get3A_27, %get3A_28] : memref<128x128xf32, #tpu.memory_space<vmem>>, vector<128x128xf32>
    %dot_general3A = arith.constant dense<0.000000e+00> : vector<400x128xf32>
    %dot_general3A_30 = tpu.matmul %add3A_26, %get3A_29, %dot_general3A {dimension_numbers = #tpu.dot_dimension_numbers<[1], [0], [0], [1], [0, 0, 1, 1], [], []>, transpose_lhs_hint = false} : vector<400x128xf32>, vector<128x128xf32>, vector<400x128xf32> -> vector<400x128xf32>
    %get3A_31 = arith.constant 0 : index
    %get3A_32 = arith.constant 0 : index
    %get3A_33 = vector.load %arg5[%get3A_31, %get3A_32] : memref<1x128xf32, #tpu.memory_space<vmem>>, vector<1x128xf32>
    %add3A_34 = vector.broadcast %get3A_33 : vector<1x128xf32> to vector<400x128xf32>
    %add3A_35 = arith.addf %dot_general3A_30, %add3A_34 : vector<400x128xf32>
    %swap3A = arith.constant 0 : index
    %swap3A_36 = arith.constant 0 : index
    %swap3A_37 = vector.load %arg8[%swap3A, %swap3A_36] : memref<400x128xf32, #tpu.memory_space<vmem>>, vector<400x128xf32>
    tpu.vector_store %arg8[%swap3A, %swap3A_36], %add3A_35 {strides = array<i32>} : memref<400x128xf32, #tpu.memory_space<vmem>>, vector<400x128xf32>,
    %get3A_38 = arith.constant 0 : index
    %get3A_39 = arith.constant 0 : index
    %get3A_40 = vector.load %arg6[%get3A_38, %get3A_39] : memref<128x128xf32, #tpu.memory_space<vmem>>, vector<128x128xf32>
    %dot_general3A_41 = arith.constant dense<0.000000e+00> : vector<400x128xf32>
    %dot_general3A_42 = tpu.matmul %add3A_26, %get3A_40, %dot_general3A_41 {dimension_numbers = #tpu.dot_dimension_numbers<[1], [0], [0], [1], [0, 0, 1, 1], [], []>, transpose_lhs_hint = false} : vector<400x128xf32>, vector<128x128xf32>, vector<400x128xf32> -> vector<400x128xf32>
    %get3A_43 = arith.constant 0 : index
    %get3A_44 = arith.constant 0 : index
    %get3A_45 = vector.load %arg7[%get3A_43, %get3A_44] : memref<1x128xf32, #tpu.memory_space<vmem>>, vector<1x128xf32>
    %add3A_46 = vector.broadcast %get3A_45 : vector<1x128xf32> to vector<400x128xf32>
    %add3A_47 = arith.addf %dot_general3A_42, %add3A_46 : vector<400x128xf32>
    %swap3A_48 = arith.constant 0 : index
    %swap3A_49 = arith.constant 0 : index
    %swap3A_50 = vector.load %arg9[%swap3A_48, %swap3A_49] : memref<400x128xf32, #tpu.memory_space<vmem>>, vector<400x128xf32>
    tpu.vector_store %arg9[%swap3A_48, %swap3A_49], %add3A_47 {strides = array<i32>} : memref<400x128xf32, #tpu.memory_space<vmem>>, vector<400x128xf32>,
    return
  }
  func.func @transform_0(%arg0: i32) -> (i32, i32) {
    %c0_i32 = arith.constant 0 : i32
    %c0_i32_0 = arith.constant 0 : i32
    return %arg0, %c0_i32 : i32, i32
  }
  func.func @transform_1(%arg0: i32) -> (i32, i32) {
    %c0_i32 = arith.constant 0 : i32
    %c0_i32_0 = arith.constant 0 : i32
    %c0_i32_1 = arith.constant 0 : i32
    return %c0_i32, %c0_i32_0 : i32, i32
  }
  func.func @transform_2(%arg0: i32) -> (i32, i32) {
    %c0_i32 = arith.constant 0 : i32
    %c0_i32_0 = arith.constant 0 : i32
    %c0_i32_1 = arith.constant 0 : i32
    return %c0_i32, %c0_i32_0 : i32, i32
  }
  func.func @transform_3(%arg0: i32) -> (i32, i32) {
    %c0_i32 = arith.constant 0 : i32
    %c0_i32_0 = arith.constant 0 : i32
    %c0_i32_1 = arith.constant 0 : i32
    return %c0_i32, %c0_i32_0 : i32, i32
  }
  func.func @transform_4(%arg0: i32) -> (i32, i32) {
    %c0_i32 = arith.constant 0 : i32
    %c0_i32_0 = arith.constant 0 : i32
    %c0_i32_1 = arith.constant 0 : i32
    return %c0_i32, %c0_i32_0 : i32, i32
  }
  func.func @transform_5(%arg0: i32) -> (i32, i32) {
    %c0_i32 = arith.constant 0 : i32
    %c0_i32_0 = arith.constant 0 : i32
    %c0_i32_1 = arith.constant 0 : i32
    return %c0_i32, %c0_i32_0 : i32, i32
  }
  func.func @transform_6(%arg0: i32) -> (i32, i32) {
    %c0_i32 = arith.constant 0 : i32
    %c0_i32_0 = arith.constant 0 : i32
    %c0_i32_1 = arith.constant 0 : i32
    return %c0_i32, %c0_i32_0 : i32, i32
  }
  func.func @transform_7(%arg0: i32) -> (i32, i32) {
    %c0_i32 = arith.constant 0 : i32
    %c0_i32_0 = arith.constant 0 : i32
    return %arg0, %c0_i32 : i32, i32
  }
  func.func @transform_8(%arg0: i32) -> (i32, i32) {
    %c0_i32 = arith.constant 0 : i32
    %c0_i32_0 = arith.constant 0 : i32
    return %arg0, %c0_i32 : i32, i32
  }
}

module attributes {stable_mosaic.version = 14 : i64} {
  func.func @_inter_body(%arg0: i32, %arg1: memref<200x128xf32, #tpu.memory_space<vmem>>, %arg2: memref<200x128xf32, #tpu.memory_space<vmem>>, %arg3: memref<200x32x128xf32, #tpu.memory_space<vmem>>, %arg4: memref<200x32x16xf32, #tpu.memory_space<vmem>>, %arg5: memref<16x128xbf16, #tpu.memory_space<vmem>>, %arg6: memref<1x128xf32, #tpu.memory_space<vmem>>, %arg7: memref<128x256xbf16, #tpu.memory_space<vmem>>, %arg8: memref<1x256xf32, #tpu.memory_space<vmem>>, %arg9: memref<200x128xf32, #tpu.memory_space<vmem>>) attributes {dimension_semantics = [#tpu.dimension_semantics<parallel>], iteration_bounds = array<i64: 50>, scalar_prefetch = 0 : i64, scratch_operands = 0 : i64, tpu.core_type = #tpu.core_type<tc>, window_params = [{transform_indices = @transform_0, window_bounds = array<i64: 200, 128>}, {transform_indices = @transform_1, window_bounds = array<i64: 200, 128>}, {transform_indices = @transform_2, window_bounds = array<i64: 200, 32, 128>}, {transform_indices = @transform_3, window_bounds = array<i64: 200, 32, 16>}, {pipeline_mode = #tpu.pipeline_mode<synchronous>, transform_indices = @transform_4, window_bounds = array<i64: 16, 128>}, {pipeline_mode = #tpu.pipeline_mode<synchronous>, transform_indices = @transform_5, window_bounds = array<i64: 1, 128>}, {pipeline_mode = #tpu.pipeline_mode<synchronous>, transform_indices = @transform_6, window_bounds = array<i64: 128, 256>}, {pipeline_mode = #tpu.pipeline_mode<synchronous>, transform_indices = @transform_7, window_bounds = array<i64: 1, 256>}, {transform_indices = @transform_8, window_bounds = array<i64: 200, 128>}]} {
    %get3A = arith.constant 0 : index
    %get3A_0 = arith.constant 0 : index
    %get3A_1 = vector.load %arg2[%get3A, %get3A_0] : memref<200x128xf32, #tpu.memory_space<vmem>>, vector<200x128xf32>
    %broadcast_in_dim3A = arith.constant 0.000000e+00 : f32
    %broadcast_in_dim3A_2 = vector.broadcast %broadcast_in_dim3A : f32 to vector<200x128xf32>
    %get3A_3 = arith.constant 0 : index
    %get3A_4 = arith.constant 0 : index
    %get3A_5 = arith.constant 0 : index
    %get3A_6 = vector.load %arg4[%get3A_3, %get3A_4, %get3A_5] : memref<200x32x16xf32, #tpu.memory_space<vmem>>, vector<200x1x16xf32>
    %get3A_7 = vector.shape_cast %get3A_6 : vector<200x1x16xf32> to vector<200x16xf32>
    %convert_element_type3A = arith.truncf %get3A_7 : vector<200x16xf32> to vector<200x16xbf16>
    %get3A_8 = arith.constant 0 : index
    %get3A_9 = arith.constant 0 : index
    %get3A_10 = vector.load %arg5[%get3A_8, %get3A_9] : memref<16x128xbf16, #tpu.memory_space<vmem>>, vector<16x128xbf16>
    %dot_general3A = arith.constant dense<0.000000e+00> : vector<200x128xf32>
    %dot_general3A_11 = tpu.matmul %convert_element_type3A, %get3A_10, %dot_general3A {dimension_numbers = #tpu.dot_dimension_numbers<[1], [0], [0], [1], [0, 0, 1, 1], [], []>, transpose_lhs_hint = false} : vector<200x16xbf16>, vector<16x128xbf16>, vector<200x128xf32> -> vector<200x128xf32>
    %get3A_12 = arith.constant 0 : index
    %get3A_13 = arith.constant 0 : index
    %get3A_14 = vector.load %arg6[%get3A_12, %get3A_13] : memref<1x128xf32, #tpu.memory_space<vmem>>, vector<1x128xf32>
    %add3A = vector.broadcast %get3A_14 : vector<1x128xf32> to vector<200x128xf32>
    %add3A_15 = arith.addf %dot_general3A_11, %add3A : vector<200x128xf32>
    %get3A_16 = arith.constant 0 : index
    %get3A_17 = arith.constant 0 : index
    %get3A_18 = arith.constant 0 : index
    %get3A_19 = vector.load %arg3[%get3A_16, %get3A_17, %get3A_18] : memref<200x32x128xf32, #tpu.memory_space<vmem>>, vector<200x1x128xf32>
    %get3A_20 = vector.shape_cast %get3A_19 : vector<200x1x128xf32> to vector<200x128xf32>
    %mul3A = arith.mulf %get3A_1, %get3A_20 : vector<200x128xf32>
    %mul3A_21 = arith.mulf %mul3A, %add3A_15 : vector<200x128xf32>
    %convert_element_type3A_22 = arith.truncf %mul3A_21 : vector<200x128xf32> to vector<200x128xbf16>
    %get3A_23 = arith.constant 0 : index
    %get3A_24 = arith.constant 0 : index
    %get3A_25 = vector.load %arg7[%get3A_23, %get3A_24] : memref<128x256xbf16, #tpu.memory_space<vmem>>, vector<128x256xbf16>
    %dot_general3A_26 = arith.constant dense<0.000000e+00> : vector<200x256xf32>
    %dot_general3A_27 = tpu.matmul %convert_element_type3A_22, %get3A_25, %dot_general3A_26 {dimension_numbers = #tpu.dot_dimension_numbers<[1], [0], [0], [1], [0, 0, 1, 1], [], []>, transpose_lhs_hint = false} : vector<200x128xbf16>, vector<128x256xbf16>, vector<200x256xf32> -> vector<200x256xf32>
    %get3A_28 = arith.constant 0 : index
    %get3A_29 = arith.constant 0 : index
    %get3A_30 = vector.load %arg8[%get3A_28, %get3A_29] : memref<1x256xf32, #tpu.memory_space<vmem>>, vector<1x256xf32>
    %add3A_31 = vector.broadcast %get3A_30 : vector<1x256xf32> to vector<200x256xf32>
    %add3A_32 = arith.addf %dot_general3A_27, %add3A_31 : vector<200x256xf32>
    %slice3A = vector.extract_strided_slice %add3A_32 {offsets = [0, 0], sizes = [200, 128], strides = [1, 1]} : vector<200x256xf32> to vector<200x128xf32>
    %logistic3A = arith.negf %slice3A : vector<200x128xf32>
    %logistic3A_33 = math.exp %logistic3A : vector<200x128xf32>
    %logistic3A_34 = arith.constant 1.000000e+00 : f32
    %logistic3A_35 = vector.broadcast %logistic3A_34 : f32 to vector<200x128xf32>
    %logistic3A_36 = arith.addf %logistic3A_35, %logistic3A_33 : vector<200x128xf32>
    %logistic3A_37 = arith.divf %logistic3A_35, %logistic3A_36 : vector<200x128xf32>
    %slice3A_38 = vector.extract_strided_slice %add3A_32 {offsets = [0, 128], sizes = [200, 128], strides = [1, 1]} : vector<200x256xf32> to vector<200x128xf32>
    %custom_jvp_call3A = arith.constant 0.000000e+00 : f32
    %max3A = vector.broadcast %custom_jvp_call3A : f32 to vector<200x128xf32>
    %max3A_39 = arith.maximumf %slice3A_38, %max3A : vector<200x128xf32>
    %sub3A = vector.broadcast %custom_jvp_call3A : f32 to vector<200x128xf32>
    %sub3A_40 = arith.subf %slice3A_38, %sub3A : vector<200x128xf32>
    %ne3A = arith.cmpf one, %sub3A_40, %sub3A_40 : vector<200x128xf32>
    %add3A_41 = vector.broadcast %custom_jvp_call3A : f32 to vector<200x128xf32>
    %add3A_42 = arith.addf %slice3A_38, %add3A_41 : vector<200x128xf32>
    %abs3A = math.absf %sub3A_40 : vector<200x128xf32>
    %neg3A = arith.constant 0.000000e+00 : f32
    %neg3A_43 = vector.broadcast %neg3A : f32 to vector<200x128xf32>
    %neg3A_44 = arith.subf %neg3A_43, %abs3A : vector<200x128xf32>
    %exp3A = math.exp %neg3A_44 : vector<200x128xf32>
    %log1p3A = math.log1p %exp3A : vector<200x128xf32>
    %add3A_45 = arith.addf %max3A_39, %log1p3A : vector<200x128xf32>
    %select_n3A = arith.select %ne3A, %add3A_42, %add3A_45 : vector<200x128xi1>, vector<200x128xf32>
    %mul3A_46 = arith.mulf %logistic3A_37, %select_n3A : vector<200x128xf32>
    %add3A_47 = arith.addf %broadcast_in_dim3A_2, %mul3A_46 : vector<200x128xf32>
    %get3A_48 = arith.constant 0 : index
    %get3A_49 = arith.constant 1 : index
    %get3A_50 = arith.constant 0 : index
    %get3A_51 = vector.load %arg4[%get3A_48, %get3A_49, %get3A_50] : memref<200x32x16xf32, #tpu.memory_space<vmem>>, vector<200x1x16xf32>
    %get3A_52 = vector.shape_cast %get3A_51 : vector<200x1x16xf32> to vector<200x16xf32>
    %convert_element_type3A_53 = arith.truncf %get3A_52 : vector<200x16xf32> to vector<200x16xbf16>
    %get3A_54 = arith.constant 0 : index
    %get3A_55 = arith.constant 0 : index
    %get3A_56 = vector.load %arg5[%get3A_54, %get3A_55] : memref<16x128xbf16, #tpu.memory_space<vmem>>, vector<16x128xbf16>
    %dot_general3A_57 = arith.constant dense<0.000000e+00> : vector<200x128xf32>
    %dot_general3A_58 = tpu.matmul %convert_element_type3A_53, %get3A_56, %dot_general3A_57 {dimension_numbers = #tpu.dot_dimension_numbers<[1], [0], [0], [1], [0, 0, 1, 1], [], []>, transpose_lhs_hint = false} : vector<200x16xbf16>, vector<16x128xbf16>, vector<200x128xf32> -> vector<200x128xf32>
    %get3A_59 = arith.constant 0 : index
    %get3A_60 = arith.constant 0 : index
    %get3A_61 = vector.load %arg6[%get3A_59, %get3A_60] : memref<1x128xf32, #tpu.memory_space<vmem>>, vector<1x128xf32>
    %add3A_62 = vector.broadcast %get3A_61 : vector<1x128xf32> to vector<200x128xf32>
    %add3A_63 = arith.addf %dot_general3A_58, %add3A_62 : vector<200x128xf32>
    %get3A_64 = arith.constant 0 : index
    %get3A_65 = arith.constant 1 : index
    %get3A_66 = arith.constant 0 : index
    %get3A_67 = vector.load %arg3[%get3A_64, %get3A_65, %get3A_66] : memref<200x32x128xf32, #tpu.memory_space<vmem>>, vector<200x1x128xf32>
    %get3A_68 = vector.shape_cast %get3A_67 : vector<200x1x128xf32> to vector<200x128xf32>
    %mul3A_69 = arith.mulf %get3A_1, %get3A_68 : vector<200x128xf32>
    %mul3A_70 = arith.mulf %mul3A_69, %add3A_63 : vector<200x128xf32>
    %convert_element_type3A_71 = arith.truncf %mul3A_70 : vector<200x128xf32> to vector<200x128xbf16>
    %get3A_72 = arith.constant 0 : index
    %get3A_73 = arith.constant 0 : index
    %get3A_74 = vector.load %arg7[%get3A_72, %get3A_73] : memref<128x256xbf16, #tpu.memory_space<vmem>>, vector<128x256xbf16>
    %dot_general3A_75 = arith.constant dense<0.000000e+00> : vector<200x256xf32>
    %dot_general3A_76 = tpu.matmul %convert_element_type3A_71, %get3A_74, %dot_general3A_75 {dimension_numbers = #tpu.dot_dimension_numbers<[1], [0], [0], [1], [0, 0, 1, 1], [], []>, transpose_lhs_hint = false} : vector<200x128xbf16>, vector<128x256xbf16>, vector<200x256xf32> -> vector<200x256xf32>
    %get3A_77 = arith.constant 0 : index
    %get3A_78 = arith.constant 0 : index
    %get3A_79 = vector.load %arg8[%get3A_77, %get3A_78] : memref<1x256xf32, #tpu.memory_space<vmem>>, vector<1x256xf32>
    %add3A_80 = vector.broadcast %get3A_79 : vector<1x256xf32> to vector<200x256xf32>
    %add3A_81 = arith.addf %dot_general3A_76, %add3A_80 : vector<200x256xf32>
    %slice3A_82 = vector.extract_strided_slice %add3A_81 {offsets = [0, 0], sizes = [200, 128], strides = [1, 1]} : vector<200x256xf32> to vector<200x128xf32>
    %logistic3A_83 = arith.negf %slice3A_82 : vector<200x128xf32>
    %logistic3A_84 = math.exp %logistic3A_83 : vector<200x128xf32>
    %logistic3A_85 = arith.constant 1.000000e+00 : f32
    %logistic3A_86 = vector.broadcast %logistic3A_85 : f32 to vector<200x128xf32>
    %logistic3A_87 = arith.addf %logistic3A_86, %logistic3A_84 : vector<200x128xf32>
    %logistic3A_88 = arith.divf %logistic3A_86, %logistic3A_87 : vector<200x128xf32>
    %slice3A_89 = vector.extract_strided_slice %add3A_81 {offsets = [0, 128], sizes = [200, 128], strides = [1, 1]} : vector<200x256xf32> to vector<200x128xf32>
    %custom_jvp_call3A_90 = arith.constant 0.000000e+00 : f32
    %max3A_91 = vector.broadcast %custom_jvp_call3A_90 : f32 to vector<200x128xf32>
    %max3A_92 = arith.maximumf %slice3A_89, %max3A_91 : vector<200x128xf32>
    %sub3A_93 = vector.broadcast %custom_jvp_call3A_90 : f32 to vector<200x128xf32>
    %sub3A_94 = arith.subf %slice3A_89, %sub3A_93 : vector<200x128xf32>
    %ne3A_95 = arith.cmpf one, %sub3A_94, %sub3A_94 : vector<200x128xf32>
    %add3A_96 = vector.broadcast %custom_jvp_call3A_90 : f32 to vector<200x128xf32>
    %add3A_97 = arith.addf %slice3A_89, %add3A_96 : vector<200x128xf32>
    %abs3A_98 = math.absf %sub3A_94 : vector<200x128xf32>
    %neg3A_99 = arith.constant 0.000000e+00 : f32
    %neg3A_100 = vector.broadcast %neg3A_99 : f32 to vector<200x128xf32>
    %neg3A_101 = arith.subf %neg3A_100, %abs3A_98 : vector<200x128xf32>
    %exp3A_102 = math.exp %neg3A_101 : vector<200x128xf32>
    %log1p3A_103 = math.log1p %exp3A_102 : vector<200x128xf32>
    %add3A_104 = arith.addf %max3A_92, %log1p3A_103 : vector<200x128xf32>
    %select_n3A_105 = arith.select %ne3A_95, %add3A_97, %add3A_104 : vector<200x128xi1>, vector<200x128xf32>
    %mul3A_106 = arith.mulf %logistic3A_88, %select_n3A_105 : vector<200x128xf32>
    %add3A_107 = arith.addf %add3A_47, %mul3A_106 : vector<200x128xf32>
    %get3A_108 = arith.constant 0 : index
    %get3A_109 = arith.constant 2 : index
    %get3A_110 = arith.constant 0 : index
    %get3A_111 = vector.load %arg4[%get3A_108, %get3A_109, %get3A_110] : memref<200x32x16xf32, #tpu.memory_space<vmem>>, vector<200x1x16xf32>
    %get3A_112 = vector.shape_cast %get3A_111 : vector<200x1x16xf32> to vector<200x16xf32>
    %convert_element_type3A_113 = arith.truncf %get3A_112 : vector<200x16xf32> to vector<200x16xbf16>
    %get3A_114 = arith.constant 0 : index
    %get3A_115 = arith.constant 0 : index
    %get3A_116 = vector.load %arg5[%get3A_114, %get3A_115] : memref<16x128xbf16, #tpu.memory_space<vmem>>, vector<16x128xbf16>
    %dot_general3A_117 = arith.constant dense<0.000000e+00> : vector<200x128xf32>
    %dot_general3A_118 = tpu.matmul %convert_element_type3A_113, %get3A_116, %dot_general3A_117 {dimension_numbers = #tpu.dot_dimension_numbers<[1], [0], [0], [1], [0, 0, 1, 1], [], []>, transpose_lhs_hint = false} : vector<200x16xbf16>, vector<16x128xbf16>, vector<200x128xf32> -> vector<200x128xf32>
    %get3A_119 = arith.constant 0 : index
    %get3A_120 = arith.constant 0 : index
    %get3A_121 = vector.load %arg6[%get3A_119, %get3A_120] : memref<1x128xf32, #tpu.memory_space<vmem>>, vector<1x128xf32>
    %add3A_122 = vector.broadcast %get3A_121 : vector<1x128xf32> to vector<200x128xf32>
    %add3A_123 = arith.addf %dot_general3A_118, %add3A_122 : vector<200x128xf32>
    %get3A_124 = arith.constant 0 : index
    %get3A_125 = arith.constant 2 : index
    %get3A_126 = arith.constant 0 : index
    %get3A_127 = vector.load %arg3[%get3A_124, %get3A_125, %get3A_126] : memref<200x32x128xf32, #tpu.memory_space<vmem>>, vector<200x1x128xf32>
    %get3A_128 = vector.shape_cast %get3A_127 : vector<200x1x128xf32> to vector<200x128xf32>
    %mul3A_129 = arith.mulf %get3A_1, %get3A_128 : vector<200x128xf32>
    %mul3A_130 = arith.mulf %mul3A_129, %add3A_123 : vector<200x128xf32>
    %convert_element_type3A_131 = arith.truncf %mul3A_130 : vector<200x128xf32> to vector<200x128xbf16>
    %get3A_132 = arith.constant 0 : index
    %get3A_133 = arith.constant 0 : index
    %get3A_134 = vector.load %arg7[%get3A_132, %get3A_133] : memref<128x256xbf16, #tpu.memory_space<vmem>>, vector<128x256xbf16>
    %dot_general3A_135 = arith.constant dense<0.000000e+00> : vector<200x256xf32>
    %dot_general3A_136 = tpu.matmul %convert_element_type3A_131, %get3A_134, %dot_general3A_135 {dimension_numbers = #tpu.dot_dimension_numbers<[1], [0], [0], [1], [0, 0, 1, 1], [], []>, transpose_lhs_hint = false} : vector<200x128xbf16>, vector<128x256xbf16>, vector<200x256xf32> -> vector<200x256xf32>
    %get3A_137 = arith.constant 0 : index
    %get3A_138 = arith.constant 0 : index
    %get3A_139 = vector.load %arg8[%get3A_137, %get3A_138] : memref<1x256xf32, #tpu.memory_space<vmem>>, vector<1x256xf32>
    %add3A_140 = vector.broadcast %get3A_139 : vector<1x256xf32> to vector<200x256xf32>
    %add3A_141 = arith.addf %dot_general3A_136, %add3A_140 : vector<200x256xf32>
    %slice3A_142 = vector.extract_strided_slice %add3A_141 {offsets = [0, 0], sizes = [200, 128], strides = [1, 1]} : vector<200x256xf32> to vector<200x128xf32>
    %logistic3A_143 = arith.negf %slice3A_142 : vector<200x128xf32>
    %logistic3A_144 = math.exp %logistic3A_143 : vector<200x128xf32>
    %logistic3A_145 = arith.constant 1.000000e+00 : f32
    %logistic3A_146 = vector.broadcast %logistic3A_145 : f32 to vector<200x128xf32>
    %logistic3A_147 = arith.addf %logistic3A_146, %logistic3A_144 : vector<200x128xf32>
    %logistic3A_148 = arith.divf %logistic3A_146, %logistic3A_147 : vector<200x128xf32>
    %slice3A_149 = vector.extract_strided_slice %add3A_141 {offsets = [0, 128], sizes = [200, 128], strides = [1, 1]} : vector<200x256xf32> to vector<200x128xf32>
    %custom_jvp_call3A_150 = arith.constant 0.000000e+00 : f32
    %max3A_151 = vector.broadcast %custom_jvp_call3A_150 : f32 to vector<200x128xf32>
    %max3A_152 = arith.maximumf %slice3A_149, %max3A_151 : vector<200x128xf32>
    %sub3A_153 = vector.broadcast %custom_jvp_call3A_150 : f32 to vector<200x128xf32>
    %sub3A_154 = arith.subf %slice3A_149, %sub3A_153 : vector<200x128xf32>
    %ne3A_155 = arith.cmpf one, %sub3A_154, %sub3A_154 : vector<200x128xf32>
    %add3A_156 = vector.broadcast %custom_jvp_call3A_150 : f32 to vector<200x128xf32>
    %add3A_157 = arith.addf %slice3A_149, %add3A_156 : vector<200x128xf32>
    %abs3A_158 = math.absf %sub3A_154 : vector<200x128xf32>
    %neg3A_159 = arith.constant 0.000000e+00 : f32
    %neg3A_160 = vector.broadcast %neg3A_159 : f32 to vector<200x128xf32>
    %neg3A_161 = arith.subf %neg3A_160, %abs3A_158 : vector<200x128xf32>
    %exp3A_162 = math.exp %neg3A_161 : vector<200x128xf32>
    %log1p3A_163 = math.log1p %exp3A_162 : vector<200x128xf32>
    %add3A_164 = arith.addf %max3A_152, %log1p3A_163 : vector<200x128xf32>
    %select_n3A_165 = arith.select %ne3A_155, %add3A_157, %add3A_164 : vector<200x128xi1>, vector<200x128xf32>
    %mul3A_166 = arith.mulf %logistic3A_148, %select_n3A_165 : vector<200x128xf32>
    %add3A_167 = arith.addf %add3A_107, %mul3A_166 : vector<200x128xf32>
    %get3A_168 = arith.constant 0 : index
    %get3A_169 = arith.constant 3 : index
    %get3A_170 = arith.constant 0 : index
    %get3A_171 = vector.load %arg4[%get3A_168, %get3A_169, %get3A_170] : memref<200x32x16xf32, #tpu.memory_space<vmem>>, vector<200x1x16xf32>
    %get3A_172 = vector.shape_cast %get3A_171 : vector<200x1x16xf32> to vector<200x16xf32>
    %convert_element_type3A_173 = arith.truncf %get3A_172 : vector<200x16xf32> to vector<200x16xbf16>
    %get3A_174 = arith.constant 0 : index
    %get3A_175 = arith.constant 0 : index
    %get3A_176 = vector.load %arg5[%get3A_174, %get3A_175] : memref<16x128xbf16, #tpu.memory_space<vmem>>, vector<16x128xbf16>
    %dot_general3A_177 = arith.constant dense<0.000000e+00> : vector<200x128xf32>
    %dot_general3A_178 = tpu.matmul %convert_element_type3A_173, %get3A_176, %dot_general3A_177 {dimension_numbers = #tpu.dot_dimension_numbers<[1], [0], [0], [1], [0, 0, 1, 1], [], []>, transpose_lhs_hint = false} : vector<200x16xbf16>, vector<16x128xbf16>, vector<200x128xf32> -> vector<200x128xf32>
    %get3A_179 = arith.constant 0 : index
    %get3A_180 = arith.constant 0 : index
    %get3A_181 = vector.load %arg6[%get3A_179, %get3A_180] : memref<1x128xf32, #tpu.memory_space<vmem>>, vector<1x128xf32>
    %add3A_182 = vector.broadcast %get3A_181 : vector<1x128xf32> to vector<200x128xf32>
    %add3A_183 = arith.addf %dot_general3A_178, %add3A_182 : vector<200x128xf32>
    %get3A_184 = arith.constant 0 : index
    %get3A_185 = arith.constant 3 : index
    %get3A_186 = arith.constant 0 : index
    %get3A_187 = vector.load %arg3[%get3A_184, %get3A_185, %get3A_186] : memref<200x32x128xf32, #tpu.memory_space<vmem>>, vector<200x1x128xf32>
    %get3A_188 = vector.shape_cast %get3A_187 : vector<200x1x128xf32> to vector<200x128xf32>
    %mul3A_189 = arith.mulf %get3A_1, %get3A_188 : vector<200x128xf32>
    %mul3A_190 = arith.mulf %mul3A_189, %add3A_183 : vector<200x128xf32>
    %convert_element_type3A_191 = arith.truncf %mul3A_190 : vector<200x128xf32> to vector<200x128xbf16>
    %get3A_192 = arith.constant 0 : index
    %get3A_193 = arith.constant 0 : index
    %get3A_194 = vector.load %arg7[%get3A_192, %get3A_193] : memref<128x256xbf16, #tpu.memory_space<vmem>>, vector<128x256xbf16>
    %dot_general3A_195 = arith.constant dense<0.000000e+00> : vector<200x256xf32>
    %dot_general3A_196 = tpu.matmul %convert_element_type3A_191, %get3A_194, %dot_general3A_195 {dimension_numbers = #tpu.dot_dimension_numbers<[1], [0], [0], [1], [0, 0, 1, 1], [], []>, transpose_lhs_hint = false} : vector<200x128xbf16>, vector<128x256xbf16>, vector<200x256xf32> -> vector<200x256xf32>
    %get3A_197 = arith.constant 0 : index
    %get3A_198 = arith.constant 0 : index
    %get3A_199 = vector.load %arg8[%get3A_197, %get3A_198] : memref<1x256xf32, #tpu.memory_space<vmem>>, vector<1x256xf32>
    %add3A_200 = vector.broadcast %get3A_199 : vector<1x256xf32> to vector<200x256xf32>
    %add3A_201 = arith.addf %dot_general3A_196, %add3A_200 : vector<200x256xf32>
    %slice3A_202 = vector.extract_strided_slice %add3A_201 {offsets = [0, 0], sizes = [200, 128], strides = [1, 1]} : vector<200x256xf32> to vector<200x128xf32>
    %logistic3A_203 = arith.negf %slice3A_202 : vector<200x128xf32>
    %logistic3A_204 = math.exp %logistic3A_203 : vector<200x128xf32>
    %logistic3A_205 = arith.constant 1.000000e+00 : f32
    %logistic3A_206 = vector.broadcast %logistic3A_205 : f32 to vector<200x128xf32>
    %logistic3A_207 = arith.addf %logistic3A_206, %logistic3A_204 : vector<200x128xf32>
    %logistic3A_208 = arith.divf %logistic3A_206, %logistic3A_207 : vector<200x128xf32>
    %slice3A_209 = vector.extract_strided_slice %add3A_201 {offsets = [0, 128], sizes = [200, 128], strides = [1, 1]} : vector<200x256xf32> to vector<200x128xf32>
    %custom_jvp_call3A_210 = arith.constant 0.000000e+00 : f32
    %max3A_211 = vector.broadcast %custom_jvp_call3A_210 : f32 to vector<200x128xf32>
    %max3A_212 = arith.maximumf %slice3A_209, %max3A_211 : vector<200x128xf32>
    %sub3A_213 = vector.broadcast %custom_jvp_call3A_210 : f32 to vector<200x128xf32>
    %sub3A_214 = arith.subf %slice3A_209, %sub3A_213 : vector<200x128xf32>
    %ne3A_215 = arith.cmpf one, %sub3A_214, %sub3A_214 : vector<200x128xf32>
    %add3A_216 = vector.broadcast %custom_jvp_call3A_210 : f32 to vector<200x128xf32>
    %add3A_217 = arith.addf %slice3A_209, %add3A_216 : vector<200x128xf32>
    %abs3A_218 = math.absf %sub3A_214 : vector<200x128xf32>
    %neg3A_219 = arith.constant 0.000000e+00 : f32
    %neg3A_220 = vector.broadcast %neg3A_219 : f32 to vector<200x128xf32>
    %neg3A_221 = arith.subf %neg3A_220, %abs3A_218 : vector<200x128xf32>
    %exp3A_222 = math.exp %neg3A_221 : vector<200x128xf32>
    %log1p3A_223 = math.log1p %exp3A_222 : vector<200x128xf32>
    %add3A_224 = arith.addf %max3A_212, %log1p3A_223 : vector<200x128xf32>
    %select_n3A_225 = arith.select %ne3A_215, %add3A_217, %add3A_224 : vector<200x128xi1>, vector<200x128xf32>
    %mul3A_226 = arith.mulf %logistic3A_208, %select_n3A_225 : vector<200x128xf32>
    %add3A_227 = arith.addf %add3A_167, %mul3A_226 : vector<200x128xf32>
    %get3A_228 = arith.constant 0 : index
    %get3A_229 = arith.constant 4 : index
    %get3A_230 = arith.constant 0 : index
    %get3A_231 = vector.load %arg4[%get3A_228, %get3A_229, %get3A_230] : memref<200x32x16xf32, #tpu.memory_space<vmem>>, vector<200x1x16xf32>
    %get3A_232 = vector.shape_cast %get3A_231 : vector<200x1x16xf32> to vector<200x16xf32>
    %convert_element_type3A_233 = arith.truncf %get3A_232 : vector<200x16xf32> to vector<200x16xbf16>
    %get3A_234 = arith.constant 0 : index
    %get3A_235 = arith.constant 0 : index
    %get3A_236 = vector.load %arg5[%get3A_234, %get3A_235] : memref<16x128xbf16, #tpu.memory_space<vmem>>, vector<16x128xbf16>
    %dot_general3A_237 = arith.constant dense<0.000000e+00> : vector<200x128xf32>
    %dot_general3A_238 = tpu.matmul %convert_element_type3A_233, %get3A_236, %dot_general3A_237 {dimension_numbers = #tpu.dot_dimension_numbers<[1], [0], [0], [1], [0, 0, 1, 1], [], []>, transpose_lhs_hint = false} : vector<200x16xbf16>, vector<16x128xbf16>, vector<200x128xf32> -> vector<200x128xf32>
    %get3A_239 = arith.constant 0 : index
    %get3A_240 = arith.constant 0 : index
    %get3A_241 = vector.load %arg6[%get3A_239, %get3A_240] : memref<1x128xf32, #tpu.memory_space<vmem>>, vector<1x128xf32>
    %add3A_242 = vector.broadcast %get3A_241 : vector<1x128xf32> to vector<200x128xf32>
    %add3A_243 = arith.addf %dot_general3A_238, %add3A_242 : vector<200x128xf32>
    %get3A_244 = arith.constant 0 : index
    %get3A_245 = arith.constant 4 : index
    %get3A_246 = arith.constant 0 : index
    %get3A_247 = vector.load %arg3[%get3A_244, %get3A_245, %get3A_246] : memref<200x32x128xf32, #tpu.memory_space<vmem>>, vector<200x1x128xf32>
    %get3A_248 = vector.shape_cast %get3A_247 : vector<200x1x128xf32> to vector<200x128xf32>
    %mul3A_249 = arith.mulf %get3A_1, %get3A_248 : vector<200x128xf32>
    %mul3A_250 = arith.mulf %mul3A_249, %add3A_243 : vector<200x128xf32>
    %convert_element_type3A_251 = arith.truncf %mul3A_250 : vector<200x128xf32> to vector<200x128xbf16>
    %get3A_252 = arith.constant 0 : index
    %get3A_253 = arith.constant 0 : index
    %get3A_254 = vector.load %arg7[%get3A_252, %get3A_253] : memref<128x256xbf16, #tpu.memory_space<vmem>>, vector<128x256xbf16>
    %dot_general3A_255 = arith.constant dense<0.000000e+00> : vector<200x256xf32>
    %dot_general3A_256 = tpu.matmul %convert_element_type3A_251, %get3A_254, %dot_general3A_255 {dimension_numbers = #tpu.dot_dimension_numbers<[1], [0], [0], [1], [0, 0, 1, 1], [], []>, transpose_lhs_hint = false} : vector<200x128xbf16>, vector<128x256xbf16>, vector<200x256xf32> -> vector<200x256xf32>
    %get3A_257 = arith.constant 0 : index
    %get3A_258 = arith.constant 0 : index
    %get3A_259 = vector.load %arg8[%get3A_257, %get3A_258] : memref<1x256xf32, #tpu.memory_space<vmem>>, vector<1x256xf32>
    %add3A_260 = vector.broadcast %get3A_259 : vector<1x256xf32> to vector<200x256xf32>
    %add3A_261 = arith.addf %dot_general3A_256, %add3A_260 : vector<200x256xf32>
    %slice3A_262 = vector.extract_strided_slice %add3A_261 {offsets = [0, 0], sizes = [200, 128], strides = [1, 1]} : vector<200x256xf32> to vector<200x128xf32>
    %logistic3A_263 = arith.negf %slice3A_262 : vector<200x128xf32>
    %logistic3A_264 = math.exp %logistic3A_263 : vector<200x128xf32>
    %logistic3A_265 = arith.constant 1.000000e+00 : f32
    %logistic3A_266 = vector.broadcast %logistic3A_265 : f32 to vector<200x128xf32>
    %logistic3A_267 = arith.addf %logistic3A_266, %logistic3A_264 : vector<200x128xf32>
    %logistic3A_268 = arith.divf %logistic3A_266, %logistic3A_267 : vector<200x128xf32>
    %slice3A_269 = vector.extract_strided_slice %add3A_261 {offsets = [0, 128], sizes = [200, 128], strides = [1, 1]} : vector<200x256xf32> to vector<200x128xf32>
    %custom_jvp_call3A_270 = arith.constant 0.000000e+00 : f32
    %max3A_271 = vector.broadcast %custom_jvp_call3A_270 : f32 to vector<200x128xf32>
    %max3A_272 = arith.maximumf %slice3A_269, %max3A_271 : vector<200x128xf32>
    %sub3A_273 = vector.broadcast %custom_jvp_call3A_270 : f32 to vector<200x128xf32>
    %sub3A_274 = arith.subf %slice3A_269, %sub3A_273 : vector<200x128xf32>
    %ne3A_275 = arith.cmpf one, %sub3A_274, %sub3A_274 : vector<200x128xf32>
    %add3A_276 = vector.broadcast %custom_jvp_call3A_270 : f32 to vector<200x128xf32>
    %add3A_277 = arith.addf %slice3A_269, %add3A_276 : vector<200x128xf32>
    %abs3A_278 = math.absf %sub3A_274 : vector<200x128xf32>
    %neg3A_279 = arith.constant 0.000000e+00 : f32
    %neg3A_280 = vector.broadcast %neg3A_279 : f32 to vector<200x128xf32>
    %neg3A_281 = arith.subf %neg3A_280, %abs3A_278 : vector<200x128xf32>
    %exp3A_282 = math.exp %neg3A_281 : vector<200x128xf32>
    %log1p3A_283 = math.log1p %exp3A_282 : vector<200x128xf32>
    %add3A_284 = arith.addf %max3A_272, %log1p3A_283 : vector<200x128xf32>
    %select_n3A_285 = arith.select %ne3A_275, %add3A_277, %add3A_284 : vector<200x128xi1>, vector<200x128xf32>
    %mul3A_286 = arith.mulf %logistic3A_268, %select_n3A_285 : vector<200x128xf32>
    %add3A_287 = arith.addf %add3A_227, %mul3A_286 : vector<200x128xf32>
    %get3A_288 = arith.constant 0 : index
    %get3A_289 = arith.constant 5 : index
    %get3A_290 = arith.constant 0 : index
    %get3A_291 = vector.load %arg4[%get3A_288, %get3A_289, %get3A_290] : memref<200x32x16xf32, #tpu.memory_space<vmem>>, vector<200x1x16xf32>
    %get3A_292 = vector.shape_cast %get3A_291 : vector<200x1x16xf32> to vector<200x16xf32>
    %convert_element_type3A_293 = arith.truncf %get3A_292 : vector<200x16xf32> to vector<200x16xbf16>
    %get3A_294 = arith.constant 0 : index
    %get3A_295 = arith.constant 0 : index
    %get3A_296 = vector.load %arg5[%get3A_294, %get3A_295] : memref<16x128xbf16, #tpu.memory_space<vmem>>, vector<16x128xbf16>
    %dot_general3A_297 = arith.constant dense<0.000000e+00> : vector<200x128xf32>
    %dot_general3A_298 = tpu.matmul %convert_element_type3A_293, %get3A_296, %dot_general3A_297 {dimension_numbers = #tpu.dot_dimension_numbers<[1], [0], [0], [1], [0, 0, 1, 1], [], []>, transpose_lhs_hint = false} : vector<200x16xbf16>, vector<16x128xbf16>, vector<200x128xf32> -> vector<200x128xf32>
    %get3A_299 = arith.constant 0 : index
    %get3A_300 = arith.constant 0 : index
    %get3A_301 = vector.load %arg6[%get3A_299, %get3A_300] : memref<1x128xf32, #tpu.memory_space<vmem>>, vector<1x128xf32>
    %add3A_302 = vector.broadcast %get3A_301 : vector<1x128xf32> to vector<200x128xf32>
    %add3A_303 = arith.addf %dot_general3A_298, %add3A_302 : vector<200x128xf32>
    %get3A_304 = arith.constant 0 : index
    %get3A_305 = arith.constant 5 : index
    %get3A_306 = arith.constant 0 : index
    %get3A_307 = vector.load %arg3[%get3A_304, %get3A_305, %get3A_306] : memref<200x32x128xf32, #tpu.memory_space<vmem>>, vector<200x1x128xf32>
    %get3A_308 = vector.shape_cast %get3A_307 : vector<200x1x128xf32> to vector<200x128xf32>
    %mul3A_309 = arith.mulf %get3A_1, %get3A_308 : vector<200x128xf32>
    %mul3A_310 = arith.mulf %mul3A_309, %add3A_303 : vector<200x128xf32>
    %convert_element_type3A_311 = arith.truncf %mul3A_310 : vector<200x128xf32> to vector<200x128xbf16>
    %get3A_312 = arith.constant 0 : index
    %get3A_313 = arith.constant 0 : index
    %get3A_314 = vector.load %arg7[%get3A_312, %get3A_313] : memref<128x256xbf16, #tpu.memory_space<vmem>>, vector<128x256xbf16>
    %dot_general3A_315 = arith.constant dense<0.000000e+00> : vector<200x256xf32>
    %dot_general3A_316 = tpu.matmul %convert_element_type3A_311, %get3A_314, %dot_general3A_315 {dimension_numbers = #tpu.dot_dimension_numbers<[1], [0], [0], [1], [0, 0, 1, 1], [], []>, transpose_lhs_hint = false} : vector<200x128xbf16>, vector<128x256xbf16>, vector<200x256xf32> -> vector<200x256xf32>
    %get3A_317 = arith.constant 0 : index
    %get3A_318 = arith.constant 0 : index
    %get3A_319 = vector.load %arg8[%get3A_317, %get3A_318] : memref<1x256xf32, #tpu.memory_space<vmem>>, vector<1x256xf32>
    %add3A_320 = vector.broadcast %get3A_319 : vector<1x256xf32> to vector<200x256xf32>
    %add3A_321 = arith.addf %dot_general3A_316, %add3A_320 : vector<200x256xf32>
    %slice3A_322 = vector.extract_strided_slice %add3A_321 {offsets = [0, 0], sizes = [200, 128], strides = [1, 1]} : vector<200x256xf32> to vector<200x128xf32>
    %logistic3A_323 = arith.negf %slice3A_322 : vector<200x128xf32>
    %logistic3A_324 = math.exp %logistic3A_323 : vector<200x128xf32>
    %logistic3A_325 = arith.constant 1.000000e+00 : f32
    %logistic3A_326 = vector.broadcast %logistic3A_325 : f32 to vector<200x128xf32>
    %logistic3A_327 = arith.addf %logistic3A_326, %logistic3A_324 : vector<200x128xf32>
    %logistic3A_328 = arith.divf %logistic3A_326, %logistic3A_327 : vector<200x128xf32>
    %slice3A_329 = vector.extract_strided_slice %add3A_321 {offsets = [0, 128], sizes = [200, 128], strides = [1, 1]} : vector<200x256xf32> to vector<200x128xf32>
    %custom_jvp_call3A_330 = arith.constant 0.000000e+00 : f32
    %max3A_331 = vector.broadcast %custom_jvp_call3A_330 : f32 to vector<200x128xf32>
    %max3A_332 = arith.maximumf %slice3A_329, %max3A_331 : vector<200x128xf32>
    %sub3A_333 = vector.broadcast %custom_jvp_call3A_330 : f32 to vector<200x128xf32>
    %sub3A_334 = arith.subf %slice3A_329, %sub3A_333 : vector<200x128xf32>
    %ne3A_335 = arith.cmpf one, %sub3A_334, %sub3A_334 : vector<200x128xf32>
    %add3A_336 = vector.broadcast %custom_jvp_call3A_330 : f32 to vector<200x128xf32>
    %add3A_337 = arith.addf %slice3A_329, %add3A_336 : vector<200x128xf32>
    %abs3A_338 = math.absf %sub3A_334 : vector<200x128xf32>
    %neg3A_339 = arith.constant 0.000000e+00 : f32
    %neg3A_340 = vector.broadcast %neg3A_339 : f32 to vector<200x128xf32>
    %neg3A_341 = arith.subf %neg3A_340, %abs3A_338 : vector<200x128xf32>
    %exp3A_342 = math.exp %neg3A_341 : vector<200x128xf32>
    %log1p3A_343 = math.log1p %exp3A_342 : vector<200x128xf32>
    %add3A_344 = arith.addf %max3A_332, %log1p3A_343 : vector<200x128xf32>
    %select_n3A_345 = arith.select %ne3A_335, %add3A_337, %add3A_344 : vector<200x128xi1>, vector<200x128xf32>
    %mul3A_346 = arith.mulf %logistic3A_328, %select_n3A_345 : vector<200x128xf32>
    %add3A_347 = arith.addf %add3A_287, %mul3A_346 : vector<200x128xf32>
    %get3A_348 = arith.constant 0 : index
    %get3A_349 = arith.constant 6 : index
    %get3A_350 = arith.constant 0 : index
    %get3A_351 = vector.load %arg4[%get3A_348, %get3A_349, %get3A_350] : memref<200x32x16xf32, #tpu.memory_space<vmem>>, vector<200x1x16xf32>
    %get3A_352 = vector.shape_cast %get3A_351 : vector<200x1x16xf32> to vector<200x16xf32>
    %convert_element_type3A_353 = arith.truncf %get3A_352 : vector<200x16xf32> to vector<200x16xbf16>
    %get3A_354 = arith.constant 0 : index
    %get3A_355 = arith.constant 0 : index
    %get3A_356 = vector.load %arg5[%get3A_354, %get3A_355] : memref<16x128xbf16, #tpu.memory_space<vmem>>, vector<16x128xbf16>
    %dot_general3A_357 = arith.constant dense<0.000000e+00> : vector<200x128xf32>
    %dot_general3A_358 = tpu.matmul %convert_element_type3A_353, %get3A_356, %dot_general3A_357 {dimension_numbers = #tpu.dot_dimension_numbers<[1], [0], [0], [1], [0, 0, 1, 1], [], []>, transpose_lhs_hint = false} : vector<200x16xbf16>, vector<16x128xbf16>, vector<200x128xf32> -> vector<200x128xf32>
    %get3A_359 = arith.constant 0 : index
    %get3A_360 = arith.constant 0 : index
    %get3A_361 = vector.load %arg6[%get3A_359, %get3A_360] : memref<1x128xf32, #tpu.memory_space<vmem>>, vector<1x128xf32>
    %add3A_362 = vector.broadcast %get3A_361 : vector<1x128xf32> to vector<200x128xf32>
    %add3A_363 = arith.addf %dot_general3A_358, %add3A_362 : vector<200x128xf32>
    %get3A_364 = arith.constant 0 : index
    %get3A_365 = arith.constant 6 : index
    %get3A_366 = arith.constant 0 : index
    %get3A_367 = vector.load %arg3[%get3A_364, %get3A_365, %get3A_366] : memref<200x32x128xf32, #tpu.memory_space<vmem>>, vector<200x1x128xf32>
    %get3A_368 = vector.shape_cast %get3A_367 : vector<200x1x128xf32> to vector<200x128xf32>
    %mul3A_369 = arith.mulf %get3A_1, %get3A_368 : vector<200x128xf32>
    %mul3A_370 = arith.mulf %mul3A_369, %add3A_363 : vector<200x128xf32>
    %convert_element_type3A_371 = arith.truncf %mul3A_370 : vector<200x128xf32> to vector<200x128xbf16>
    %get3A_372 = arith.constant 0 : index
    %get3A_373 = arith.constant 0 : index
    %get3A_374 = vector.load %arg7[%get3A_372, %get3A_373] : memref<128x256xbf16, #tpu.memory_space<vmem>>, vector<128x256xbf16>
    %dot_general3A_375 = arith.constant dense<0.000000e+00> : vector<200x256xf32>
    %dot_general3A_376 = tpu.matmul %convert_element_type3A_371, %get3A_374, %dot_general3A_375 {dimension_numbers = #tpu.dot_dimension_numbers<[1], [0], [0], [1], [0, 0, 1, 1], [], []>, transpose_lhs_hint = false} : vector<200x128xbf16>, vector<128x256xbf16>, vector<200x256xf32> -> vector<200x256xf32>
    %get3A_377 = arith.constant 0 : index
    %get3A_378 = arith.constant 0 : index
    %get3A_379 = vector.load %arg8[%get3A_377, %get3A_378] : memref<1x256xf32, #tpu.memory_space<vmem>>, vector<1x256xf32>
    %add3A_380 = vector.broadcast %get3A_379 : vector<1x256xf32> to vector<200x256xf32>
    %add3A_381 = arith.addf %dot_general3A_376, %add3A_380 : vector<200x256xf32>
    %slice3A_382 = vector.extract_strided_slice %add3A_381 {offsets = [0, 0], sizes = [200, 128], strides = [1, 1]} : vector<200x256xf32> to vector<200x128xf32>
    %logistic3A_383 = arith.negf %slice3A_382 : vector<200x128xf32>
    %logistic3A_384 = math.exp %logistic3A_383 : vector<200x128xf32>
    %logistic3A_385 = arith.constant 1.000000e+00 : f32
    %logistic3A_386 = vector.broadcast %logistic3A_385 : f32 to vector<200x128xf32>
    %logistic3A_387 = arith.addf %logistic3A_386, %logistic3A_384 : vector<200x128xf32>
    %logistic3A_388 = arith.divf %logistic3A_386, %logistic3A_387 : vector<200x128xf32>
    %slice3A_389 = vector.extract_strided_slice %add3A_381 {offsets = [0, 128], sizes = [200, 128], strides = [1, 1]} : vector<200x256xf32> to vector<200x128xf32>
    %custom_jvp_call3A_390 = arith.constant 0.000000e+00 : f32
    %max3A_391 = vector.broadcast %custom_jvp_call3A_390 : f32 to vector<200x128xf32>
    %max3A_392 = arith.maximumf %slice3A_389, %max3A_391 : vector<200x128xf32>
    %sub3A_393 = vector.broadcast %custom_jvp_call3A_390 : f32 to vector<200x128xf32>
    %sub3A_394 = arith.subf %slice3A_389, %sub3A_393 : vector<200x128xf32>
    %ne3A_395 = arith.cmpf one, %sub3A_394, %sub3A_394 : vector<200x128xf32>
    %add3A_396 = vector.broadcast %custom_jvp_call3A_390 : f32 to vector<200x128xf32>
    %add3A_397 = arith.addf %slice3A_389, %add3A_396 : vector<200x128xf32>
    %abs3A_398 = math.absf %sub3A_394 : vector<200x128xf32>
    %neg3A_399 = arith.constant 0.000000e+00 : f32
    %neg3A_400 = vector.broadcast %neg3A_399 : f32 to vector<200x128xf32>
    %neg3A_401 = arith.subf %neg3A_400, %abs3A_398 : vector<200x128xf32>
    %exp3A_402 = math.exp %neg3A_401 : vector<200x128xf32>
    %log1p3A_403 = math.log1p %exp3A_402 : vector<200x128xf32>
    %add3A_404 = arith.addf %max3A_392, %log1p3A_403 : vector<200x128xf32>
    %select_n3A_405 = arith.select %ne3A_395, %add3A_397, %add3A_404 : vector<200x128xi1>, vector<200x128xf32>
    %mul3A_406 = arith.mulf %logistic3A_388, %select_n3A_405 : vector<200x128xf32>
    %add3A_407 = arith.addf %add3A_347, %mul3A_406 : vector<200x128xf32>
    %get3A_408 = arith.constant 0 : index
    %get3A_409 = arith.constant 7 : index
    %get3A_410 = arith.constant 0 : index
    %get3A_411 = vector.load %arg4[%get3A_408, %get3A_409, %get3A_410] : memref<200x32x16xf32, #tpu.memory_space<vmem>>, vector<200x1x16xf32>
    %get3A_412 = vector.shape_cast %get3A_411 : vector<200x1x16xf32> to vector<200x16xf32>
    %convert_element_type3A_413 = arith.truncf %get3A_412 : vector<200x16xf32> to vector<200x16xbf16>
    %get3A_414 = arith.constant 0 : index
    %get3A_415 = arith.constant 0 : index
    %get3A_416 = vector.load %arg5[%get3A_414, %get3A_415] : memref<16x128xbf16, #tpu.memory_space<vmem>>, vector<16x128xbf16>
    %dot_general3A_417 = arith.constant dense<0.000000e+00> : vector<200x128xf32>
    %dot_general3A_418 = tpu.matmul %convert_element_type3A_413, %get3A_416, %dot_general3A_417 {dimension_numbers = #tpu.dot_dimension_numbers<[1], [0], [0], [1], [0, 0, 1, 1], [], []>, transpose_lhs_hint = false} : vector<200x16xbf16>, vector<16x128xbf16>, vector<200x128xf32> -> vector<200x128xf32>
    %get3A_419 = arith.constant 0 : index
    %get3A_420 = arith.constant 0 : index
    %get3A_421 = vector.load %arg6[%get3A_419, %get3A_420] : memref<1x128xf32, #tpu.memory_space<vmem>>, vector<1x128xf32>
    %add3A_422 = vector.broadcast %get3A_421 : vector<1x128xf32> to vector<200x128xf32>
    %add3A_423 = arith.addf %dot_general3A_418, %add3A_422 : vector<200x128xf32>
    %get3A_424 = arith.constant 0 : index
    %get3A_425 = arith.constant 7 : index
    %get3A_426 = arith.constant 0 : index
    %get3A_427 = vector.load %arg3[%get3A_424, %get3A_425, %get3A_426] : memref<200x32x128xf32, #tpu.memory_space<vmem>>, vector<200x1x128xf32>
    %get3A_428 = vector.shape_cast %get3A_427 : vector<200x1x128xf32> to vector<200x128xf32>
    %mul3A_429 = arith.mulf %get3A_1, %get3A_428 : vector<200x128xf32>
    %mul3A_430 = arith.mulf %mul3A_429, %add3A_423 : vector<200x128xf32>
    %convert_element_type3A_431 = arith.truncf %mul3A_430 : vector<200x128xf32> to vector<200x128xbf16>
    %get3A_432 = arith.constant 0 : index
    %get3A_433 = arith.constant 0 : index
    %get3A_434 = vector.load %arg7[%get3A_432, %get3A_433] : memref<128x256xbf16, #tpu.memory_space<vmem>>, vector<128x256xbf16>
    %dot_general3A_435 = arith.constant dense<0.000000e+00> : vector<200x256xf32>
    %dot_general3A_436 = tpu.matmul %convert_element_type3A_431, %get3A_434, %dot_general3A_435 {dimension_numbers = #tpu.dot_dimension_numbers<[1], [0], [0], [1], [0, 0, 1, 1], [], []>, transpose_lhs_hint = false} : vector<200x128xbf16>, vector<128x256xbf16>, vector<200x256xf32> -> vector<200x256xf32>
    %get3A_437 = arith.constant 0 : index
    %get3A_438 = arith.constant 0 : index
    %get3A_439 = vector.load %arg8[%get3A_437, %get3A_438] : memref<1x256xf32, #tpu.memory_space<vmem>>, vector<1x256xf32>
    %add3A_440 = vector.broadcast %get3A_439 : vector<1x256xf32> to vector<200x256xf32>
    %add3A_441 = arith.addf %dot_general3A_436, %add3A_440 : vector<200x256xf32>
    %slice3A_442 = vector.extract_strided_slice %add3A_441 {offsets = [0, 0], sizes = [200, 128], strides = [1, 1]} : vector<200x256xf32> to vector<200x128xf32>
    %logistic3A_443 = arith.negf %slice3A_442 : vector<200x128xf32>
    %logistic3A_444 = math.exp %logistic3A_443 : vector<200x128xf32>
    %logistic3A_445 = arith.constant 1.000000e+00 : f32
    %logistic3A_446 = vector.broadcast %logistic3A_445 : f32 to vector<200x128xf32>
    %logistic3A_447 = arith.addf %logistic3A_446, %logistic3A_444 : vector<200x128xf32>
    %logistic3A_448 = arith.divf %logistic3A_446, %logistic3A_447 : vector<200x128xf32>
    %slice3A_449 = vector.extract_strided_slice %add3A_441 {offsets = [0, 128], sizes = [200, 128], strides = [1, 1]} : vector<200x256xf32> to vector<200x128xf32>
    %custom_jvp_call3A_450 = arith.constant 0.000000e+00 : f32
    %max3A_451 = vector.broadcast %custom_jvp_call3A_450 : f32 to vector<200x128xf32>
    %max3A_452 = arith.maximumf %slice3A_449, %max3A_451 : vector<200x128xf32>
    %sub3A_453 = vector.broadcast %custom_jvp_call3A_450 : f32 to vector<200x128xf32>
    %sub3A_454 = arith.subf %slice3A_449, %sub3A_453 : vector<200x128xf32>
    %ne3A_455 = arith.cmpf one, %sub3A_454, %sub3A_454 : vector<200x128xf32>
    %add3A_456 = vector.broadcast %custom_jvp_call3A_450 : f32 to vector<200x128xf32>
    %add3A_457 = arith.addf %slice3A_449, %add3A_456 : vector<200x128xf32>
    %abs3A_458 = math.absf %sub3A_454 : vector<200x128xf32>
    %neg3A_459 = arith.constant 0.000000e+00 : f32
    %neg3A_460 = vector.broadcast %neg3A_459 : f32 to vector<200x128xf32>
    %neg3A_461 = arith.subf %neg3A_460, %abs3A_458 : vector<200x128xf32>
    %exp3A_462 = math.exp %neg3A_461 : vector<200x128xf32>
    %log1p3A_463 = math.log1p %exp3A_462 : vector<200x128xf32>
    %add3A_464 = arith.addf %max3A_452, %log1p3A_463 : vector<200x128xf32>
    %select_n3A_465 = arith.select %ne3A_455, %add3A_457, %add3A_464 : vector<200x128xi1>, vector<200x128xf32>
    %mul3A_466 = arith.mulf %logistic3A_448, %select_n3A_465 : vector<200x128xf32>
    %add3A_467 = arith.addf %add3A_407, %mul3A_466 : vector<200x128xf32>
    %get3A_468 = arith.constant 0 : index
    %get3A_469 = arith.constant 8 : index
    %get3A_470 = arith.constant 0 : index
    %get3A_471 = vector.load %arg4[%get3A_468, %get3A_469, %get3A_470] : memref<200x32x16xf32, #tpu.memory_space<vmem>>, vector<200x1x16xf32>
    %get3A_472 = vector.shape_cast %get3A_471 : vector<200x1x16xf32> to vector<200x16xf32>
    %convert_element_type3A_473 = arith.truncf %get3A_472 : vector<200x16xf32> to vector<200x16xbf16>
    %get3A_474 = arith.constant 0 : index
    %get3A_475 = arith.constant 0 : index
    %get3A_476 = vector.load %arg5[%get3A_474, %get3A_475] : memref<16x128xbf16, #tpu.memory_space<vmem>>, vector<16x128xbf16>
    %dot_general3A_477 = arith.constant dense<0.000000e+00> : vector<200x128xf32>
    %dot_general3A_478 = tpu.matmul %convert_element_type3A_473, %get3A_476, %dot_general3A_477 {dimension_numbers = #tpu.dot_dimension_numbers<[1], [0], [0], [1], [0, 0, 1, 1], [], []>, transpose_lhs_hint = false} : vector<200x16xbf16>, vector<16x128xbf16>, vector<200x128xf32> -> vector<200x128xf32>
    %get3A_479 = arith.constant 0 : index
    %get3A_480 = arith.constant 0 : index
    %get3A_481 = vector.load %arg6[%get3A_479, %get3A_480] : memref<1x128xf32, #tpu.memory_space<vmem>>, vector<1x128xf32>
    %add3A_482 = vector.broadcast %get3A_481 : vector<1x128xf32> to vector<200x128xf32>
    %add3A_483 = arith.addf %dot_general3A_478, %add3A_482 : vector<200x128xf32>
    %get3A_484 = arith.constant 0 : index
    %get3A_485 = arith.constant 8 : index
    %get3A_486 = arith.constant 0 : index
    %get3A_487 = vector.load %arg3[%get3A_484, %get3A_485, %get3A_486] : memref<200x32x128xf32, #tpu.memory_space<vmem>>, vector<200x1x128xf32>
    %get3A_488 = vector.shape_cast %get3A_487 : vector<200x1x128xf32> to vector<200x128xf32>
    %mul3A_489 = arith.mulf %get3A_1, %get3A_488 : vector<200x128xf32>
    %mul3A_490 = arith.mulf %mul3A_489, %add3A_483 : vector<200x128xf32>
    %convert_element_type3A_491 = arith.truncf %mul3A_490 : vector<200x128xf32> to vector<200x128xbf16>
    %get3A_492 = arith.constant 0 : index
    %get3A_493 = arith.constant 0 : index
    %get3A_494 = vector.load %arg7[%get3A_492, %get3A_493] : memref<128x256xbf16, #tpu.memory_space<vmem>>, vector<128x256xbf16>
    %dot_general3A_495 = arith.constant dense<0.000000e+00> : vector<200x256xf32>
    %dot_general3A_496 = tpu.matmul %convert_element_type3A_491, %get3A_494, %dot_general3A_495 {dimension_numbers = #tpu.dot_dimension_numbers<[1], [0], [0], [1], [0, 0, 1, 1], [], []>, transpose_lhs_hint = false} : vector<200x128xbf16>, vector<128x256xbf16>, vector<200x256xf32> -> vector<200x256xf32>
    %get3A_497 = arith.constant 0 : index
    %get3A_498 = arith.constant 0 : index
    %get3A_499 = vector.load %arg8[%get3A_497, %get3A_498] : memref<1x256xf32, #tpu.memory_space<vmem>>, vector<1x256xf32>
    %add3A_500 = vector.broadcast %get3A_499 : vector<1x256xf32> to vector<200x256xf32>
    %add3A_501 = arith.addf %dot_general3A_496, %add3A_500 : vector<200x256xf32>
    %slice3A_502 = vector.extract_strided_slice %add3A_501 {offsets = [0, 0], sizes = [200, 128], strides = [1, 1]} : vector<200x256xf32> to vector<200x128xf32>
    %logistic3A_503 = arith.negf %slice3A_502 : vector<200x128xf32>
    %logistic3A_504 = math.exp %logistic3A_503 : vector<200x128xf32>
    %logistic3A_505 = arith.constant 1.000000e+00 : f32
    %logistic3A_506 = vector.broadcast %logistic3A_505 : f32 to vector<200x128xf32>
    %logistic3A_507 = arith.addf %logistic3A_506, %logistic3A_504 : vector<200x128xf32>
    %logistic3A_508 = arith.divf %logistic3A_506, %logistic3A_507 : vector<200x128xf32>
    %slice3A_509 = vector.extract_strided_slice %add3A_501 {offsets = [0, 128], sizes = [200, 128], strides = [1, 1]} : vector<200x256xf32> to vector<200x128xf32>
    %custom_jvp_call3A_510 = arith.constant 0.000000e+00 : f32
    %max3A_511 = vector.broadcast %custom_jvp_call3A_510 : f32 to vector<200x128xf32>
    %max3A_512 = arith.maximumf %slice3A_509, %max3A_511 : vector<200x128xf32>
    %sub3A_513 = vector.broadcast %custom_jvp_call3A_510 : f32 to vector<200x128xf32>
    %sub3A_514 = arith.subf %slice3A_509, %sub3A_513 : vector<200x128xf32>
    %ne3A_515 = arith.cmpf one, %sub3A_514, %sub3A_514 : vector<200x128xf32>
    %add3A_516 = vector.broadcast %custom_jvp_call3A_510 : f32 to vector<200x128xf32>
    %add3A_517 = arith.addf %slice3A_509, %add3A_516 : vector<200x128xf32>
    %abs3A_518 = math.absf %sub3A_514 : vector<200x128xf32>
    %neg3A_519 = arith.constant 0.000000e+00 : f32
    %neg3A_520 = vector.broadcast %neg3A_519 : f32 to vector<200x128xf32>
    %neg3A_521 = arith.subf %neg3A_520, %abs3A_518 : vector<200x128xf32>
    %exp3A_522 = math.exp %neg3A_521 : vector<200x128xf32>
    %log1p3A_523 = math.log1p %exp3A_522 : vector<200x128xf32>
    %add3A_524 = arith.addf %max3A_512, %log1p3A_523 : vector<200x128xf32>
    %select_n3A_525 = arith.select %ne3A_515, %add3A_517, %add3A_524 : vector<200x128xi1>, vector<200x128xf32>
    %mul3A_526 = arith.mulf %logistic3A_508, %select_n3A_525 : vector<200x128xf32>
    %add3A_527 = arith.addf %add3A_467, %mul3A_526 : vector<200x128xf32>
    %get3A_528 = arith.constant 0 : index
    %get3A_529 = arith.constant 9 : index
    %get3A_530 = arith.constant 0 : index
    %get3A_531 = vector.load %arg4[%get3A_528, %get3A_529, %get3A_530] : memref<200x32x16xf32, #tpu.memory_space<vmem>>, vector<200x1x16xf32>
    %get3A_532 = vector.shape_cast %get3A_531 : vector<200x1x16xf32> to vector<200x16xf32>
    %convert_element_type3A_533 = arith.truncf %get3A_532 : vector<200x16xf32> to vector<200x16xbf16>
    %get3A_534 = arith.constant 0 : index
    %get3A_535 = arith.constant 0 : index
    %get3A_536 = vector.load %arg5[%get3A_534, %get3A_535] : memref<16x128xbf16, #tpu.memory_space<vmem>>, vector<16x128xbf16>
    %dot_general3A_537 = arith.constant dense<0.000000e+00> : vector<200x128xf32>
    %dot_general3A_538 = tpu.matmul %convert_element_type3A_533, %get3A_536, %dot_general3A_537 {dimension_numbers = #tpu.dot_dimension_numbers<[1], [0], [0], [1], [0, 0, 1, 1], [], []>, transpose_lhs_hint = false} : vector<200x16xbf16>, vector<16x128xbf16>, vector<200x128xf32> -> vector<200x128xf32>
    %get3A_539 = arith.constant 0 : index
    %get3A_540 = arith.constant 0 : index
    %get3A_541 = vector.load %arg6[%get3A_539, %get3A_540] : memref<1x128xf32, #tpu.memory_space<vmem>>, vector<1x128xf32>
    %add3A_542 = vector.broadcast %get3A_541 : vector<1x128xf32> to vector<200x128xf32>
    %add3A_543 = arith.addf %dot_general3A_538, %add3A_542 : vector<200x128xf32>
    %get3A_544 = arith.constant 0 : index
    %get3A_545 = arith.constant 9 : index
    %get3A_546 = arith.constant 0 : index
    %get3A_547 = vector.load %arg3[%get3A_544, %get3A_545, %get3A_546] : memref<200x32x128xf32, #tpu.memory_space<vmem>>, vector<200x1x128xf32>
    %get3A_548 = vector.shape_cast %get3A_547 : vector<200x1x128xf32> to vector<200x128xf32>
    %mul3A_549 = arith.mulf %get3A_1, %get3A_548 : vector<200x128xf32>
    %mul3A_550 = arith.mulf %mul3A_549, %add3A_543 : vector<200x128xf32>
    %convert_element_type3A_551 = arith.truncf %mul3A_550 : vector<200x128xf32> to vector<200x128xbf16>
    %get3A_552 = arith.constant 0 : index
    %get3A_553 = arith.constant 0 : index
    %get3A_554 = vector.load %arg7[%get3A_552, %get3A_553] : memref<128x256xbf16, #tpu.memory_space<vmem>>, vector<128x256xbf16>
    %dot_general3A_555 = arith.constant dense<0.000000e+00> : vector<200x256xf32>
    %dot_general3A_556 = tpu.matmul %convert_element_type3A_551, %get3A_554, %dot_general3A_555 {dimension_numbers = #tpu.dot_dimension_numbers<[1], [0], [0], [1], [0, 0, 1, 1], [], []>, transpose_lhs_hint = false} : vector<200x128xbf16>, vector<128x256xbf16>, vector<200x256xf32> -> vector<200x256xf32>
    %get3A_557 = arith.constant 0 : index
    %get3A_558 = arith.constant 0 : index
    %get3A_559 = vector.load %arg8[%get3A_557, %get3A_558] : memref<1x256xf32, #tpu.memory_space<vmem>>, vector<1x256xf32>
    %add3A_560 = vector.broadcast %get3A_559 : vector<1x256xf32> to vector<200x256xf32>
    %add3A_561 = arith.addf %dot_general3A_556, %add3A_560 : vector<200x256xf32>
    %slice3A_562 = vector.extract_strided_slice %add3A_561 {offsets = [0, 0], sizes = [200, 128], strides = [1, 1]} : vector<200x256xf32> to vector<200x128xf32>
    %logistic3A_563 = arith.negf %slice3A_562 : vector<200x128xf32>
    %logistic3A_564 = math.exp %logistic3A_563 : vector<200x128xf32>
    %logistic3A_565 = arith.constant 1.000000e+00 : f32
    %logistic3A_566 = vector.broadcast %logistic3A_565 : f32 to vector<200x128xf32>
    %logistic3A_567 = arith.addf %logistic3A_566, %logistic3A_564 : vector<200x128xf32>
    %logistic3A_568 = arith.divf %logistic3A_566, %logistic3A_567 : vector<200x128xf32>
    %slice3A_569 = vector.extract_strided_slice %add3A_561 {offsets = [0, 128], sizes = [200, 128], strides = [1, 1]} : vector<200x256xf32> to vector<200x128xf32>
    %custom_jvp_call3A_570 = arith.constant 0.000000e+00 : f32
    %max3A_571 = vector.broadcast %custom_jvp_call3A_570 : f32 to vector<200x128xf32>
    %max3A_572 = arith.maximumf %slice3A_569, %max3A_571 : vector<200x128xf32>
    %sub3A_573 = vector.broadcast %custom_jvp_call3A_570 : f32 to vector<200x128xf32>
    %sub3A_574 = arith.subf %slice3A_569, %sub3A_573 : vector<200x128xf32>
    %ne3A_575 = arith.cmpf one, %sub3A_574, %sub3A_574 : vector<200x128xf32>
    %add3A_576 = vector.broadcast %custom_jvp_call3A_570 : f32 to vector<200x128xf32>
    %add3A_577 = arith.addf %slice3A_569, %add3A_576 : vector<200x128xf32>
    %abs3A_578 = math.absf %sub3A_574 : vector<200x128xf32>
    %neg3A_579 = arith.constant 0.000000e+00 : f32
    %neg3A_580 = vector.broadcast %neg3A_579 : f32 to vector<200x128xf32>
    %neg3A_581 = arith.subf %neg3A_580, %abs3A_578 : vector<200x128xf32>
    %exp3A_582 = math.exp %neg3A_581 : vector<200x128xf32>
    %log1p3A_583 = math.log1p %exp3A_582 : vector<200x128xf32>
    %add3A_584 = arith.addf %max3A_572, %log1p3A_583 : vector<200x128xf32>
    %select_n3A_585 = arith.select %ne3A_575, %add3A_577, %add3A_584 : vector<200x128xi1>, vector<200x128xf32>
    %mul3A_586 = arith.mulf %logistic3A_568, %select_n3A_585 : vector<200x128xf32>
    %add3A_587 = arith.addf %add3A_527, %mul3A_586 : vector<200x128xf32>
    %get3A_588 = arith.constant 0 : index
    %get3A_589 = arith.constant 10 : index
    %get3A_590 = arith.constant 0 : index
    %get3A_591 = vector.load %arg4[%get3A_588, %get3A_589, %get3A_590] : memref<200x32x16xf32, #tpu.memory_space<vmem>>, vector<200x1x16xf32>
    %get3A_592 = vector.shape_cast %get3A_591 : vector<200x1x16xf32> to vector<200x16xf32>
    %convert_element_type3A_593 = arith.truncf %get3A_592 : vector<200x16xf32> to vector<200x16xbf16>
    %get3A_594 = arith.constant 0 : index
    %get3A_595 = arith.constant 0 : index
    %get3A_596 = vector.load %arg5[%get3A_594, %get3A_595] : memref<16x128xbf16, #tpu.memory_space<vmem>>, vector<16x128xbf16>
    %dot_general3A_597 = arith.constant dense<0.000000e+00> : vector<200x128xf32>
    %dot_general3A_598 = tpu.matmul %convert_element_type3A_593, %get3A_596, %dot_general3A_597 {dimension_numbers = #tpu.dot_dimension_numbers<[1], [0], [0], [1], [0, 0, 1, 1], [], []>, transpose_lhs_hint = false} : vector<200x16xbf16>, vector<16x128xbf16>, vector<200x128xf32> -> vector<200x128xf32>
    %get3A_599 = arith.constant 0 : index
    %get3A_600 = arith.constant 0 : index
    %get3A_601 = vector.load %arg6[%get3A_599, %get3A_600] : memref<1x128xf32, #tpu.memory_space<vmem>>, vector<1x128xf32>
    %add3A_602 = vector.broadcast %get3A_601 : vector<1x128xf32> to vector<200x128xf32>
    %add3A_603 = arith.addf %dot_general3A_598, %add3A_602 : vector<200x128xf32>
    %get3A_604 = arith.constant 0 : index
    %get3A_605 = arith.constant 10 : index
    %get3A_606 = arith.constant 0 : index
    %get3A_607 = vector.load %arg3[%get3A_604, %get3A_605, %get3A_606] : memref<200x32x128xf32, #tpu.memory_space<vmem>>, vector<200x1x128xf32>
    %get3A_608 = vector.shape_cast %get3A_607 : vector<200x1x128xf32> to vector<200x128xf32>
    %mul3A_609 = arith.mulf %get3A_1, %get3A_608 : vector<200x128xf32>
    %mul3A_610 = arith.mulf %mul3A_609, %add3A_603 : vector<200x128xf32>
    %convert_element_type3A_611 = arith.truncf %mul3A_610 : vector<200x128xf32> to vector<200x128xbf16>
    %get3A_612 = arith.constant 0 : index
    %get3A_613 = arith.constant 0 : index
    %get3A_614 = vector.load %arg7[%get3A_612, %get3A_613] : memref<128x256xbf16, #tpu.memory_space<vmem>>, vector<128x256xbf16>
    %dot_general3A_615 = arith.constant dense<0.000000e+00> : vector<200x256xf32>
    %dot_general3A_616 = tpu.matmul %convert_element_type3A_611, %get3A_614, %dot_general3A_615 {dimension_numbers = #tpu.dot_dimension_numbers<[1], [0], [0], [1], [0, 0, 1, 1], [], []>, transpose_lhs_hint = false} : vector<200x128xbf16>, vector<128x256xbf16>, vector<200x256xf32> -> vector<200x256xf32>
    %get3A_617 = arith.constant 0 : index
    %get3A_618 = arith.constant 0 : index
    %get3A_619 = vector.load %arg8[%get3A_617, %get3A_618] : memref<1x256xf32, #tpu.memory_space<vmem>>, vector<1x256xf32>
    %add3A_620 = vector.broadcast %get3A_619 : vector<1x256xf32> to vector<200x256xf32>
    %add3A_621 = arith.addf %dot_general3A_616, %add3A_620 : vector<200x256xf32>
    %slice3A_622 = vector.extract_strided_slice %add3A_621 {offsets = [0, 0], sizes = [200, 128], strides = [1, 1]} : vector<200x256xf32> to vector<200x128xf32>
    %logistic3A_623 = arith.negf %slice3A_622 : vector<200x128xf32>
    %logistic3A_624 = math.exp %logistic3A_623 : vector<200x128xf32>
    %logistic3A_625 = arith.constant 1.000000e+00 : f32
    %logistic3A_626 = vector.broadcast %logistic3A_625 : f32 to vector<200x128xf32>
    %logistic3A_627 = arith.addf %logistic3A_626, %logistic3A_624 : vector<200x128xf32>
    %logistic3A_628 = arith.divf %logistic3A_626, %logistic3A_627 : vector<200x128xf32>
    %slice3A_629 = vector.extract_strided_slice %add3A_621 {offsets = [0, 128], sizes = [200, 128], strides = [1, 1]} : vector<200x256xf32> to vector<200x128xf32>
    %custom_jvp_call3A_630 = arith.constant 0.000000e+00 : f32
    %max3A_631 = vector.broadcast %custom_jvp_call3A_630 : f32 to vector<200x128xf32>
    %max3A_632 = arith.maximumf %slice3A_629, %max3A_631 : vector<200x128xf32>
    %sub3A_633 = vector.broadcast %custom_jvp_call3A_630 : f32 to vector<200x128xf32>
    %sub3A_634 = arith.subf %slice3A_629, %sub3A_633 : vector<200x128xf32>
    %ne3A_635 = arith.cmpf one, %sub3A_634, %sub3A_634 : vector<200x128xf32>
    %add3A_636 = vector.broadcast %custom_jvp_call3A_630 : f32 to vector<200x128xf32>
    %add3A_637 = arith.addf %slice3A_629, %add3A_636 : vector<200x128xf32>
    %abs3A_638 = math.absf %sub3A_634 : vector<200x128xf32>
    %neg3A_639 = arith.constant 0.000000e+00 : f32
    %neg3A_640 = vector.broadcast %neg3A_639 : f32 to vector<200x128xf32>
    %neg3A_641 = arith.subf %neg3A_640, %abs3A_638 : vector<200x128xf32>
    %exp3A_642 = math.exp %neg3A_641 : vector<200x128xf32>
    %log1p3A_643 = math.log1p %exp3A_642 : vector<200x128xf32>
    %add3A_644 = arith.addf %max3A_632, %log1p3A_643 : vector<200x128xf32>
    %select_n3A_645 = arith.select %ne3A_635, %add3A_637, %add3A_644 : vector<200x128xi1>, vector<200x128xf32>
    %mul3A_646 = arith.mulf %logistic3A_628, %select_n3A_645 : vector<200x128xf32>
    %add3A_647 = arith.addf %add3A_587, %mul3A_646 : vector<200x128xf32>
    %get3A_648 = arith.constant 0 : index
    %get3A_649 = arith.constant 11 : index
    %get3A_650 = arith.constant 0 : index
    %get3A_651 = vector.load %arg4[%get3A_648, %get3A_649, %get3A_650] : memref<200x32x16xf32, #tpu.memory_space<vmem>>, vector<200x1x16xf32>
    %get3A_652 = vector.shape_cast %get3A_651 : vector<200x1x16xf32> to vector<200x16xf32>
    %convert_element_type3A_653 = arith.truncf %get3A_652 : vector<200x16xf32> to vector<200x16xbf16>
    %get3A_654 = arith.constant 0 : index
    %get3A_655 = arith.constant 0 : index
    %get3A_656 = vector.load %arg5[%get3A_654, %get3A_655] : memref<16x128xbf16, #tpu.memory_space<vmem>>, vector<16x128xbf16>
    %dot_general3A_657 = arith.constant dense<0.000000e+00> : vector<200x128xf32>
    %dot_general3A_658 = tpu.matmul %convert_element_type3A_653, %get3A_656, %dot_general3A_657 {dimension_numbers = #tpu.dot_dimension_numbers<[1], [0], [0], [1], [0, 0, 1, 1], [], []>, transpose_lhs_hint = false} : vector<200x16xbf16>, vector<16x128xbf16>, vector<200x128xf32> -> vector<200x128xf32>
    %get3A_659 = arith.constant 0 : index
    %get3A_660 = arith.constant 0 : index
    %get3A_661 = vector.load %arg6[%get3A_659, %get3A_660] : memref<1x128xf32, #tpu.memory_space<vmem>>, vector<1x128xf32>
    %add3A_662 = vector.broadcast %get3A_661 : vector<1x128xf32> to vector<200x128xf32>
    %add3A_663 = arith.addf %dot_general3A_658, %add3A_662 : vector<200x128xf32>
    %get3A_664 = arith.constant 0 : index
    %get3A_665 = arith.constant 11 : index
    %get3A_666 = arith.constant 0 : index
    %get3A_667 = vector.load %arg3[%get3A_664, %get3A_665, %get3A_666] : memref<200x32x128xf32, #tpu.memory_space<vmem>>, vector<200x1x128xf32>
    %get3A_668 = vector.shape_cast %get3A_667 : vector<200x1x128xf32> to vector<200x128xf32>
    %mul3A_669 = arith.mulf %get3A_1, %get3A_668 : vector<200x128xf32>
    %mul3A_670 = arith.mulf %mul3A_669, %add3A_663 : vector<200x128xf32>
    %convert_element_type3A_671 = arith.truncf %mul3A_670 : vector<200x128xf32> to vector<200x128xbf16>
    %get3A_672 = arith.constant 0 : index
    %get3A_673 = arith.constant 0 : index
    %get3A_674 = vector.load %arg7[%get3A_672, %get3A_673] : memref<128x256xbf16, #tpu.memory_space<vmem>>, vector<128x256xbf16>
    %dot_general3A_675 = arith.constant dense<0.000000e+00> : vector<200x256xf32>
    %dot_general3A_676 = tpu.matmul %convert_element_type3A_671, %get3A_674, %dot_general3A_675 {dimension_numbers = #tpu.dot_dimension_numbers<[1], [0], [0], [1], [0, 0, 1, 1], [], []>, transpose_lhs_hint = false} : vector<200x128xbf16>, vector<128x256xbf16>, vector<200x256xf32> -> vector<200x256xf32>
    %get3A_677 = arith.constant 0 : index
    %get3A_678 = arith.constant 0 : index
    %get3A_679 = vector.load %arg8[%get3A_677, %get3A_678] : memref<1x256xf32, #tpu.memory_space<vmem>>, vector<1x256xf32>
    %add3A_680 = vector.broadcast %get3A_679 : vector<1x256xf32> to vector<200x256xf32>
    %add3A_681 = arith.addf %dot_general3A_676, %add3A_680 : vector<200x256xf32>
    %slice3A_682 = vector.extract_strided_slice %add3A_681 {offsets = [0, 0], sizes = [200, 128], strides = [1, 1]} : vector<200x256xf32> to vector<200x128xf32>
    %logistic3A_683 = arith.negf %slice3A_682 : vector<200x128xf32>
    %logistic3A_684 = math.exp %logistic3A_683 : vector<200x128xf32>
    %logistic3A_685 = arith.constant 1.000000e+00 : f32
    %logistic3A_686 = vector.broadcast %logistic3A_685 : f32 to vector<200x128xf32>
    %logistic3A_687 = arith.addf %logistic3A_686, %logistic3A_684 : vector<200x128xf32>
    %logistic3A_688 = arith.divf %logistic3A_686, %logistic3A_687 : vector<200x128xf32>
    %slice3A_689 = vector.extract_strided_slice %add3A_681 {offsets = [0, 128], sizes = [200, 128], strides = [1, 1]} : vector<200x256xf32> to vector<200x128xf32>
    %custom_jvp_call3A_690 = arith.constant 0.000000e+00 : f32
    %max3A_691 = vector.broadcast %custom_jvp_call3A_690 : f32 to vector<200x128xf32>
    %max3A_692 = arith.maximumf %slice3A_689, %max3A_691 : vector<200x128xf32>
    %sub3A_693 = vector.broadcast %custom_jvp_call3A_690 : f32 to vector<200x128xf32>
    %sub3A_694 = arith.subf %slice3A_689, %sub3A_693 : vector<200x128xf32>
    %ne3A_695 = arith.cmpf one, %sub3A_694, %sub3A_694 : vector<200x128xf32>
    %add3A_696 = vector.broadcast %custom_jvp_call3A_690 : f32 to vector<200x128xf32>
    %add3A_697 = arith.addf %slice3A_689, %add3A_696 : vector<200x128xf32>
    %abs3A_698 = math.absf %sub3A_694 : vector<200x128xf32>
    %neg3A_699 = arith.constant 0.000000e+00 : f32
    %neg3A_700 = vector.broadcast %neg3A_699 : f32 to vector<200x128xf32>
    %neg3A_701 = arith.subf %neg3A_700, %abs3A_698 : vector<200x128xf32>
    %exp3A_702 = math.exp %neg3A_701 : vector<200x128xf32>
    %log1p3A_703 = math.log1p %exp3A_702 : vector<200x128xf32>
    %add3A_704 = arith.addf %max3A_692, %log1p3A_703 : vector<200x128xf32>
    %select_n3A_705 = arith.select %ne3A_695, %add3A_697, %add3A_704 : vector<200x128xi1>, vector<200x128xf32>
    %mul3A_706 = arith.mulf %logistic3A_688, %select_n3A_705 : vector<200x128xf32>
    %add3A_707 = arith.addf %add3A_647, %mul3A_706 : vector<200x128xf32>
    %get3A_708 = arith.constant 0 : index
    %get3A_709 = arith.constant 12 : index
    %get3A_710 = arith.constant 0 : index
    %get3A_711 = vector.load %arg4[%get3A_708, %get3A_709, %get3A_710] : memref<200x32x16xf32, #tpu.memory_space<vmem>>, vector<200x1x16xf32>
    %get3A_712 = vector.shape_cast %get3A_711 : vector<200x1x16xf32> to vector<200x16xf32>
    %convert_element_type3A_713 = arith.truncf %get3A_712 : vector<200x16xf32> to vector<200x16xbf16>
    %get3A_714 = arith.constant 0 : index
    %get3A_715 = arith.constant 0 : index
    %get3A_716 = vector.load %arg5[%get3A_714, %get3A_715] : memref<16x128xbf16, #tpu.memory_space<vmem>>, vector<16x128xbf16>
    %dot_general3A_717 = arith.constant dense<0.000000e+00> : vector<200x128xf32>
    %dot_general3A_718 = tpu.matmul %convert_element_type3A_713, %get3A_716, %dot_general3A_717 {dimension_numbers = #tpu.dot_dimension_numbers<[1], [0], [0], [1], [0, 0, 1, 1], [], []>, transpose_lhs_hint = false} : vector<200x16xbf16>, vector<16x128xbf16>, vector<200x128xf32> -> vector<200x128xf32>
    %get3A_719 = arith.constant 0 : index
    %get3A_720 = arith.constant 0 : index
    %get3A_721 = vector.load %arg6[%get3A_719, %get3A_720] : memref<1x128xf32, #tpu.memory_space<vmem>>, vector<1x128xf32>
    %add3A_722 = vector.broadcast %get3A_721 : vector<1x128xf32> to vector<200x128xf32>
    %add3A_723 = arith.addf %dot_general3A_718, %add3A_722 : vector<200x128xf32>
    %get3A_724 = arith.constant 0 : index
    %get3A_725 = arith.constant 12 : index
    %get3A_726 = arith.constant 0 : index
    %get3A_727 = vector.load %arg3[%get3A_724, %get3A_725, %get3A_726] : memref<200x32x128xf32, #tpu.memory_space<vmem>>, vector<200x1x128xf32>
    %get3A_728 = vector.shape_cast %get3A_727 : vector<200x1x128xf32> to vector<200x128xf32>
    %mul3A_729 = arith.mulf %get3A_1, %get3A_728 : vector<200x128xf32>
    %mul3A_730 = arith.mulf %mul3A_729, %add3A_723 : vector<200x128xf32>
    %convert_element_type3A_731 = arith.truncf %mul3A_730 : vector<200x128xf32> to vector<200x128xbf16>
    %get3A_732 = arith.constant 0 : index
    %get3A_733 = arith.constant 0 : index
    %get3A_734 = vector.load %arg7[%get3A_732, %get3A_733] : memref<128x256xbf16, #tpu.memory_space<vmem>>, vector<128x256xbf16>
    %dot_general3A_735 = arith.constant dense<0.000000e+00> : vector<200x256xf32>
    %dot_general3A_736 = tpu.matmul %convert_element_type3A_731, %get3A_734, %dot_general3A_735 {dimension_numbers = #tpu.dot_dimension_numbers<[1], [0], [0], [1], [0, 0, 1, 1], [], []>, transpose_lhs_hint = false} : vector<200x128xbf16>, vector<128x256xbf16>, vector<200x256xf32> -> vector<200x256xf32>
    %get3A_737 = arith.constant 0 : index
    %get3A_738 = arith.constant 0 : index
    %get3A_739 = vector.load %arg8[%get3A_737, %get3A_738] : memref<1x256xf32, #tpu.memory_space<vmem>>, vector<1x256xf32>
    %add3A_740 = vector.broadcast %get3A_739 : vector<1x256xf32> to vector<200x256xf32>
    %add3A_741 = arith.addf %dot_general3A_736, %add3A_740 : vector<200x256xf32>
    %slice3A_742 = vector.extract_strided_slice %add3A_741 {offsets = [0, 0], sizes = [200, 128], strides = [1, 1]} : vector<200x256xf32> to vector<200x128xf32>
    %logistic3A_743 = arith.negf %slice3A_742 : vector<200x128xf32>
    %logistic3A_744 = math.exp %logistic3A_743 : vector<200x128xf32>
    %logistic3A_745 = arith.constant 1.000000e+00 : f32
    %logistic3A_746 = vector.broadcast %logistic3A_745 : f32 to vector<200x128xf32>
    %logistic3A_747 = arith.addf %logistic3A_746, %logistic3A_744 : vector<200x128xf32>
    %logistic3A_748 = arith.divf %logistic3A_746, %logistic3A_747 : vector<200x128xf32>
    %slice3A_749 = vector.extract_strided_slice %add3A_741 {offsets = [0, 128], sizes = [200, 128], strides = [1, 1]} : vector<200x256xf32> to vector<200x128xf32>
    %custom_jvp_call3A_750 = arith.constant 0.000000e+00 : f32
    %max3A_751 = vector.broadcast %custom_jvp_call3A_750 : f32 to vector<200x128xf32>
    %max3A_752 = arith.maximumf %slice3A_749, %max3A_751 : vector<200x128xf32>
    %sub3A_753 = vector.broadcast %custom_jvp_call3A_750 : f32 to vector<200x128xf32>
    %sub3A_754 = arith.subf %slice3A_749, %sub3A_753 : vector<200x128xf32>
    %ne3A_755 = arith.cmpf one, %sub3A_754, %sub3A_754 : vector<200x128xf32>
    %add3A_756 = vector.broadcast %custom_jvp_call3A_750 : f32 to vector<200x128xf32>
    %add3A_757 = arith.addf %slice3A_749, %add3A_756 : vector<200x128xf32>
    %abs3A_758 = math.absf %sub3A_754 : vector<200x128xf32>
    %neg3A_759 = arith.constant 0.000000e+00 : f32
    %neg3A_760 = vector.broadcast %neg3A_759 : f32 to vector<200x128xf32>
    %neg3A_761 = arith.subf %neg3A_760, %abs3A_758 : vector<200x128xf32>
    %exp3A_762 = math.exp %neg3A_761 : vector<200x128xf32>
    %log1p3A_763 = math.log1p %exp3A_762 : vector<200x128xf32>
    %add3A_764 = arith.addf %max3A_752, %log1p3A_763 : vector<200x128xf32>
    %select_n3A_765 = arith.select %ne3A_755, %add3A_757, %add3A_764 : vector<200x128xi1>, vector<200x128xf32>
    %mul3A_766 = arith.mulf %logistic3A_748, %select_n3A_765 : vector<200x128xf32>
    %add3A_767 = arith.addf %add3A_707, %mul3A_766 : vector<200x128xf32>
    %get3A_768 = arith.constant 0 : index
    %get3A_769 = arith.constant 13 : index
    %get3A_770 = arith.constant 0 : index
    %get3A_771 = vector.load %arg4[%get3A_768, %get3A_769, %get3A_770] : memref<200x32x16xf32, #tpu.memory_space<vmem>>, vector<200x1x16xf32>
    %get3A_772 = vector.shape_cast %get3A_771 : vector<200x1x16xf32> to vector<200x16xf32>
    %convert_element_type3A_773 = arith.truncf %get3A_772 : vector<200x16xf32> to vector<200x16xbf16>
    %get3A_774 = arith.constant 0 : index
    %get3A_775 = arith.constant 0 : index
    %get3A_776 = vector.load %arg5[%get3A_774, %get3A_775] : memref<16x128xbf16, #tpu.memory_space<vmem>>, vector<16x128xbf16>
    %dot_general3A_777 = arith.constant dense<0.000000e+00> : vector<200x128xf32>
    %dot_general3A_778 = tpu.matmul %convert_element_type3A_773, %get3A_776, %dot_general3A_777 {dimension_numbers = #tpu.dot_dimension_numbers<[1], [0], [0], [1], [0, 0, 1, 1], [], []>, transpose_lhs_hint = false} : vector<200x16xbf16>, vector<16x128xbf16>, vector<200x128xf32> -> vector<200x128xf32>
    %get3A_779 = arith.constant 0 : index
    %get3A_780 = arith.constant 0 : index
    %get3A_781 = vector.load %arg6[%get3A_779, %get3A_780] : memref<1x128xf32, #tpu.memory_space<vmem>>, vector<1x128xf32>
    %add3A_782 = vector.broadcast %get3A_781 : vector<1x128xf32> to vector<200x128xf32>
    %add3A_783 = arith.addf %dot_general3A_778, %add3A_782 : vector<200x128xf32>
    %get3A_784 = arith.constant 0 : index
    %get3A_785 = arith.constant 13 : index
    %get3A_786 = arith.constant 0 : index
    %get3A_787 = vector.load %arg3[%get3A_784, %get3A_785, %get3A_786] : memref<200x32x128xf32, #tpu.memory_space<vmem>>, vector<200x1x128xf32>
    %get3A_788 = vector.shape_cast %get3A_787 : vector<200x1x128xf32> to vector<200x128xf32>
    %mul3A_789 = arith.mulf %get3A_1, %get3A_788 : vector<200x128xf32>
    %mul3A_790 = arith.mulf %mul3A_789, %add3A_783 : vector<200x128xf32>
    %convert_element_type3A_791 = arith.truncf %mul3A_790 : vector<200x128xf32> to vector<200x128xbf16>
    %get3A_792 = arith.constant 0 : index
    %get3A_793 = arith.constant 0 : index
    %get3A_794 = vector.load %arg7[%get3A_792, %get3A_793] : memref<128x256xbf16, #tpu.memory_space<vmem>>, vector<128x256xbf16>
    %dot_general3A_795 = arith.constant dense<0.000000e+00> : vector<200x256xf32>
    %dot_general3A_796 = tpu.matmul %convert_element_type3A_791, %get3A_794, %dot_general3A_795 {dimension_numbers = #tpu.dot_dimension_numbers<[1], [0], [0], [1], [0, 0, 1, 1], [], []>, transpose_lhs_hint = false} : vector<200x128xbf16>, vector<128x256xbf16>, vector<200x256xf32> -> vector<200x256xf32>
    %get3A_797 = arith.constant 0 : index
    %get3A_798 = arith.constant 0 : index
    %get3A_799 = vector.load %arg8[%get3A_797, %get3A_798] : memref<1x256xf32, #tpu.memory_space<vmem>>, vector<1x256xf32>
    %add3A_800 = vector.broadcast %get3A_799 : vector<1x256xf32> to vector<200x256xf32>
    %add3A_801 = arith.addf %dot_general3A_796, %add3A_800 : vector<200x256xf32>
    %slice3A_802 = vector.extract_strided_slice %add3A_801 {offsets = [0, 0], sizes = [200, 128], strides = [1, 1]} : vector<200x256xf32> to vector<200x128xf32>
    %logistic3A_803 = arith.negf %slice3A_802 : vector<200x128xf32>
    %logistic3A_804 = math.exp %logistic3A_803 : vector<200x128xf32>
    %logistic3A_805 = arith.constant 1.000000e+00 : f32
    %logistic3A_806 = vector.broadcast %logistic3A_805 : f32 to vector<200x128xf32>
    %logistic3A_807 = arith.addf %logistic3A_806, %logistic3A_804 : vector<200x128xf32>
    %logistic3A_808 = arith.divf %logistic3A_806, %logistic3A_807 : vector<200x128xf32>
    %slice3A_809 = vector.extract_strided_slice %add3A_801 {offsets = [0, 128], sizes = [200, 128], strides = [1, 1]} : vector<200x256xf32> to vector<200x128xf32>
    %custom_jvp_call3A_810 = arith.constant 0.000000e+00 : f32
    %max3A_811 = vector.broadcast %custom_jvp_call3A_810 : f32 to vector<200x128xf32>
    %max3A_812 = arith.maximumf %slice3A_809, %max3A_811 : vector<200x128xf32>
    %sub3A_813 = vector.broadcast %custom_jvp_call3A_810 : f32 to vector<200x128xf32>
    %sub3A_814 = arith.subf %slice3A_809, %sub3A_813 : vector<200x128xf32>
    %ne3A_815 = arith.cmpf one, %sub3A_814, %sub3A_814 : vector<200x128xf32>
    %add3A_816 = vector.broadcast %custom_jvp_call3A_810 : f32 to vector<200x128xf32>
    %add3A_817 = arith.addf %slice3A_809, %add3A_816 : vector<200x128xf32>
    %abs3A_818 = math.absf %sub3A_814 : vector<200x128xf32>
    %neg3A_819 = arith.constant 0.000000e+00 : f32
    %neg3A_820 = vector.broadcast %neg3A_819 : f32 to vector<200x128xf32>
    %neg3A_821 = arith.subf %neg3A_820, %abs3A_818 : vector<200x128xf32>
    %exp3A_822 = math.exp %neg3A_821 : vector<200x128xf32>
    %log1p3A_823 = math.log1p %exp3A_822 : vector<200x128xf32>
    %add3A_824 = arith.addf %max3A_812, %log1p3A_823 : vector<200x128xf32>
    %select_n3A_825 = arith.select %ne3A_815, %add3A_817, %add3A_824 : vector<200x128xi1>, vector<200x128xf32>
    %mul3A_826 = arith.mulf %logistic3A_808, %select_n3A_825 : vector<200x128xf32>
    %add3A_827 = arith.addf %add3A_767, %mul3A_826 : vector<200x128xf32>
    %get3A_828 = arith.constant 0 : index
    %get3A_829 = arith.constant 14 : index
    %get3A_830 = arith.constant 0 : index
    %get3A_831 = vector.load %arg4[%get3A_828, %get3A_829, %get3A_830] : memref<200x32x16xf32, #tpu.memory_space<vmem>>, vector<200x1x16xf32>
    %get3A_832 = vector.shape_cast %get3A_831 : vector<200x1x16xf32> to vector<200x16xf32>
    %convert_element_type3A_833 = arith.truncf %get3A_832 : vector<200x16xf32> to vector<200x16xbf16>
    %get3A_834 = arith.constant 0 : index
    %get3A_835 = arith.constant 0 : index
    %get3A_836 = vector.load %arg5[%get3A_834, %get3A_835] : memref<16x128xbf16, #tpu.memory_space<vmem>>, vector<16x128xbf16>
    %dot_general3A_837 = arith.constant dense<0.000000e+00> : vector<200x128xf32>
    %dot_general3A_838 = tpu.matmul %convert_element_type3A_833, %get3A_836, %dot_general3A_837 {dimension_numbers = #tpu.dot_dimension_numbers<[1], [0], [0], [1], [0, 0, 1, 1], [], []>, transpose_lhs_hint = false} : vector<200x16xbf16>, vector<16x128xbf16>, vector<200x128xf32> -> vector<200x128xf32>
    %get3A_839 = arith.constant 0 : index
    %get3A_840 = arith.constant 0 : index
    %get3A_841 = vector.load %arg6[%get3A_839, %get3A_840] : memref<1x128xf32, #tpu.memory_space<vmem>>, vector<1x128xf32>
    %add3A_842 = vector.broadcast %get3A_841 : vector<1x128xf32> to vector<200x128xf32>
    %add3A_843 = arith.addf %dot_general3A_838, %add3A_842 : vector<200x128xf32>
    %get3A_844 = arith.constant 0 : index
    %get3A_845 = arith.constant 14 : index
    %get3A_846 = arith.constant 0 : index
    %get3A_847 = vector.load %arg3[%get3A_844, %get3A_845, %get3A_846] : memref<200x32x128xf32, #tpu.memory_space<vmem>>, vector<200x1x128xf32>
    %get3A_848 = vector.shape_cast %get3A_847 : vector<200x1x128xf32> to vector<200x128xf32>
    %mul3A_849 = arith.mulf %get3A_1, %get3A_848 : vector<200x128xf32>
    %mul3A_850 = arith.mulf %mul3A_849, %add3A_843 : vector<200x128xf32>
    %convert_element_type3A_851 = arith.truncf %mul3A_850 : vector<200x128xf32> to vector<200x128xbf16>
    %get3A_852 = arith.constant 0 : index
    %get3A_853 = arith.constant 0 : index
    %get3A_854 = vector.load %arg7[%get3A_852, %get3A_853] : memref<128x256xbf16, #tpu.memory_space<vmem>>, vector<128x256xbf16>
    %dot_general3A_855 = arith.constant dense<0.000000e+00> : vector<200x256xf32>
    %dot_general3A_856 = tpu.matmul %convert_element_type3A_851, %get3A_854, %dot_general3A_855 {dimension_numbers = #tpu.dot_dimension_numbers<[1], [0], [0], [1], [0, 0, 1, 1], [], []>, transpose_lhs_hint = false} : vector<200x128xbf16>, vector<128x256xbf16>, vector<200x256xf32> -> vector<200x256xf32>
    %get3A_857 = arith.constant 0 : index
    %get3A_858 = arith.constant 0 : index
    %get3A_859 = vector.load %arg8[%get3A_857, %get3A_858] : memref<1x256xf32, #tpu.memory_space<vmem>>, vector<1x256xf32>
    %add3A_860 = vector.broadcast %get3A_859 : vector<1x256xf32> to vector<200x256xf32>
    %add3A_861 = arith.addf %dot_general3A_856, %add3A_860 : vector<200x256xf32>
    %slice3A_862 = vector.extract_strided_slice %add3A_861 {offsets = [0, 0], sizes = [200, 128], strides = [1, 1]} : vector<200x256xf32> to vector<200x128xf32>
    %logistic3A_863 = arith.negf %slice3A_862 : vector<200x128xf32>
    %logistic3A_864 = math.exp %logistic3A_863 : vector<200x128xf32>
    %logistic3A_865 = arith.constant 1.000000e+00 : f32
    %logistic3A_866 = vector.broadcast %logistic3A_865 : f32 to vector<200x128xf32>
    %logistic3A_867 = arith.addf %logistic3A_866, %logistic3A_864 : vector<200x128xf32>
    %logistic3A_868 = arith.divf %logistic3A_866, %logistic3A_867 : vector<200x128xf32>
    %slice3A_869 = vector.extract_strided_slice %add3A_861 {offsets = [0, 128], sizes = [200, 128], strides = [1, 1]} : vector<200x256xf32> to vector<200x128xf32>
    %custom_jvp_call3A_870 = arith.constant 0.000000e+00 : f32
    %max3A_871 = vector.broadcast %custom_jvp_call3A_870 : f32 to vector<200x128xf32>
    %max3A_872 = arith.maximumf %slice3A_869, %max3A_871 : vector<200x128xf32>
    %sub3A_873 = vector.broadcast %custom_jvp_call3A_870 : f32 to vector<200x128xf32>
    %sub3A_874 = arith.subf %slice3A_869, %sub3A_873 : vector<200x128xf32>
    %ne3A_875 = arith.cmpf one, %sub3A_874, %sub3A_874 : vector<200x128xf32>
    %add3A_876 = vector.broadcast %custom_jvp_call3A_870 : f32 to vector<200x128xf32>
    %add3A_877 = arith.addf %slice3A_869, %add3A_876 : vector<200x128xf32>
    %abs3A_878 = math.absf %sub3A_874 : vector<200x128xf32>
    %neg3A_879 = arith.constant 0.000000e+00 : f32
    %neg3A_880 = vector.broadcast %neg3A_879 : f32 to vector<200x128xf32>
    %neg3A_881 = arith.subf %neg3A_880, %abs3A_878 : vector<200x128xf32>
    %exp3A_882 = math.exp %neg3A_881 : vector<200x128xf32>
    %log1p3A_883 = math.log1p %exp3A_882 : vector<200x128xf32>
    %add3A_884 = arith.addf %max3A_872, %log1p3A_883 : vector<200x128xf32>
    %select_n3A_885 = arith.select %ne3A_875, %add3A_877, %add3A_884 : vector<200x128xi1>, vector<200x128xf32>
    %mul3A_886 = arith.mulf %logistic3A_868, %select_n3A_885 : vector<200x128xf32>
    %add3A_887 = arith.addf %add3A_827, %mul3A_886 : vector<200x128xf32>
    %get3A_888 = arith.constant 0 : index
    %get3A_889 = arith.constant 15 : index
    %get3A_890 = arith.constant 0 : index
    %get3A_891 = vector.load %arg4[%get3A_888, %get3A_889, %get3A_890] : memref<200x32x16xf32, #tpu.memory_space<vmem>>, vector<200x1x16xf32>
    %get3A_892 = vector.shape_cast %get3A_891 : vector<200x1x16xf32> to vector<200x16xf32>
    %convert_element_type3A_893 = arith.truncf %get3A_892 : vector<200x16xf32> to vector<200x16xbf16>
    %get3A_894 = arith.constant 0 : index
    %get3A_895 = arith.constant 0 : index
    %get3A_896 = vector.load %arg5[%get3A_894, %get3A_895] : memref<16x128xbf16, #tpu.memory_space<vmem>>, vector<16x128xbf16>
    %dot_general3A_897 = arith.constant dense<0.000000e+00> : vector<200x128xf32>
    %dot_general3A_898 = tpu.matmul %convert_element_type3A_893, %get3A_896, %dot_general3A_897 {dimension_numbers = #tpu.dot_dimension_numbers<[1], [0], [0], [1], [0, 0, 1, 1], [], []>, transpose_lhs_hint = false} : vector<200x16xbf16>, vector<16x128xbf16>, vector<200x128xf32> -> vector<200x128xf32>
    %get3A_899 = arith.constant 0 : index
    %get3A_900 = arith.constant 0 : index
    %get3A_901 = vector.load %arg6[%get3A_899, %get3A_900] : memref<1x128xf32, #tpu.memory_space<vmem>>, vector<1x128xf32>
    %add3A_902 = vector.broadcast %get3A_901 : vector<1x128xf32> to vector<200x128xf32>
    %add3A_903 = arith.addf %dot_general3A_898, %add3A_902 : vector<200x128xf32>
    %get3A_904 = arith.constant 0 : index
    %get3A_905 = arith.constant 15 : index
    %get3A_906 = arith.constant 0 : index
    %get3A_907 = vector.load %arg3[%get3A_904, %get3A_905, %get3A_906] : memref<200x32x128xf32, #tpu.memory_space<vmem>>, vector<200x1x128xf32>
    %get3A_908 = vector.shape_cast %get3A_907 : vector<200x1x128xf32> to vector<200x128xf32>
    %mul3A_909 = arith.mulf %get3A_1, %get3A_908 : vector<200x128xf32>
    %mul3A_910 = arith.mulf %mul3A_909, %add3A_903 : vector<200x128xf32>
    %convert_element_type3A_911 = arith.truncf %mul3A_910 : vector<200x128xf32> to vector<200x128xbf16>
    %get3A_912 = arith.constant 0 : index
    %get3A_913 = arith.constant 0 : index
    %get3A_914 = vector.load %arg7[%get3A_912, %get3A_913] : memref<128x256xbf16, #tpu.memory_space<vmem>>, vector<128x256xbf16>
    %dot_general3A_915 = arith.constant dense<0.000000e+00> : vector<200x256xf32>
    %dot_general3A_916 = tpu.matmul %convert_element_type3A_911, %get3A_914, %dot_general3A_915 {dimension_numbers = #tpu.dot_dimension_numbers<[1], [0], [0], [1], [0, 0, 1, 1], [], []>, transpose_lhs_hint = false} : vector<200x128xbf16>, vector<128x256xbf16>, vector<200x256xf32> -> vector<200x256xf32>
    %get3A_917 = arith.constant 0 : index
    %get3A_918 = arith.constant 0 : index
    %get3A_919 = vector.load %arg8[%get3A_917, %get3A_918] : memref<1x256xf32, #tpu.memory_space<vmem>>, vector<1x256xf32>
    %add3A_920 = vector.broadcast %get3A_919 : vector<1x256xf32> to vector<200x256xf32>
    %add3A_921 = arith.addf %dot_general3A_916, %add3A_920 : vector<200x256xf32>
    %slice3A_922 = vector.extract_strided_slice %add3A_921 {offsets = [0, 0], sizes = [200, 128], strides = [1, 1]} : vector<200x256xf32> to vector<200x128xf32>
    %logistic3A_923 = arith.negf %slice3A_922 : vector<200x128xf32>
    %logistic3A_924 = math.exp %logistic3A_923 : vector<200x128xf32>
    %logistic3A_925 = arith.constant 1.000000e+00 : f32
    %logistic3A_926 = vector.broadcast %logistic3A_925 : f32 to vector<200x128xf32>
    %logistic3A_927 = arith.addf %logistic3A_926, %logistic3A_924 : vector<200x128xf32>
    %logistic3A_928 = arith.divf %logistic3A_926, %logistic3A_927 : vector<200x128xf32>
    %slice3A_929 = vector.extract_strided_slice %add3A_921 {offsets = [0, 128], sizes = [200, 128], strides = [1, 1]} : vector<200x256xf32> to vector<200x128xf32>
    %custom_jvp_call3A_930 = arith.constant 0.000000e+00 : f32
    %max3A_931 = vector.broadcast %custom_jvp_call3A_930 : f32 to vector<200x128xf32>
    %max3A_932 = arith.maximumf %slice3A_929, %max3A_931 : vector<200x128xf32>
    %sub3A_933 = vector.broadcast %custom_jvp_call3A_930 : f32 to vector<200x128xf32>
    %sub3A_934 = arith.subf %slice3A_929, %sub3A_933 : vector<200x128xf32>
    %ne3A_935 = arith.cmpf one, %sub3A_934, %sub3A_934 : vector<200x128xf32>
    %add3A_936 = vector.broadcast %custom_jvp_call3A_930 : f32 to vector<200x128xf32>
    %add3A_937 = arith.addf %slice3A_929, %add3A_936 : vector<200x128xf32>
    %abs3A_938 = math.absf %sub3A_934 : vector<200x128xf32>
    %neg3A_939 = arith.constant 0.000000e+00 : f32
    %neg3A_940 = vector.broadcast %neg3A_939 : f32 to vector<200x128xf32>
    %neg3A_941 = arith.subf %neg3A_940, %abs3A_938 : vector<200x128xf32>
    %exp3A_942 = math.exp %neg3A_941 : vector<200x128xf32>
    %log1p3A_943 = math.log1p %exp3A_942 : vector<200x128xf32>
    %add3A_944 = arith.addf %max3A_932, %log1p3A_943 : vector<200x128xf32>
    %select_n3A_945 = arith.select %ne3A_935, %add3A_937, %add3A_944 : vector<200x128xi1>, vector<200x128xf32>
    %mul3A_946 = arith.mulf %logistic3A_928, %select_n3A_945 : vector<200x128xf32>
    %add3A_947 = arith.addf %add3A_887, %mul3A_946 : vector<200x128xf32>
    %get3A_948 = arith.constant 0 : index
    %get3A_949 = arith.constant 16 : index
    %get3A_950 = arith.constant 0 : index
    %get3A_951 = vector.load %arg4[%get3A_948, %get3A_949, %get3A_950] : memref<200x32x16xf32, #tpu.memory_space<vmem>>, vector<200x1x16xf32>
    %get3A_952 = vector.shape_cast %get3A_951 : vector<200x1x16xf32> to vector<200x16xf32>
    %convert_element_type3A_953 = arith.truncf %get3A_952 : vector<200x16xf32> to vector<200x16xbf16>
    %get3A_954 = arith.constant 0 : index
    %get3A_955 = arith.constant 0 : index
    %get3A_956 = vector.load %arg5[%get3A_954, %get3A_955] : memref<16x128xbf16, #tpu.memory_space<vmem>>, vector<16x128xbf16>
    %dot_general3A_957 = arith.constant dense<0.000000e+00> : vector<200x128xf32>
    %dot_general3A_958 = tpu.matmul %convert_element_type3A_953, %get3A_956, %dot_general3A_957 {dimension_numbers = #tpu.dot_dimension_numbers<[1], [0], [0], [1], [0, 0, 1, 1], [], []>, transpose_lhs_hint = false} : vector<200x16xbf16>, vector<16x128xbf16>, vector<200x128xf32> -> vector<200x128xf32>
    %get3A_959 = arith.constant 0 : index
    %get3A_960 = arith.constant 0 : index
    %get3A_961 = vector.load %arg6[%get3A_959, %get3A_960] : memref<1x128xf32, #tpu.memory_space<vmem>>, vector<1x128xf32>
    %add3A_962 = vector.broadcast %get3A_961 : vector<1x128xf32> to vector<200x128xf32>
    %add3A_963 = arith.addf %dot_general3A_958, %add3A_962 : vector<200x128xf32>
    %get3A_964 = arith.constant 0 : index
    %get3A_965 = arith.constant 16 : index
    %get3A_966 = arith.constant 0 : index
    %get3A_967 = vector.load %arg3[%get3A_964, %get3A_965, %get3A_966] : memref<200x32x128xf32, #tpu.memory_space<vmem>>, vector<200x1x128xf32>
    %get3A_968 = vector.shape_cast %get3A_967 : vector<200x1x128xf32> to vector<200x128xf32>
    %mul3A_969 = arith.mulf %get3A_1, %get3A_968 : vector<200x128xf32>
    %mul3A_970 = arith.mulf %mul3A_969, %add3A_963 : vector<200x128xf32>
    %convert_element_type3A_971 = arith.truncf %mul3A_970 : vector<200x128xf32> to vector<200x128xbf16>
    %get3A_972 = arith.constant 0 : index
    %get3A_973 = arith.constant 0 : index
    %get3A_974 = vector.load %arg7[%get3A_972, %get3A_973] : memref<128x256xbf16, #tpu.memory_space<vmem>>, vector<128x256xbf16>
    %dot_general3A_975 = arith.constant dense<0.000000e+00> : vector<200x256xf32>
    %dot_general3A_976 = tpu.matmul %convert_element_type3A_971, %get3A_974, %dot_general3A_975 {dimension_numbers = #tpu.dot_dimension_numbers<[1], [0], [0], [1], [0, 0, 1, 1], [], []>, transpose_lhs_hint = false} : vector<200x128xbf16>, vector<128x256xbf16>, vector<200x256xf32> -> vector<200x256xf32>
    %get3A_977 = arith.constant 0 : index
    %get3A_978 = arith.constant 0 : index
    %get3A_979 = vector.load %arg8[%get3A_977, %get3A_978] : memref<1x256xf32, #tpu.memory_space<vmem>>, vector<1x256xf32>
    %add3A_980 = vector.broadcast %get3A_979 : vector<1x256xf32> to vector<200x256xf32>
    %add3A_981 = arith.addf %dot_general3A_976, %add3A_980 : vector<200x256xf32>
    %slice3A_982 = vector.extract_strided_slice %add3A_981 {offsets = [0, 0], sizes = [200, 128], strides = [1, 1]} : vector<200x256xf32> to vector<200x128xf32>
    %logistic3A_983 = arith.negf %slice3A_982 : vector<200x128xf32>
    %logistic3A_984 = math.exp %logistic3A_983 : vector<200x128xf32>
    %logistic3A_985 = arith.constant 1.000000e+00 : f32
    %logistic3A_986 = vector.broadcast %logistic3A_985 : f32 to vector<200x128xf32>
    %logistic3A_987 = arith.addf %logistic3A_986, %logistic3A_984 : vector<200x128xf32>
    %logistic3A_988 = arith.divf %logistic3A_986, %logistic3A_987 : vector<200x128xf32>
    %slice3A_989 = vector.extract_strided_slice %add3A_981 {offsets = [0, 128], sizes = [200, 128], strides = [1, 1]} : vector<200x256xf32> to vector<200x128xf32>
    %custom_jvp_call3A_990 = arith.constant 0.000000e+00 : f32
    %max3A_991 = vector.broadcast %custom_jvp_call3A_990 : f32 to vector<200x128xf32>
    %max3A_992 = arith.maximumf %slice3A_989, %max3A_991 : vector<200x128xf32>
    %sub3A_993 = vector.broadcast %custom_jvp_call3A_990 : f32 to vector<200x128xf32>
    %sub3A_994 = arith.subf %slice3A_989, %sub3A_993 : vector<200x128xf32>
    %ne3A_995 = arith.cmpf one, %sub3A_994, %sub3A_994 : vector<200x128xf32>
    %add3A_996 = vector.broadcast %custom_jvp_call3A_990 : f32 to vector<200x128xf32>
    %add3A_997 = arith.addf %slice3A_989, %add3A_996 : vector<200x128xf32>
    %abs3A_998 = math.absf %sub3A_994 : vector<200x128xf32>
    %neg3A_999 = arith.constant 0.000000e+00 : f32
    %neg3A_1000 = vector.broadcast %neg3A_999 : f32 to vector<200x128xf32>
    %neg3A_1001 = arith.subf %neg3A_1000, %abs3A_998 : vector<200x128xf32>
    %exp3A_1002 = math.exp %neg3A_1001 : vector<200x128xf32>
    %log1p3A_1003 = math.log1p %exp3A_1002 : vector<200x128xf32>
    %add3A_1004 = arith.addf %max3A_992, %log1p3A_1003 : vector<200x128xf32>
    %select_n3A_1005 = arith.select %ne3A_995, %add3A_997, %add3A_1004 : vector<200x128xi1>, vector<200x128xf32>
    %mul3A_1006 = arith.mulf %logistic3A_988, %select_n3A_1005 : vector<200x128xf32>
    %add3A_1007 = arith.addf %add3A_947, %mul3A_1006 : vector<200x128xf32>
    %get3A_1008 = arith.constant 0 : index
    %get3A_1009 = arith.constant 17 : index
    %get3A_1010 = arith.constant 0 : index
    %get3A_1011 = vector.load %arg4[%get3A_1008, %get3A_1009, %get3A_1010] : memref<200x32x16xf32, #tpu.memory_space<vmem>>, vector<200x1x16xf32>
    %get3A_1012 = vector.shape_cast %get3A_1011 : vector<200x1x16xf32> to vector<200x16xf32>
    %convert_element_type3A_1013 = arith.truncf %get3A_1012 : vector<200x16xf32> to vector<200x16xbf16>
    %get3A_1014 = arith.constant 0 : index
    %get3A_1015 = arith.constant 0 : index
    %get3A_1016 = vector.load %arg5[%get3A_1014, %get3A_1015] : memref<16x128xbf16, #tpu.memory_space<vmem>>, vector<16x128xbf16>
    %dot_general3A_1017 = arith.constant dense<0.000000e+00> : vector<200x128xf32>
    %dot_general3A_1018 = tpu.matmul %convert_element_type3A_1013, %get3A_1016, %dot_general3A_1017 {dimension_numbers = #tpu.dot_dimension_numbers<[1], [0], [0], [1], [0, 0, 1, 1], [], []>, transpose_lhs_hint = false} : vector<200x16xbf16>, vector<16x128xbf16>, vector<200x128xf32> -> vector<200x128xf32>
    %get3A_1019 = arith.constant 0 : index
    %get3A_1020 = arith.constant 0 : index
    %get3A_1021 = vector.load %arg6[%get3A_1019, %get3A_1020] : memref<1x128xf32, #tpu.memory_space<vmem>>, vector<1x128xf32>
    %add3A_1022 = vector.broadcast %get3A_1021 : vector<1x128xf32> to vector<200x128xf32>
    %add3A_1023 = arith.addf %dot_general3A_1018, %add3A_1022 : vector<200x128xf32>
    %get3A_1024 = arith.constant 0 : index
    %get3A_1025 = arith.constant 17 : index
    %get3A_1026 = arith.constant 0 : index
    %get3A_1027 = vector.load %arg3[%get3A_1024, %get3A_1025, %get3A_1026] : memref<200x32x128xf32, #tpu.memory_space<vmem>>, vector<200x1x128xf32>
    %get3A_1028 = vector.shape_cast %get3A_1027 : vector<200x1x128xf32> to vector<200x128xf32>
    %mul3A_1029 = arith.mulf %get3A_1, %get3A_1028 : vector<200x128xf32>
    %mul3A_1030 = arith.mulf %mul3A_1029, %add3A_1023 : vector<200x128xf32>
    %convert_element_type3A_1031 = arith.truncf %mul3A_1030 : vector<200x128xf32> to vector<200x128xbf16>
    %get3A_1032 = arith.constant 0 : index
    %get3A_1033 = arith.constant 0 : index
    %get3A_1034 = vector.load %arg7[%get3A_1032, %get3A_1033] : memref<128x256xbf16, #tpu.memory_space<vmem>>, vector<128x256xbf16>
    %dot_general3A_1035 = arith.constant dense<0.000000e+00> : vector<200x256xf32>
    %dot_general3A_1036 = tpu.matmul %convert_element_type3A_1031, %get3A_1034, %dot_general3A_1035 {dimension_numbers = #tpu.dot_dimension_numbers<[1], [0], [0], [1], [0, 0, 1, 1], [], []>, transpose_lhs_hint = false} : vector<200x128xbf16>, vector<128x256xbf16>, vector<200x256xf32> -> vector<200x256xf32>
    %get3A_1037 = arith.constant 0 : index
    %get3A_1038 = arith.constant 0 : index
    %get3A_1039 = vector.load %arg8[%get3A_1037, %get3A_1038] : memref<1x256xf32, #tpu.memory_space<vmem>>, vector<1x256xf32>
    %add3A_1040 = vector.broadcast %get3A_1039 : vector<1x256xf32> to vector<200x256xf32>
    %add3A_1041 = arith.addf %dot_general3A_1036, %add3A_1040 : vector<200x256xf32>
    %slice3A_1042 = vector.extract_strided_slice %add3A_1041 {offsets = [0, 0], sizes = [200, 128], strides = [1, 1]} : vector<200x256xf32> to vector<200x128xf32>
    %logistic3A_1043 = arith.negf %slice3A_1042 : vector<200x128xf32>
    %logistic3A_1044 = math.exp %logistic3A_1043 : vector<200x128xf32>
    %logistic3A_1045 = arith.constant 1.000000e+00 : f32
    %logistic3A_1046 = vector.broadcast %logistic3A_1045 : f32 to vector<200x128xf32>
    %logistic3A_1047 = arith.addf %logistic3A_1046, %logistic3A_1044 : vector<200x128xf32>
    %logistic3A_1048 = arith.divf %logistic3A_1046, %logistic3A_1047 : vector<200x128xf32>
    %slice3A_1049 = vector.extract_strided_slice %add3A_1041 {offsets = [0, 128], sizes = [200, 128], strides = [1, 1]} : vector<200x256xf32> to vector<200x128xf32>
    %custom_jvp_call3A_1050 = arith.constant 0.000000e+00 : f32
    %max3A_1051 = vector.broadcast %custom_jvp_call3A_1050 : f32 to vector<200x128xf32>
    %max3A_1052 = arith.maximumf %slice3A_1049, %max3A_1051 : vector<200x128xf32>
    %sub3A_1053 = vector.broadcast %custom_jvp_call3A_1050 : f32 to vector<200x128xf32>
    %sub3A_1054 = arith.subf %slice3A_1049, %sub3A_1053 : vector<200x128xf32>
    %ne3A_1055 = arith.cmpf one, %sub3A_1054, %sub3A_1054 : vector<200x128xf32>
    %add3A_1056 = vector.broadcast %custom_jvp_call3A_1050 : f32 to vector<200x128xf32>
    %add3A_1057 = arith.addf %slice3A_1049, %add3A_1056 : vector<200x128xf32>
    %abs3A_1058 = math.absf %sub3A_1054 : vector<200x128xf32>
    %neg3A_1059 = arith.constant 0.000000e+00 : f32
    %neg3A_1060 = vector.broadcast %neg3A_1059 : f32 to vector<200x128xf32>
    %neg3A_1061 = arith.subf %neg3A_1060, %abs3A_1058 : vector<200x128xf32>
    %exp3A_1062 = math.exp %neg3A_1061 : vector<200x128xf32>
    %log1p3A_1063 = math.log1p %exp3A_1062 : vector<200x128xf32>
    %add3A_1064 = arith.addf %max3A_1052, %log1p3A_1063 : vector<200x128xf32>
    %select_n3A_1065 = arith.select %ne3A_1055, %add3A_1057, %add3A_1064 : vector<200x128xi1>, vector<200x128xf32>
    %mul3A_1066 = arith.mulf %logistic3A_1048, %select_n3A_1065 : vector<200x128xf32>
    %add3A_1067 = arith.addf %add3A_1007, %mul3A_1066 : vector<200x128xf32>
    %get3A_1068 = arith.constant 0 : index
    %get3A_1069 = arith.constant 18 : index
    %get3A_1070 = arith.constant 0 : index
    %get3A_1071 = vector.load %arg4[%get3A_1068, %get3A_1069, %get3A_1070] : memref<200x32x16xf32, #tpu.memory_space<vmem>>, vector<200x1x16xf32>
    %get3A_1072 = vector.shape_cast %get3A_1071 : vector<200x1x16xf32> to vector<200x16xf32>
    %convert_element_type3A_1073 = arith.truncf %get3A_1072 : vector<200x16xf32> to vector<200x16xbf16>
    %get3A_1074 = arith.constant 0 : index
    %get3A_1075 = arith.constant 0 : index
    %get3A_1076 = vector.load %arg5[%get3A_1074, %get3A_1075] : memref<16x128xbf16, #tpu.memory_space<vmem>>, vector<16x128xbf16>
    %dot_general3A_1077 = arith.constant dense<0.000000e+00> : vector<200x128xf32>
    %dot_general3A_1078 = tpu.matmul %convert_element_type3A_1073, %get3A_1076, %dot_general3A_1077 {dimension_numbers = #tpu.dot_dimension_numbers<[1], [0], [0], [1], [0, 0, 1, 1], [], []>, transpose_lhs_hint = false} : vector<200x16xbf16>, vector<16x128xbf16>, vector<200x128xf32> -> vector<200x128xf32>
    %get3A_1079 = arith.constant 0 : index
    %get3A_1080 = arith.constant 0 : index
    %get3A_1081 = vector.load %arg6[%get3A_1079, %get3A_1080] : memref<1x128xf32, #tpu.memory_space<vmem>>, vector<1x128xf32>
    %add3A_1082 = vector.broadcast %get3A_1081 : vector<1x128xf32> to vector<200x128xf32>
    %add3A_1083 = arith.addf %dot_general3A_1078, %add3A_1082 : vector<200x128xf32>
    %get3A_1084 = arith.constant 0 : index
    %get3A_1085 = arith.constant 18 : index
    %get3A_1086 = arith.constant 0 : index
    %get3A_1087 = vector.load %arg3[%get3A_1084, %get3A_1085, %get3A_1086] : memref<200x32x128xf32, #tpu.memory_space<vmem>>, vector<200x1x128xf32>
    %get3A_1088 = vector.shape_cast %get3A_1087 : vector<200x1x128xf32> to vector<200x128xf32>
    %mul3A_1089 = arith.mulf %get3A_1, %get3A_1088 : vector<200x128xf32>
    %mul3A_1090 = arith.mulf %mul3A_1089, %add3A_1083 : vector<200x128xf32>
    %convert_element_type3A_1091 = arith.truncf %mul3A_1090 : vector<200x128xf32> to vector<200x128xbf16>
    %get3A_1092 = arith.constant 0 : index
    %get3A_1093 = arith.constant 0 : index
    %get3A_1094 = vector.load %arg7[%get3A_1092, %get3A_1093] : memref<128x256xbf16, #tpu.memory_space<vmem>>, vector<128x256xbf16>
    %dot_general3A_1095 = arith.constant dense<0.000000e+00> : vector<200x256xf32>
    %dot_general3A_1096 = tpu.matmul %convert_element_type3A_1091, %get3A_1094, %dot_general3A_1095 {dimension_numbers = #tpu.dot_dimension_numbers<[1], [0], [0], [1], [0, 0, 1, 1], [], []>, transpose_lhs_hint = false} : vector<200x128xbf16>, vector<128x256xbf16>, vector<200x256xf32> -> vector<200x256xf32>
    %get3A_1097 = arith.constant 0 : index
    %get3A_1098 = arith.constant 0 : index
    %get3A_1099 = vector.load %arg8[%get3A_1097, %get3A_1098] : memref<1x256xf32, #tpu.memory_space<vmem>>, vector<1x256xf32>
    %add3A_1100 = vector.broadcast %get3A_1099 : vector<1x256xf32> to vector<200x256xf32>
    %add3A_1101 = arith.addf %dot_general3A_1096, %add3A_1100 : vector<200x256xf32>
    %slice3A_1102 = vector.extract_strided_slice %add3A_1101 {offsets = [0, 0], sizes = [200, 128], strides = [1, 1]} : vector<200x256xf32> to vector<200x128xf32>
    %logistic3A_1103 = arith.negf %slice3A_1102 : vector<200x128xf32>
    %logistic3A_1104 = math.exp %logistic3A_1103 : vector<200x128xf32>
    %logistic3A_1105 = arith.constant 1.000000e+00 : f32
    %logistic3A_1106 = vector.broadcast %logistic3A_1105 : f32 to vector<200x128xf32>
    %logistic3A_1107 = arith.addf %logistic3A_1106, %logistic3A_1104 : vector<200x128xf32>
    %logistic3A_1108 = arith.divf %logistic3A_1106, %logistic3A_1107 : vector<200x128xf32>
    %slice3A_1109 = vector.extract_strided_slice %add3A_1101 {offsets = [0, 128], sizes = [200, 128], strides = [1, 1]} : vector<200x256xf32> to vector<200x128xf32>
    %custom_jvp_call3A_1110 = arith.constant 0.000000e+00 : f32
    %max3A_1111 = vector.broadcast %custom_jvp_call3A_1110 : f32 to vector<200x128xf32>
    %max3A_1112 = arith.maximumf %slice3A_1109, %max3A_1111 : vector<200x128xf32>
    %sub3A_1113 = vector.broadcast %custom_jvp_call3A_1110 : f32 to vector<200x128xf32>
    %sub3A_1114 = arith.subf %slice3A_1109, %sub3A_1113 : vector<200x128xf32>
    %ne3A_1115 = arith.cmpf one, %sub3A_1114, %sub3A_1114 : vector<200x128xf32>
    %add3A_1116 = vector.broadcast %custom_jvp_call3A_1110 : f32 to vector<200x128xf32>
    %add3A_1117 = arith.addf %slice3A_1109, %add3A_1116 : vector<200x128xf32>
    %abs3A_1118 = math.absf %sub3A_1114 : vector<200x128xf32>
    %neg3A_1119 = arith.constant 0.000000e+00 : f32
    %neg3A_1120 = vector.broadcast %neg3A_1119 : f32 to vector<200x128xf32>
    %neg3A_1121 = arith.subf %neg3A_1120, %abs3A_1118 : vector<200x128xf32>
    %exp3A_1122 = math.exp %neg3A_1121 : vector<200x128xf32>
    %log1p3A_1123 = math.log1p %exp3A_1122 : vector<200x128xf32>
    %add3A_1124 = arith.addf %max3A_1112, %log1p3A_1123 : vector<200x128xf32>
    %select_n3A_1125 = arith.select %ne3A_1115, %add3A_1117, %add3A_1124 : vector<200x128xi1>, vector<200x128xf32>
    %mul3A_1126 = arith.mulf %logistic3A_1108, %select_n3A_1125 : vector<200x128xf32>
    %add3A_1127 = arith.addf %add3A_1067, %mul3A_1126 : vector<200x128xf32>
    %get3A_1128 = arith.constant 0 : index
    %get3A_1129 = arith.constant 19 : index
    %get3A_1130 = arith.constant 0 : index
    %get3A_1131 = vector.load %arg4[%get3A_1128, %get3A_1129, %get3A_1130] : memref<200x32x16xf32, #tpu.memory_space<vmem>>, vector<200x1x16xf32>
    %get3A_1132 = vector.shape_cast %get3A_1131 : vector<200x1x16xf32> to vector<200x16xf32>
    %convert_element_type3A_1133 = arith.truncf %get3A_1132 : vector<200x16xf32> to vector<200x16xbf16>
    %get3A_1134 = arith.constant 0 : index
    %get3A_1135 = arith.constant 0 : index
    %get3A_1136 = vector.load %arg5[%get3A_1134, %get3A_1135] : memref<16x128xbf16, #tpu.memory_space<vmem>>, vector<16x128xbf16>
    %dot_general3A_1137 = arith.constant dense<0.000000e+00> : vector<200x128xf32>
    %dot_general3A_1138 = tpu.matmul %convert_element_type3A_1133, %get3A_1136, %dot_general3A_1137 {dimension_numbers = #tpu.dot_dimension_numbers<[1], [0], [0], [1], [0, 0, 1, 1], [], []>, transpose_lhs_hint = false} : vector<200x16xbf16>, vector<16x128xbf16>, vector<200x128xf32> -> vector<200x128xf32>
    %get3A_1139 = arith.constant 0 : index
    %get3A_1140 = arith.constant 0 : index
    %get3A_1141 = vector.load %arg6[%get3A_1139, %get3A_1140] : memref<1x128xf32, #tpu.memory_space<vmem>>, vector<1x128xf32>
    %add3A_1142 = vector.broadcast %get3A_1141 : vector<1x128xf32> to vector<200x128xf32>
    %add3A_1143 = arith.addf %dot_general3A_1138, %add3A_1142 : vector<200x128xf32>
    %get3A_1144 = arith.constant 0 : index
    %get3A_1145 = arith.constant 19 : index
    %get3A_1146 = arith.constant 0 : index
    %get3A_1147 = vector.load %arg3[%get3A_1144, %get3A_1145, %get3A_1146] : memref<200x32x128xf32, #tpu.memory_space<vmem>>, vector<200x1x128xf32>
    %get3A_1148 = vector.shape_cast %get3A_1147 : vector<200x1x128xf32> to vector<200x128xf32>
    %mul3A_1149 = arith.mulf %get3A_1, %get3A_1148 : vector<200x128xf32>
    %mul3A_1150 = arith.mulf %mul3A_1149, %add3A_1143 : vector<200x128xf32>
    %convert_element_type3A_1151 = arith.truncf %mul3A_1150 : vector<200x128xf32> to vector<200x128xbf16>
    %get3A_1152 = arith.constant 0 : index
    %get3A_1153 = arith.constant 0 : index
    %get3A_1154 = vector.load %arg7[%get3A_1152, %get3A_1153] : memref<128x256xbf16, #tpu.memory_space<vmem>>, vector<128x256xbf16>
    %dot_general3A_1155 = arith.constant dense<0.000000e+00> : vector<200x256xf32>
    %dot_general3A_1156 = tpu.matmul %convert_element_type3A_1151, %get3A_1154, %dot_general3A_1155 {dimension_numbers = #tpu.dot_dimension_numbers<[1], [0], [0], [1], [0, 0, 1, 1], [], []>, transpose_lhs_hint = false} : vector<200x128xbf16>, vector<128x256xbf16>, vector<200x256xf32> -> vector<200x256xf32>
    %get3A_1157 = arith.constant 0 : index
    %get3A_1158 = arith.constant 0 : index
    %get3A_1159 = vector.load %arg8[%get3A_1157, %get3A_1158] : memref<1x256xf32, #tpu.memory_space<vmem>>, vector<1x256xf32>
    %add3A_1160 = vector.broadcast %get3A_1159 : vector<1x256xf32> to vector<200x256xf32>
    %add3A_1161 = arith.addf %dot_general3A_1156, %add3A_1160 : vector<200x256xf32>
    %slice3A_1162 = vector.extract_strided_slice %add3A_1161 {offsets = [0, 0], sizes = [200, 128], strides = [1, 1]} : vector<200x256xf32> to vector<200x128xf32>
    %logistic3A_1163 = arith.negf %slice3A_1162 : vector<200x128xf32>
    %logistic3A_1164 = math.exp %logistic3A_1163 : vector<200x128xf32>
    %logistic3A_1165 = arith.constant 1.000000e+00 : f32
    %logistic3A_1166 = vector.broadcast %logistic3A_1165 : f32 to vector<200x128xf32>
    %logistic3A_1167 = arith.addf %logistic3A_1166, %logistic3A_1164 : vector<200x128xf32>
    %logistic3A_1168 = arith.divf %logistic3A_1166, %logistic3A_1167 : vector<200x128xf32>
    %slice3A_1169 = vector.extract_strided_slice %add3A_1161 {offsets = [0, 128], sizes = [200, 128], strides = [1, 1]} : vector<200x256xf32> to vector<200x128xf32>
    %custom_jvp_call3A_1170 = arith.constant 0.000000e+00 : f32
    %max3A_1171 = vector.broadcast %custom_jvp_call3A_1170 : f32 to vector<200x128xf32>
    %max3A_1172 = arith.maximumf %slice3A_1169, %max3A_1171 : vector<200x128xf32>
    %sub3A_1173 = vector.broadcast %custom_jvp_call3A_1170 : f32 to vector<200x128xf32>
    %sub3A_1174 = arith.subf %slice3A_1169, %sub3A_1173 : vector<200x128xf32>
    %ne3A_1175 = arith.cmpf one, %sub3A_1174, %sub3A_1174 : vector<200x128xf32>
    %add3A_1176 = vector.broadcast %custom_jvp_call3A_1170 : f32 to vector<200x128xf32>
    %add3A_1177 = arith.addf %slice3A_1169, %add3A_1176 : vector<200x128xf32>
    %abs3A_1178 = math.absf %sub3A_1174 : vector<200x128xf32>
    %neg3A_1179 = arith.constant 0.000000e+00 : f32
    %neg3A_1180 = vector.broadcast %neg3A_1179 : f32 to vector<200x128xf32>
    %neg3A_1181 = arith.subf %neg3A_1180, %abs3A_1178 : vector<200x128xf32>
    %exp3A_1182 = math.exp %neg3A_1181 : vector<200x128xf32>
    %log1p3A_1183 = math.log1p %exp3A_1182 : vector<200x128xf32>
    %add3A_1184 = arith.addf %max3A_1172, %log1p3A_1183 : vector<200x128xf32>
    %select_n3A_1185 = arith.select %ne3A_1175, %add3A_1177, %add3A_1184 : vector<200x128xi1>, vector<200x128xf32>
    %mul3A_1186 = arith.mulf %logistic3A_1168, %select_n3A_1185 : vector<200x128xf32>
    %add3A_1187 = arith.addf %add3A_1127, %mul3A_1186 : vector<200x128xf32>
    %get3A_1188 = arith.constant 0 : index
    %get3A_1189 = arith.constant 20 : index
    %get3A_1190 = arith.constant 0 : index
    %get3A_1191 = vector.load %arg4[%get3A_1188, %get3A_1189, %get3A_1190] : memref<200x32x16xf32, #tpu.memory_space<vmem>>, vector<200x1x16xf32>
    %get3A_1192 = vector.shape_cast %get3A_1191 : vector<200x1x16xf32> to vector<200x16xf32>
    %convert_element_type3A_1193 = arith.truncf %get3A_1192 : vector<200x16xf32> to vector<200x16xbf16>
    %get3A_1194 = arith.constant 0 : index
    %get3A_1195 = arith.constant 0 : index
    %get3A_1196 = vector.load %arg5[%get3A_1194, %get3A_1195] : memref<16x128xbf16, #tpu.memory_space<vmem>>, vector<16x128xbf16>
    %dot_general3A_1197 = arith.constant dense<0.000000e+00> : vector<200x128xf32>
    %dot_general3A_1198 = tpu.matmul %convert_element_type3A_1193, %get3A_1196, %dot_general3A_1197 {dimension_numbers = #tpu.dot_dimension_numbers<[1], [0], [0], [1], [0, 0, 1, 1], [], []>, transpose_lhs_hint = false} : vector<200x16xbf16>, vector<16x128xbf16>, vector<200x128xf32> -> vector<200x128xf32>
    %get3A_1199 = arith.constant 0 : index
    %get3A_1200 = arith.constant 0 : index
    %get3A_1201 = vector.load %arg6[%get3A_1199, %get3A_1200] : memref<1x128xf32, #tpu.memory_space<vmem>>, vector<1x128xf32>
    %add3A_1202 = vector.broadcast %get3A_1201 : vector<1x128xf32> to vector<200x128xf32>
    %add3A_1203 = arith.addf %dot_general3A_1198, %add3A_1202 : vector<200x128xf32>
    %get3A_1204 = arith.constant 0 : index
    %get3A_1205 = arith.constant 20 : index
    %get3A_1206 = arith.constant 0 : index
    %get3A_1207 = vector.load %arg3[%get3A_1204, %get3A_1205, %get3A_1206] : memref<200x32x128xf32, #tpu.memory_space<vmem>>, vector<200x1x128xf32>
    %get3A_1208 = vector.shape_cast %get3A_1207 : vector<200x1x128xf32> to vector<200x128xf32>
    %mul3A_1209 = arith.mulf %get3A_1, %get3A_1208 : vector<200x128xf32>
    %mul3A_1210 = arith.mulf %mul3A_1209, %add3A_1203 : vector<200x128xf32>
    %convert_element_type3A_1211 = arith.truncf %mul3A_1210 : vector<200x128xf32> to vector<200x128xbf16>
    %get3A_1212 = arith.constant 0 : index
    %get3A_1213 = arith.constant 0 : index
    %get3A_1214 = vector.load %arg7[%get3A_1212, %get3A_1213] : memref<128x256xbf16, #tpu.memory_space<vmem>>, vector<128x256xbf16>
    %dot_general3A_1215 = arith.constant dense<0.000000e+00> : vector<200x256xf32>
    %dot_general3A_1216 = tpu.matmul %convert_element_type3A_1211, %get3A_1214, %dot_general3A_1215 {dimension_numbers = #tpu.dot_dimension_numbers<[1], [0], [0], [1], [0, 0, 1, 1], [], []>, transpose_lhs_hint = false} : vector<200x128xbf16>, vector<128x256xbf16>, vector<200x256xf32> -> vector<200x256xf32>
    %get3A_1217 = arith.constant 0 : index
    %get3A_1218 = arith.constant 0 : index
    %get3A_1219 = vector.load %arg8[%get3A_1217, %get3A_1218] : memref<1x256xf32, #tpu.memory_space<vmem>>, vector<1x256xf32>
    %add3A_1220 = vector.broadcast %get3A_1219 : vector<1x256xf32> to vector<200x256xf32>
    %add3A_1221 = arith.addf %dot_general3A_1216, %add3A_1220 : vector<200x256xf32>
    %slice3A_1222 = vector.extract_strided_slice %add3A_1221 {offsets = [0, 0], sizes = [200, 128], strides = [1, 1]} : vector<200x256xf32> to vector<200x128xf32>
    %logistic3A_1223 = arith.negf %slice3A_1222 : vector<200x128xf32>
    %logistic3A_1224 = math.exp %logistic3A_1223 : vector<200x128xf32>
    %logistic3A_1225 = arith.constant 1.000000e+00 : f32
    %logistic3A_1226 = vector.broadcast %logistic3A_1225 : f32 to vector<200x128xf32>
    %logistic3A_1227 = arith.addf %logistic3A_1226, %logistic3A_1224 : vector<200x128xf32>
    %logistic3A_1228 = arith.divf %logistic3A_1226, %logistic3A_1227 : vector<200x128xf32>
    %slice3A_1229 = vector.extract_strided_slice %add3A_1221 {offsets = [0, 128], sizes = [200, 128], strides = [1, 1]} : vector<200x256xf32> to vector<200x128xf32>
    %custom_jvp_call3A_1230 = arith.constant 0.000000e+00 : f32
    %max3A_1231 = vector.broadcast %custom_jvp_call3A_1230 : f32 to vector<200x128xf32>
    %max3A_1232 = arith.maximumf %slice3A_1229, %max3A_1231 : vector<200x128xf32>
    %sub3A_1233 = vector.broadcast %custom_jvp_call3A_1230 : f32 to vector<200x128xf32>
    %sub3A_1234 = arith.subf %slice3A_1229, %sub3A_1233 : vector<200x128xf32>
    %ne3A_1235 = arith.cmpf one, %sub3A_1234, %sub3A_1234 : vector<200x128xf32>
    %add3A_1236 = vector.broadcast %custom_jvp_call3A_1230 : f32 to vector<200x128xf32>
    %add3A_1237 = arith.addf %slice3A_1229, %add3A_1236 : vector<200x128xf32>
    %abs3A_1238 = math.absf %sub3A_1234 : vector<200x128xf32>
    %neg3A_1239 = arith.constant 0.000000e+00 : f32
    %neg3A_1240 = vector.broadcast %neg3A_1239 : f32 to vector<200x128xf32>
    %neg3A_1241 = arith.subf %neg3A_1240, %abs3A_1238 : vector<200x128xf32>
    %exp3A_1242 = math.exp %neg3A_1241 : vector<200x128xf32>
    %log1p3A_1243 = math.log1p %exp3A_1242 : vector<200x128xf32>
    %add3A_1244 = arith.addf %max3A_1232, %log1p3A_1243 : vector<200x128xf32>
    %select_n3A_1245 = arith.select %ne3A_1235, %add3A_1237, %add3A_1244 : vector<200x128xi1>, vector<200x128xf32>
    %mul3A_1246 = arith.mulf %logistic3A_1228, %select_n3A_1245 : vector<200x128xf32>
    %add3A_1247 = arith.addf %add3A_1187, %mul3A_1246 : vector<200x128xf32>
    %get3A_1248 = arith.constant 0 : index
    %get3A_1249 = arith.constant 21 : index
    %get3A_1250 = arith.constant 0 : index
    %get3A_1251 = vector.load %arg4[%get3A_1248, %get3A_1249, %get3A_1250] : memref<200x32x16xf32, #tpu.memory_space<vmem>>, vector<200x1x16xf32>
    %get3A_1252 = vector.shape_cast %get3A_1251 : vector<200x1x16xf32> to vector<200x16xf32>
    %convert_element_type3A_1253 = arith.truncf %get3A_1252 : vector<200x16xf32> to vector<200x16xbf16>
    %get3A_1254 = arith.constant 0 : index
    %get3A_1255 = arith.constant 0 : index
    %get3A_1256 = vector.load %arg5[%get3A_1254, %get3A_1255] : memref<16x128xbf16, #tpu.memory_space<vmem>>, vector<16x128xbf16>
    %dot_general3A_1257 = arith.constant dense<0.000000e+00> : vector<200x128xf32>
    %dot_general3A_1258 = tpu.matmul %convert_element_type3A_1253, %get3A_1256, %dot_general3A_1257 {dimension_numbers = #tpu.dot_dimension_numbers<[1], [0], [0], [1], [0, 0, 1, 1], [], []>, transpose_lhs_hint = false} : vector<200x16xbf16>, vector<16x128xbf16>, vector<200x128xf32> -> vector<200x128xf32>
    %get3A_1259 = arith.constant 0 : index
    %get3A_1260 = arith.constant 0 : index
    %get3A_1261 = vector.load %arg6[%get3A_1259, %get3A_1260] : memref<1x128xf32, #tpu.memory_space<vmem>>, vector<1x128xf32>
    %add3A_1262 = vector.broadcast %get3A_1261 : vector<1x128xf32> to vector<200x128xf32>
    %add3A_1263 = arith.addf %dot_general3A_1258, %add3A_1262 : vector<200x128xf32>
    %get3A_1264 = arith.constant 0 : index
    %get3A_1265 = arith.constant 21 : index
    %get3A_1266 = arith.constant 0 : index
    %get3A_1267 = vector.load %arg3[%get3A_1264, %get3A_1265, %get3A_1266] : memref<200x32x128xf32, #tpu.memory_space<vmem>>, vector<200x1x128xf32>
    %get3A_1268 = vector.shape_cast %get3A_1267 : vector<200x1x128xf32> to vector<200x128xf32>
    %mul3A_1269 = arith.mulf %get3A_1, %get3A_1268 : vector<200x128xf32>
    %mul3A_1270 = arith.mulf %mul3A_1269, %add3A_1263 : vector<200x128xf32>
    %convert_element_type3A_1271 = arith.truncf %mul3A_1270 : vector<200x128xf32> to vector<200x128xbf16>
    %get3A_1272 = arith.constant 0 : index
    %get3A_1273 = arith.constant 0 : index
    %get3A_1274 = vector.load %arg7[%get3A_1272, %get3A_1273] : memref<128x256xbf16, #tpu.memory_space<vmem>>, vector<128x256xbf16>
    %dot_general3A_1275 = arith.constant dense<0.000000e+00> : vector<200x256xf32>
    %dot_general3A_1276 = tpu.matmul %convert_element_type3A_1271, %get3A_1274, %dot_general3A_1275 {dimension_numbers = #tpu.dot_dimension_numbers<[1], [0], [0], [1], [0, 0, 1, 1], [], []>, transpose_lhs_hint = false} : vector<200x128xbf16>, vector<128x256xbf16>, vector<200x256xf32> -> vector<200x256xf32>
    %get3A_1277 = arith.constant 0 : index
    %get3A_1278 = arith.constant 0 : index
    %get3A_1279 = vector.load %arg8[%get3A_1277, %get3A_1278] : memref<1x256xf32, #tpu.memory_space<vmem>>, vector<1x256xf32>
    %add3A_1280 = vector.broadcast %get3A_1279 : vector<1x256xf32> to vector<200x256xf32>
    %add3A_1281 = arith.addf %dot_general3A_1276, %add3A_1280 : vector<200x256xf32>
    %slice3A_1282 = vector.extract_strided_slice %add3A_1281 {offsets = [0, 0], sizes = [200, 128], strides = [1, 1]} : vector<200x256xf32> to vector<200x128xf32>
    %logistic3A_1283 = arith.negf %slice3A_1282 : vector<200x128xf32>
    %logistic3A_1284 = math.exp %logistic3A_1283 : vector<200x128xf32>
    %logistic3A_1285 = arith.constant 1.000000e+00 : f32
    %logistic3A_1286 = vector.broadcast %logistic3A_1285 : f32 to vector<200x128xf32>
    %logistic3A_1287 = arith.addf %logistic3A_1286, %logistic3A_1284 : vector<200x128xf32>
    %logistic3A_1288 = arith.divf %logistic3A_1286, %logistic3A_1287 : vector<200x128xf32>
    %slice3A_1289 = vector.extract_strided_slice %add3A_1281 {offsets = [0, 128], sizes = [200, 128], strides = [1, 1]} : vector<200x256xf32> to vector<200x128xf32>
    %custom_jvp_call3A_1290 = arith.constant 0.000000e+00 : f32
    %max3A_1291 = vector.broadcast %custom_jvp_call3A_1290 : f32 to vector<200x128xf32>
    %max3A_1292 = arith.maximumf %slice3A_1289, %max3A_1291 : vector<200x128xf32>
    %sub3A_1293 = vector.broadcast %custom_jvp_call3A_1290 : f32 to vector<200x128xf32>
    %sub3A_1294 = arith.subf %slice3A_1289, %sub3A_1293 : vector<200x128xf32>
    %ne3A_1295 = arith.cmpf one, %sub3A_1294, %sub3A_1294 : vector<200x128xf32>
    %add3A_1296 = vector.broadcast %custom_jvp_call3A_1290 : f32 to vector<200x128xf32>
    %add3A_1297 = arith.addf %slice3A_1289, %add3A_1296 : vector<200x128xf32>
    %abs3A_1298 = math.absf %sub3A_1294 : vector<200x128xf32>
    %neg3A_1299 = arith.constant 0.000000e+00 : f32
    %neg3A_1300 = vector.broadcast %neg3A_1299 : f32 to vector<200x128xf32>
    %neg3A_1301 = arith.subf %neg3A_1300, %abs3A_1298 : vector<200x128xf32>
    %exp3A_1302 = math.exp %neg3A_1301 : vector<200x128xf32>
    %log1p3A_1303 = math.log1p %exp3A_1302 : vector<200x128xf32>
    %add3A_1304 = arith.addf %max3A_1292, %log1p3A_1303 : vector<200x128xf32>
    %select_n3A_1305 = arith.select %ne3A_1295, %add3A_1297, %add3A_1304 : vector<200x128xi1>, vector<200x128xf32>
    %mul3A_1306 = arith.mulf %logistic3A_1288, %select_n3A_1305 : vector<200x128xf32>
    %add3A_1307 = arith.addf %add3A_1247, %mul3A_1306 : vector<200x128xf32>
    %get3A_1308 = arith.constant 0 : index
    %get3A_1309 = arith.constant 22 : index
    %get3A_1310 = arith.constant 0 : index
    %get3A_1311 = vector.load %arg4[%get3A_1308, %get3A_1309, %get3A_1310] : memref<200x32x16xf32, #tpu.memory_space<vmem>>, vector<200x1x16xf32>
    %get3A_1312 = vector.shape_cast %get3A_1311 : vector<200x1x16xf32> to vector<200x16xf32>
    %convert_element_type3A_1313 = arith.truncf %get3A_1312 : vector<200x16xf32> to vector<200x16xbf16>
    %get3A_1314 = arith.constant 0 : index
    %get3A_1315 = arith.constant 0 : index
    %get3A_1316 = vector.load %arg5[%get3A_1314, %get3A_1315] : memref<16x128xbf16, #tpu.memory_space<vmem>>, vector<16x128xbf16>
    %dot_general3A_1317 = arith.constant dense<0.000000e+00> : vector<200x128xf32>
    %dot_general3A_1318 = tpu.matmul %convert_element_type3A_1313, %get3A_1316, %dot_general3A_1317 {dimension_numbers = #tpu.dot_dimension_numbers<[1], [0], [0], [1], [0, 0, 1, 1], [], []>, transpose_lhs_hint = false} : vector<200x16xbf16>, vector<16x128xbf16>, vector<200x128xf32> -> vector<200x128xf32>
    %get3A_1319 = arith.constant 0 : index
    %get3A_1320 = arith.constant 0 : index
    %get3A_1321 = vector.load %arg6[%get3A_1319, %get3A_1320] : memref<1x128xf32, #tpu.memory_space<vmem>>, vector<1x128xf32>
    %add3A_1322 = vector.broadcast %get3A_1321 : vector<1x128xf32> to vector<200x128xf32>
    %add3A_1323 = arith.addf %dot_general3A_1318, %add3A_1322 : vector<200x128xf32>
    %get3A_1324 = arith.constant 0 : index
    %get3A_1325 = arith.constant 22 : index
    %get3A_1326 = arith.constant 0 : index
    %get3A_1327 = vector.load %arg3[%get3A_1324, %get3A_1325, %get3A_1326] : memref<200x32x128xf32, #tpu.memory_space<vmem>>, vector<200x1x128xf32>
    %get3A_1328 = vector.shape_cast %get3A_1327 : vector<200x1x128xf32> to vector<200x128xf32>
    %mul3A_1329 = arith.mulf %get3A_1, %get3A_1328 : vector<200x128xf32>
    %mul3A_1330 = arith.mulf %mul3A_1329, %add3A_1323 : vector<200x128xf32>
    %convert_element_type3A_1331 = arith.truncf %mul3A_1330 : vector<200x128xf32> to vector<200x128xbf16>
    %get3A_1332 = arith.constant 0 : index
    %get3A_1333 = arith.constant 0 : index
    %get3A_1334 = vector.load %arg7[%get3A_1332, %get3A_1333] : memref<128x256xbf16, #tpu.memory_space<vmem>>, vector<128x256xbf16>
    %dot_general3A_1335 = arith.constant dense<0.000000e+00> : vector<200x256xf32>
    %dot_general3A_1336 = tpu.matmul %convert_element_type3A_1331, %get3A_1334, %dot_general3A_1335 {dimension_numbers = #tpu.dot_dimension_numbers<[1], [0], [0], [1], [0, 0, 1, 1], [], []>, transpose_lhs_hint = false} : vector<200x128xbf16>, vector<128x256xbf16>, vector<200x256xf32> -> vector<200x256xf32>
    %get3A_1337 = arith.constant 0 : index
    %get3A_1338 = arith.constant 0 : index
    %get3A_1339 = vector.load %arg8[%get3A_1337, %get3A_1338] : memref<1x256xf32, #tpu.memory_space<vmem>>, vector<1x256xf32>
    %add3A_1340 = vector.broadcast %get3A_1339 : vector<1x256xf32> to vector<200x256xf32>
    %add3A_1341 = arith.addf %dot_general3A_1336, %add3A_1340 : vector<200x256xf32>
    %slice3A_1342 = vector.extract_strided_slice %add3A_1341 {offsets = [0, 0], sizes = [200, 128], strides = [1, 1]} : vector<200x256xf32> to vector<200x128xf32>
    %logistic3A_1343 = arith.negf %slice3A_1342 : vector<200x128xf32>
    %logistic3A_1344 = math.exp %logistic3A_1343 : vector<200x128xf32>
    %logistic3A_1345 = arith.constant 1.000000e+00 : f32
    %logistic3A_1346 = vector.broadcast %logistic3A_1345 : f32 to vector<200x128xf32>
    %logistic3A_1347 = arith.addf %logistic3A_1346, %logistic3A_1344 : vector<200x128xf32>
    %logistic3A_1348 = arith.divf %logistic3A_1346, %logistic3A_1347 : vector<200x128xf32>
    %slice3A_1349 = vector.extract_strided_slice %add3A_1341 {offsets = [0, 128], sizes = [200, 128], strides = [1, 1]} : vector<200x256xf32> to vector<200x128xf32>
    %custom_jvp_call3A_1350 = arith.constant 0.000000e+00 : f32
    %max3A_1351 = vector.broadcast %custom_jvp_call3A_1350 : f32 to vector<200x128xf32>
    %max3A_1352 = arith.maximumf %slice3A_1349, %max3A_1351 : vector<200x128xf32>
    %sub3A_1353 = vector.broadcast %custom_jvp_call3A_1350 : f32 to vector<200x128xf32>
    %sub3A_1354 = arith.subf %slice3A_1349, %sub3A_1353 : vector<200x128xf32>
    %ne3A_1355 = arith.cmpf one, %sub3A_1354, %sub3A_1354 : vector<200x128xf32>
    %add3A_1356 = vector.broadcast %custom_jvp_call3A_1350 : f32 to vector<200x128xf32>
    %add3A_1357 = arith.addf %slice3A_1349, %add3A_1356 : vector<200x128xf32>
    %abs3A_1358 = math.absf %sub3A_1354 : vector<200x128xf32>
    %neg3A_1359 = arith.constant 0.000000e+00 : f32
    %neg3A_1360 = vector.broadcast %neg3A_1359 : f32 to vector<200x128xf32>
    %neg3A_1361 = arith.subf %neg3A_1360, %abs3A_1358 : vector<200x128xf32>
    %exp3A_1362 = math.exp %neg3A_1361 : vector<200x128xf32>
    %log1p3A_1363 = math.log1p %exp3A_1362 : vector<200x128xf32>
    %add3A_1364 = arith.addf %max3A_1352, %log1p3A_1363 : vector<200x128xf32>
    %select_n3A_1365 = arith.select %ne3A_1355, %add3A_1357, %add3A_1364 : vector<200x128xi1>, vector<200x128xf32>
    %mul3A_1366 = arith.mulf %logistic3A_1348, %select_n3A_1365 : vector<200x128xf32>
    %add3A_1367 = arith.addf %add3A_1307, %mul3A_1366 : vector<200x128xf32>
    %get3A_1368 = arith.constant 0 : index
    %get3A_1369 = arith.constant 23 : index
    %get3A_1370 = arith.constant 0 : index
    %get3A_1371 = vector.load %arg4[%get3A_1368, %get3A_1369, %get3A_1370] : memref<200x32x16xf32, #tpu.memory_space<vmem>>, vector<200x1x16xf32>
    %get3A_1372 = vector.shape_cast %get3A_1371 : vector<200x1x16xf32> to vector<200x16xf32>
    %convert_element_type3A_1373 = arith.truncf %get3A_1372 : vector<200x16xf32> to vector<200x16xbf16>
    %get3A_1374 = arith.constant 0 : index
    %get3A_1375 = arith.constant 0 : index
    %get3A_1376 = vector.load %arg5[%get3A_1374, %get3A_1375] : memref<16x128xbf16, #tpu.memory_space<vmem>>, vector<16x128xbf16>
    %dot_general3A_1377 = arith.constant dense<0.000000e+00> : vector<200x128xf32>
    %dot_general3A_1378 = tpu.matmul %convert_element_type3A_1373, %get3A_1376, %dot_general3A_1377 {dimension_numbers = #tpu.dot_dimension_numbers<[1], [0], [0], [1], [0, 0, 1, 1], [], []>, transpose_lhs_hint = false} : vector<200x16xbf16>, vector<16x128xbf16>, vector<200x128xf32> -> vector<200x128xf32>
    %get3A_1379 = arith.constant 0 : index
    %get3A_1380 = arith.constant 0 : index
    %get3A_1381 = vector.load %arg6[%get3A_1379, %get3A_1380] : memref<1x128xf32, #tpu.memory_space<vmem>>, vector<1x128xf32>
    %add3A_1382 = vector.broadcast %get3A_1381 : vector<1x128xf32> to vector<200x128xf32>
    %add3A_1383 = arith.addf %dot_general3A_1378, %add3A_1382 : vector<200x128xf32>
    %get3A_1384 = arith.constant 0 : index
    %get3A_1385 = arith.constant 23 : index
    %get3A_1386 = arith.constant 0 : index
    %get3A_1387 = vector.load %arg3[%get3A_1384, %get3A_1385, %get3A_1386] : memref<200x32x128xf32, #tpu.memory_space<vmem>>, vector<200x1x128xf32>
    %get3A_1388 = vector.shape_cast %get3A_1387 : vector<200x1x128xf32> to vector<200x128xf32>
    %mul3A_1389 = arith.mulf %get3A_1, %get3A_1388 : vector<200x128xf32>
    %mul3A_1390 = arith.mulf %mul3A_1389, %add3A_1383 : vector<200x128xf32>
    %convert_element_type3A_1391 = arith.truncf %mul3A_1390 : vector<200x128xf32> to vector<200x128xbf16>
    %get3A_1392 = arith.constant 0 : index
    %get3A_1393 = arith.constant 0 : index
    %get3A_1394 = vector.load %arg7[%get3A_1392, %get3A_1393] : memref<128x256xbf16, #tpu.memory_space<vmem>>, vector<128x256xbf16>
    %dot_general3A_1395 = arith.constant dense<0.000000e+00> : vector<200x256xf32>
    %dot_general3A_1396 = tpu.matmul %convert_element_type3A_1391, %get3A_1394, %dot_general3A_1395 {dimension_numbers = #tpu.dot_dimension_numbers<[1], [0], [0], [1], [0, 0, 1, 1], [], []>, transpose_lhs_hint = false} : vector<200x128xbf16>, vector<128x256xbf16>, vector<200x256xf32> -> vector<200x256xf32>
    %get3A_1397 = arith.constant 0 : index
    %get3A_1398 = arith.constant 0 : index
    %get3A_1399 = vector.load %arg8[%get3A_1397, %get3A_1398] : memref<1x256xf32, #tpu.memory_space<vmem>>, vector<1x256xf32>
    %add3A_1400 = vector.broadcast %get3A_1399 : vector<1x256xf32> to vector<200x256xf32>
    %add3A_1401 = arith.addf %dot_general3A_1396, %add3A_1400 : vector<200x256xf32>
    %slice3A_1402 = vector.extract_strided_slice %add3A_1401 {offsets = [0, 0], sizes = [200, 128], strides = [1, 1]} : vector<200x256xf32> to vector<200x128xf32>
    %logistic3A_1403 = arith.negf %slice3A_1402 : vector<200x128xf32>
    %logistic3A_1404 = math.exp %logistic3A_1403 : vector<200x128xf32>
    %logistic3A_1405 = arith.constant 1.000000e+00 : f32
    %logistic3A_1406 = vector.broadcast %logistic3A_1405 : f32 to vector<200x128xf32>
    %logistic3A_1407 = arith.addf %logistic3A_1406, %logistic3A_1404 : vector<200x128xf32>
    %logistic3A_1408 = arith.divf %logistic3A_1406, %logistic3A_1407 : vector<200x128xf32>
    %slice3A_1409 = vector.extract_strided_slice %add3A_1401 {offsets = [0, 128], sizes = [200, 128], strides = [1, 1]} : vector<200x256xf32> to vector<200x128xf32>
    %custom_jvp_call3A_1410 = arith.constant 0.000000e+00 : f32
    %max3A_1411 = vector.broadcast %custom_jvp_call3A_1410 : f32 to vector<200x128xf32>
    %max3A_1412 = arith.maximumf %slice3A_1409, %max3A_1411 : vector<200x128xf32>
    %sub3A_1413 = vector.broadcast %custom_jvp_call3A_1410 : f32 to vector<200x128xf32>
    %sub3A_1414 = arith.subf %slice3A_1409, %sub3A_1413 : vector<200x128xf32>
    %ne3A_1415 = arith.cmpf one, %sub3A_1414, %sub3A_1414 : vector<200x128xf32>
    %add3A_1416 = vector.broadcast %custom_jvp_call3A_1410 : f32 to vector<200x128xf32>
    %add3A_1417 = arith.addf %slice3A_1409, %add3A_1416 : vector<200x128xf32>
    %abs3A_1418 = math.absf %sub3A_1414 : vector<200x128xf32>
    %neg3A_1419 = arith.constant 0.000000e+00 : f32
    %neg3A_1420 = vector.broadcast %neg3A_1419 : f32 to vector<200x128xf32>
    %neg3A_1421 = arith.subf %neg3A_1420, %abs3A_1418 : vector<200x128xf32>
    %exp3A_1422 = math.exp %neg3A_1421 : vector<200x128xf32>
    %log1p3A_1423 = math.log1p %exp3A_1422 : vector<200x128xf32>
    %add3A_1424 = arith.addf %max3A_1412, %log1p3A_1423 : vector<200x128xf32>
    %select_n3A_1425 = arith.select %ne3A_1415, %add3A_1417, %add3A_1424 : vector<200x128xi1>, vector<200x128xf32>
    %mul3A_1426 = arith.mulf %logistic3A_1408, %select_n3A_1425 : vector<200x128xf32>
    %add3A_1427 = arith.addf %add3A_1367, %mul3A_1426 : vector<200x128xf32>
    %get3A_1428 = arith.constant 0 : index
    %get3A_1429 = arith.constant 24 : index
    %get3A_1430 = arith.constant 0 : index
    %get3A_1431 = vector.load %arg4[%get3A_1428, %get3A_1429, %get3A_1430] : memref<200x32x16xf32, #tpu.memory_space<vmem>>, vector<200x1x16xf32>
    %get3A_1432 = vector.shape_cast %get3A_1431 : vector<200x1x16xf32> to vector<200x16xf32>
    %convert_element_type3A_1433 = arith.truncf %get3A_1432 : vector<200x16xf32> to vector<200x16xbf16>
    %get3A_1434 = arith.constant 0 : index
    %get3A_1435 = arith.constant 0 : index
    %get3A_1436 = vector.load %arg5[%get3A_1434, %get3A_1435] : memref<16x128xbf16, #tpu.memory_space<vmem>>, vector<16x128xbf16>
    %dot_general3A_1437 = arith.constant dense<0.000000e+00> : vector<200x128xf32>
    %dot_general3A_1438 = tpu.matmul %convert_element_type3A_1433, %get3A_1436, %dot_general3A_1437 {dimension_numbers = #tpu.dot_dimension_numbers<[1], [0], [0], [1], [0, 0, 1, 1], [], []>, transpose_lhs_hint = false} : vector<200x16xbf16>, vector<16x128xbf16>, vector<200x128xf32> -> vector<200x128xf32>
    %get3A_1439 = arith.constant 0 : index
    %get3A_1440 = arith.constant 0 : index
    %get3A_1441 = vector.load %arg6[%get3A_1439, %get3A_1440] : memref<1x128xf32, #tpu.memory_space<vmem>>, vector<1x128xf32>
    %add3A_1442 = vector.broadcast %get3A_1441 : vector<1x128xf32> to vector<200x128xf32>
    %add3A_1443 = arith.addf %dot_general3A_1438, %add3A_1442 : vector<200x128xf32>
    %get3A_1444 = arith.constant 0 : index
    %get3A_1445 = arith.constant 24 : index
    %get3A_1446 = arith.constant 0 : index
    %get3A_1447 = vector.load %arg3[%get3A_1444, %get3A_1445, %get3A_1446] : memref<200x32x128xf32, #tpu.memory_space<vmem>>, vector<200x1x128xf32>
    %get3A_1448 = vector.shape_cast %get3A_1447 : vector<200x1x128xf32> to vector<200x128xf32>
    %mul3A_1449 = arith.mulf %get3A_1, %get3A_1448 : vector<200x128xf32>
    %mul3A_1450 = arith.mulf %mul3A_1449, %add3A_1443 : vector<200x128xf32>
    %convert_element_type3A_1451 = arith.truncf %mul3A_1450 : vector<200x128xf32> to vector<200x128xbf16>
    %get3A_1452 = arith.constant 0 : index
    %get3A_1453 = arith.constant 0 : index
    %get3A_1454 = vector.load %arg7[%get3A_1452, %get3A_1453] : memref<128x256xbf16, #tpu.memory_space<vmem>>, vector<128x256xbf16>
    %dot_general3A_1455 = arith.constant dense<0.000000e+00> : vector<200x256xf32>
    %dot_general3A_1456 = tpu.matmul %convert_element_type3A_1451, %get3A_1454, %dot_general3A_1455 {dimension_numbers = #tpu.dot_dimension_numbers<[1], [0], [0], [1], [0, 0, 1, 1], [], []>, transpose_lhs_hint = false} : vector<200x128xbf16>, vector<128x256xbf16>, vector<200x256xf32> -> vector<200x256xf32>
    %get3A_1457 = arith.constant 0 : index
    %get3A_1458 = arith.constant 0 : index
    %get3A_1459 = vector.load %arg8[%get3A_1457, %get3A_1458] : memref<1x256xf32, #tpu.memory_space<vmem>>, vector<1x256xf32>
    %add3A_1460 = vector.broadcast %get3A_1459 : vector<1x256xf32> to vector<200x256xf32>
    %add3A_1461 = arith.addf %dot_general3A_1456, %add3A_1460 : vector<200x256xf32>
    %slice3A_1462 = vector.extract_strided_slice %add3A_1461 {offsets = [0, 0], sizes = [200, 128], strides = [1, 1]} : vector<200x256xf32> to vector<200x128xf32>
    %logistic3A_1463 = arith.negf %slice3A_1462 : vector<200x128xf32>
    %logistic3A_1464 = math.exp %logistic3A_1463 : vector<200x128xf32>
    %logistic3A_1465 = arith.constant 1.000000e+00 : f32
    %logistic3A_1466 = vector.broadcast %logistic3A_1465 : f32 to vector<200x128xf32>
    %logistic3A_1467 = arith.addf %logistic3A_1466, %logistic3A_1464 : vector<200x128xf32>
    %logistic3A_1468 = arith.divf %logistic3A_1466, %logistic3A_1467 : vector<200x128xf32>
    %slice3A_1469 = vector.extract_strided_slice %add3A_1461 {offsets = [0, 128], sizes = [200, 128], strides = [1, 1]} : vector<200x256xf32> to vector<200x128xf32>
    %custom_jvp_call3A_1470 = arith.constant 0.000000e+00 : f32
    %max3A_1471 = vector.broadcast %custom_jvp_call3A_1470 : f32 to vector<200x128xf32>
    %max3A_1472 = arith.maximumf %slice3A_1469, %max3A_1471 : vector<200x128xf32>
    %sub3A_1473 = vector.broadcast %custom_jvp_call3A_1470 : f32 to vector<200x128xf32>
    %sub3A_1474 = arith.subf %slice3A_1469, %sub3A_1473 : vector<200x128xf32>
    %ne3A_1475 = arith.cmpf one, %sub3A_1474, %sub3A_1474 : vector<200x128xf32>
    %add3A_1476 = vector.broadcast %custom_jvp_call3A_1470 : f32 to vector<200x128xf32>
    %add3A_1477 = arith.addf %slice3A_1469, %add3A_1476 : vector<200x128xf32>
    %abs3A_1478 = math.absf %sub3A_1474 : vector<200x128xf32>
    %neg3A_1479 = arith.constant 0.000000e+00 : f32
    %neg3A_1480 = vector.broadcast %neg3A_1479 : f32 to vector<200x128xf32>
    %neg3A_1481 = arith.subf %neg3A_1480, %abs3A_1478 : vector<200x128xf32>
    %exp3A_1482 = math.exp %neg3A_1481 : vector<200x128xf32>
    %log1p3A_1483 = math.log1p %exp3A_1482 : vector<200x128xf32>
    %add3A_1484 = arith.addf %max3A_1472, %log1p3A_1483 : vector<200x128xf32>
    %select_n3A_1485 = arith.select %ne3A_1475, %add3A_1477, %add3A_1484 : vector<200x128xi1>, vector<200x128xf32>
    %mul3A_1486 = arith.mulf %logistic3A_1468, %select_n3A_1485 : vector<200x128xf32>
    %add3A_1487 = arith.addf %add3A_1427, %mul3A_1486 : vector<200x128xf32>
    %get3A_1488 = arith.constant 0 : index
    %get3A_1489 = arith.constant 25 : index
    %get3A_1490 = arith.constant 0 : index
    %get3A_1491 = vector.load %arg4[%get3A_1488, %get3A_1489, %get3A_1490] : memref<200x32x16xf32, #tpu.memory_space<vmem>>, vector<200x1x16xf32>
    %get3A_1492 = vector.shape_cast %get3A_1491 : vector<200x1x16xf32> to vector<200x16xf32>
    %convert_element_type3A_1493 = arith.truncf %get3A_1492 : vector<200x16xf32> to vector<200x16xbf16>
    %get3A_1494 = arith.constant 0 : index
    %get3A_1495 = arith.constant 0 : index
    %get3A_1496 = vector.load %arg5[%get3A_1494, %get3A_1495] : memref<16x128xbf16, #tpu.memory_space<vmem>>, vector<16x128xbf16>
    %dot_general3A_1497 = arith.constant dense<0.000000e+00> : vector<200x128xf32>
    %dot_general3A_1498 = tpu.matmul %convert_element_type3A_1493, %get3A_1496, %dot_general3A_1497 {dimension_numbers = #tpu.dot_dimension_numbers<[1], [0], [0], [1], [0, 0, 1, 1], [], []>, transpose_lhs_hint = false} : vector<200x16xbf16>, vector<16x128xbf16>, vector<200x128xf32> -> vector<200x128xf32>
    %get3A_1499 = arith.constant 0 : index
    %get3A_1500 = arith.constant 0 : index
    %get3A_1501 = vector.load %arg6[%get3A_1499, %get3A_1500] : memref<1x128xf32, #tpu.memory_space<vmem>>, vector<1x128xf32>
    %add3A_1502 = vector.broadcast %get3A_1501 : vector<1x128xf32> to vector<200x128xf32>
    %add3A_1503 = arith.addf %dot_general3A_1498, %add3A_1502 : vector<200x128xf32>
    %get3A_1504 = arith.constant 0 : index
    %get3A_1505 = arith.constant 25 : index
    %get3A_1506 = arith.constant 0 : index
    %get3A_1507 = vector.load %arg3[%get3A_1504, %get3A_1505, %get3A_1506] : memref<200x32x128xf32, #tpu.memory_space<vmem>>, vector<200x1x128xf32>
    %get3A_1508 = vector.shape_cast %get3A_1507 : vector<200x1x128xf32> to vector<200x128xf32>
    %mul3A_1509 = arith.mulf %get3A_1, %get3A_1508 : vector<200x128xf32>
    %mul3A_1510 = arith.mulf %mul3A_1509, %add3A_1503 : vector<200x128xf32>
    %convert_element_type3A_1511 = arith.truncf %mul3A_1510 : vector<200x128xf32> to vector<200x128xbf16>
    %get3A_1512 = arith.constant 0 : index
    %get3A_1513 = arith.constant 0 : index
    %get3A_1514 = vector.load %arg7[%get3A_1512, %get3A_1513] : memref<128x256xbf16, #tpu.memory_space<vmem>>, vector<128x256xbf16>
    %dot_general3A_1515 = arith.constant dense<0.000000e+00> : vector<200x256xf32>
    %dot_general3A_1516 = tpu.matmul %convert_element_type3A_1511, %get3A_1514, %dot_general3A_1515 {dimension_numbers = #tpu.dot_dimension_numbers<[1], [0], [0], [1], [0, 0, 1, 1], [], []>, transpose_lhs_hint = false} : vector<200x128xbf16>, vector<128x256xbf16>, vector<200x256xf32> -> vector<200x256xf32>
    %get3A_1517 = arith.constant 0 : index
    %get3A_1518 = arith.constant 0 : index
    %get3A_1519 = vector.load %arg8[%get3A_1517, %get3A_1518] : memref<1x256xf32, #tpu.memory_space<vmem>>, vector<1x256xf32>
    %add3A_1520 = vector.broadcast %get3A_1519 : vector<1x256xf32> to vector<200x256xf32>
    %add3A_1521 = arith.addf %dot_general3A_1516, %add3A_1520 : vector<200x256xf32>
    %slice3A_1522 = vector.extract_strided_slice %add3A_1521 {offsets = [0, 0], sizes = [200, 128], strides = [1, 1]} : vector<200x256xf32> to vector<200x128xf32>
    %logistic3A_1523 = arith.negf %slice3A_1522 : vector<200x128xf32>
    %logistic3A_1524 = math.exp %logistic3A_1523 : vector<200x128xf32>
    %logistic3A_1525 = arith.constant 1.000000e+00 : f32
    %logistic3A_1526 = vector.broadcast %logistic3A_1525 : f32 to vector<200x128xf32>
    %logistic3A_1527 = arith.addf %logistic3A_1526, %logistic3A_1524 : vector<200x128xf32>
    %logistic3A_1528 = arith.divf %logistic3A_1526, %logistic3A_1527 : vector<200x128xf32>
    %slice3A_1529 = vector.extract_strided_slice %add3A_1521 {offsets = [0, 128], sizes = [200, 128], strides = [1, 1]} : vector<200x256xf32> to vector<200x128xf32>
    %custom_jvp_call3A_1530 = arith.constant 0.000000e+00 : f32
    %max3A_1531 = vector.broadcast %custom_jvp_call3A_1530 : f32 to vector<200x128xf32>
    %max3A_1532 = arith.maximumf %slice3A_1529, %max3A_1531 : vector<200x128xf32>
    %sub3A_1533 = vector.broadcast %custom_jvp_call3A_1530 : f32 to vector<200x128xf32>
    %sub3A_1534 = arith.subf %slice3A_1529, %sub3A_1533 : vector<200x128xf32>
    %ne3A_1535 = arith.cmpf one, %sub3A_1534, %sub3A_1534 : vector<200x128xf32>
    %add3A_1536 = vector.broadcast %custom_jvp_call3A_1530 : f32 to vector<200x128xf32>
    %add3A_1537 = arith.addf %slice3A_1529, %add3A_1536 : vector<200x128xf32>
    %abs3A_1538 = math.absf %sub3A_1534 : vector<200x128xf32>
    %neg3A_1539 = arith.constant 0.000000e+00 : f32
    %neg3A_1540 = vector.broadcast %neg3A_1539 : f32 to vector<200x128xf32>
    %neg3A_1541 = arith.subf %neg3A_1540, %abs3A_1538 : vector<200x128xf32>
    %exp3A_1542 = math.exp %neg3A_1541 : vector<200x128xf32>
    %log1p3A_1543 = math.log1p %exp3A_1542 : vector<200x128xf32>
    %add3A_1544 = arith.addf %max3A_1532, %log1p3A_1543 : vector<200x128xf32>
    %select_n3A_1545 = arith.select %ne3A_1535, %add3A_1537, %add3A_1544 : vector<200x128xi1>, vector<200x128xf32>
    %mul3A_1546 = arith.mulf %logistic3A_1528, %select_n3A_1545 : vector<200x128xf32>
    %add3A_1547 = arith.addf %add3A_1487, %mul3A_1546 : vector<200x128xf32>
    %get3A_1548 = arith.constant 0 : index
    %get3A_1549 = arith.constant 26 : index
    %get3A_1550 = arith.constant 0 : index
    %get3A_1551 = vector.load %arg4[%get3A_1548, %get3A_1549, %get3A_1550] : memref<200x32x16xf32, #tpu.memory_space<vmem>>, vector<200x1x16xf32>
    %get3A_1552 = vector.shape_cast %get3A_1551 : vector<200x1x16xf32> to vector<200x16xf32>
    %convert_element_type3A_1553 = arith.truncf %get3A_1552 : vector<200x16xf32> to vector<200x16xbf16>
    %get3A_1554 = arith.constant 0 : index
    %get3A_1555 = arith.constant 0 : index
    %get3A_1556 = vector.load %arg5[%get3A_1554, %get3A_1555] : memref<16x128xbf16, #tpu.memory_space<vmem>>, vector<16x128xbf16>
    %dot_general3A_1557 = arith.constant dense<0.000000e+00> : vector<200x128xf32>
    %dot_general3A_1558 = tpu.matmul %convert_element_type3A_1553, %get3A_1556, %dot_general3A_1557 {dimension_numbers = #tpu.dot_dimension_numbers<[1], [0], [0], [1], [0, 0, 1, 1], [], []>, transpose_lhs_hint = false} : vector<200x16xbf16>, vector<16x128xbf16>, vector<200x128xf32> -> vector<200x128xf32>
    %get3A_1559 = arith.constant 0 : index
    %get3A_1560 = arith.constant 0 : index
    %get3A_1561 = vector.load %arg6[%get3A_1559, %get3A_1560] : memref<1x128xf32, #tpu.memory_space<vmem>>, vector<1x128xf32>
    %add3A_1562 = vector.broadcast %get3A_1561 : vector<1x128xf32> to vector<200x128xf32>
    %add3A_1563 = arith.addf %dot_general3A_1558, %add3A_1562 : vector<200x128xf32>
    %get3A_1564 = arith.constant 0 : index
    %get3A_1565 = arith.constant 26 : index
    %get3A_1566 = arith.constant 0 : index
    %get3A_1567 = vector.load %arg3[%get3A_1564, %get3A_1565, %get3A_1566] : memref<200x32x128xf32, #tpu.memory_space<vmem>>, vector<200x1x128xf32>
    %get3A_1568 = vector.shape_cast %get3A_1567 : vector<200x1x128xf32> to vector<200x128xf32>
    %mul3A_1569 = arith.mulf %get3A_1, %get3A_1568 : vector<200x128xf32>
    %mul3A_1570 = arith.mulf %mul3A_1569, %add3A_1563 : vector<200x128xf32>
    %convert_element_type3A_1571 = arith.truncf %mul3A_1570 : vector<200x128xf32> to vector<200x128xbf16>
    %get3A_1572 = arith.constant 0 : index
    %get3A_1573 = arith.constant 0 : index
    %get3A_1574 = vector.load %arg7[%get3A_1572, %get3A_1573] : memref<128x256xbf16, #tpu.memory_space<vmem>>, vector<128x256xbf16>
    %dot_general3A_1575 = arith.constant dense<0.000000e+00> : vector<200x256xf32>
    %dot_general3A_1576 = tpu.matmul %convert_element_type3A_1571, %get3A_1574, %dot_general3A_1575 {dimension_numbers = #tpu.dot_dimension_numbers<[1], [0], [0], [1], [0, 0, 1, 1], [], []>, transpose_lhs_hint = false} : vector<200x128xbf16>, vector<128x256xbf16>, vector<200x256xf32> -> vector<200x256xf32>
    %get3A_1577 = arith.constant 0 : index
    %get3A_1578 = arith.constant 0 : index
    %get3A_1579 = vector.load %arg8[%get3A_1577, %get3A_1578] : memref<1x256xf32, #tpu.memory_space<vmem>>, vector<1x256xf32>
    %add3A_1580 = vector.broadcast %get3A_1579 : vector<1x256xf32> to vector<200x256xf32>
    %add3A_1581 = arith.addf %dot_general3A_1576, %add3A_1580 : vector<200x256xf32>
    %slice3A_1582 = vector.extract_strided_slice %add3A_1581 {offsets = [0, 0], sizes = [200, 128], strides = [1, 1]} : vector<200x256xf32> to vector<200x128xf32>
    %logistic3A_1583 = arith.negf %slice3A_1582 : vector<200x128xf32>
    %logistic3A_1584 = math.exp %logistic3A_1583 : vector<200x128xf32>
    %logistic3A_1585 = arith.constant 1.000000e+00 : f32
    %logistic3A_1586 = vector.broadcast %logistic3A_1585 : f32 to vector<200x128xf32>
    %logistic3A_1587 = arith.addf %logistic3A_1586, %logistic3A_1584 : vector<200x128xf32>
    %logistic3A_1588 = arith.divf %logistic3A_1586, %logistic3A_1587 : vector<200x128xf32>
    %slice3A_1589 = vector.extract_strided_slice %add3A_1581 {offsets = [0, 128], sizes = [200, 128], strides = [1, 1]} : vector<200x256xf32> to vector<200x128xf32>
    %custom_jvp_call3A_1590 = arith.constant 0.000000e+00 : f32
    %max3A_1591 = vector.broadcast %custom_jvp_call3A_1590 : f32 to vector<200x128xf32>
    %max3A_1592 = arith.maximumf %slice3A_1589, %max3A_1591 : vector<200x128xf32>
    %sub3A_1593 = vector.broadcast %custom_jvp_call3A_1590 : f32 to vector<200x128xf32>
    %sub3A_1594 = arith.subf %slice3A_1589, %sub3A_1593 : vector<200x128xf32>
    %ne3A_1595 = arith.cmpf one, %sub3A_1594, %sub3A_1594 : vector<200x128xf32>
    %add3A_1596 = vector.broadcast %custom_jvp_call3A_1590 : f32 to vector<200x128xf32>
    %add3A_1597 = arith.addf %slice3A_1589, %add3A_1596 : vector<200x128xf32>
    %abs3A_1598 = math.absf %sub3A_1594 : vector<200x128xf32>
    %neg3A_1599 = arith.constant 0.000000e+00 : f32
    %neg3A_1600 = vector.broadcast %neg3A_1599 : f32 to vector<200x128xf32>
    %neg3A_1601 = arith.subf %neg3A_1600, %abs3A_1598 : vector<200x128xf32>
    %exp3A_1602 = math.exp %neg3A_1601 : vector<200x128xf32>
    %log1p3A_1603 = math.log1p %exp3A_1602 : vector<200x128xf32>
    %add3A_1604 = arith.addf %max3A_1592, %log1p3A_1603 : vector<200x128xf32>
    %select_n3A_1605 = arith.select %ne3A_1595, %add3A_1597, %add3A_1604 : vector<200x128xi1>, vector<200x128xf32>
    %mul3A_1606 = arith.mulf %logistic3A_1588, %select_n3A_1605 : vector<200x128xf32>
    %add3A_1607 = arith.addf %add3A_1547, %mul3A_1606 : vector<200x128xf32>
    %get3A_1608 = arith.constant 0 : index
    %get3A_1609 = arith.constant 27 : index
    %get3A_1610 = arith.constant 0 : index
    %get3A_1611 = vector.load %arg4[%get3A_1608, %get3A_1609, %get3A_1610] : memref<200x32x16xf32, #tpu.memory_space<vmem>>, vector<200x1x16xf32>
    %get3A_1612 = vector.shape_cast %get3A_1611 : vector<200x1x16xf32> to vector<200x16xf32>
    %convert_element_type3A_1613 = arith.truncf %get3A_1612 : vector<200x16xf32> to vector<200x16xbf16>
    %get3A_1614 = arith.constant 0 : index
    %get3A_1615 = arith.constant 0 : index
    %get3A_1616 = vector.load %arg5[%get3A_1614, %get3A_1615] : memref<16x128xbf16, #tpu.memory_space<vmem>>, vector<16x128xbf16>
    %dot_general3A_1617 = arith.constant dense<0.000000e+00> : vector<200x128xf32>
    %dot_general3A_1618 = tpu.matmul %convert_element_type3A_1613, %get3A_1616, %dot_general3A_1617 {dimension_numbers = #tpu.dot_dimension_numbers<[1], [0], [0], [1], [0, 0, 1, 1], [], []>, transpose_lhs_hint = false} : vector<200x16xbf16>, vector<16x128xbf16>, vector<200x128xf32> -> vector<200x128xf32>
    %get3A_1619 = arith.constant 0 : index
    %get3A_1620 = arith.constant 0 : index
    %get3A_1621 = vector.load %arg6[%get3A_1619, %get3A_1620] : memref<1x128xf32, #tpu.memory_space<vmem>>, vector<1x128xf32>
    %add3A_1622 = vector.broadcast %get3A_1621 : vector<1x128xf32> to vector<200x128xf32>
    %add3A_1623 = arith.addf %dot_general3A_1618, %add3A_1622 : vector<200x128xf32>
    %get3A_1624 = arith.constant 0 : index
    %get3A_1625 = arith.constant 27 : index
    %get3A_1626 = arith.constant 0 : index
    %get3A_1627 = vector.load %arg3[%get3A_1624, %get3A_1625, %get3A_1626] : memref<200x32x128xf32, #tpu.memory_space<vmem>>, vector<200x1x128xf32>
    %get3A_1628 = vector.shape_cast %get3A_1627 : vector<200x1x128xf32> to vector<200x128xf32>
    %mul3A_1629 = arith.mulf %get3A_1, %get3A_1628 : vector<200x128xf32>
    %mul3A_1630 = arith.mulf %mul3A_1629, %add3A_1623 : vector<200x128xf32>
    %convert_element_type3A_1631 = arith.truncf %mul3A_1630 : vector<200x128xf32> to vector<200x128xbf16>
    %get3A_1632 = arith.constant 0 : index
    %get3A_1633 = arith.constant 0 : index
    %get3A_1634 = vector.load %arg7[%get3A_1632, %get3A_1633] : memref<128x256xbf16, #tpu.memory_space<vmem>>, vector<128x256xbf16>
    %dot_general3A_1635 = arith.constant dense<0.000000e+00> : vector<200x256xf32>
    %dot_general3A_1636 = tpu.matmul %convert_element_type3A_1631, %get3A_1634, %dot_general3A_1635 {dimension_numbers = #tpu.dot_dimension_numbers<[1], [0], [0], [1], [0, 0, 1, 1], [], []>, transpose_lhs_hint = false} : vector<200x128xbf16>, vector<128x256xbf16>, vector<200x256xf32> -> vector<200x256xf32>
    %get3A_1637 = arith.constant 0 : index
    %get3A_1638 = arith.constant 0 : index
    %get3A_1639 = vector.load %arg8[%get3A_1637, %get3A_1638] : memref<1x256xf32, #tpu.memory_space<vmem>>, vector<1x256xf32>
    %add3A_1640 = vector.broadcast %get3A_1639 : vector<1x256xf32> to vector<200x256xf32>
    %add3A_1641 = arith.addf %dot_general3A_1636, %add3A_1640 : vector<200x256xf32>
    %slice3A_1642 = vector.extract_strided_slice %add3A_1641 {offsets = [0, 0], sizes = [200, 128], strides = [1, 1]} : vector<200x256xf32> to vector<200x128xf32>
    %logistic3A_1643 = arith.negf %slice3A_1642 : vector<200x128xf32>
    %logistic3A_1644 = math.exp %logistic3A_1643 : vector<200x128xf32>
    %logistic3A_1645 = arith.constant 1.000000e+00 : f32
    %logistic3A_1646 = vector.broadcast %logistic3A_1645 : f32 to vector<200x128xf32>
    %logistic3A_1647 = arith.addf %logistic3A_1646, %logistic3A_1644 : vector<200x128xf32>
    %logistic3A_1648 = arith.divf %logistic3A_1646, %logistic3A_1647 : vector<200x128xf32>
    %slice3A_1649 = vector.extract_strided_slice %add3A_1641 {offsets = [0, 128], sizes = [200, 128], strides = [1, 1]} : vector<200x256xf32> to vector<200x128xf32>
    %custom_jvp_call3A_1650 = arith.constant 0.000000e+00 : f32
    %max3A_1651 = vector.broadcast %custom_jvp_call3A_1650 : f32 to vector<200x128xf32>
    %max3A_1652 = arith.maximumf %slice3A_1649, %max3A_1651 : vector<200x128xf32>
    %sub3A_1653 = vector.broadcast %custom_jvp_call3A_1650 : f32 to vector<200x128xf32>
    %sub3A_1654 = arith.subf %slice3A_1649, %sub3A_1653 : vector<200x128xf32>
    %ne3A_1655 = arith.cmpf one, %sub3A_1654, %sub3A_1654 : vector<200x128xf32>
    %add3A_1656 = vector.broadcast %custom_jvp_call3A_1650 : f32 to vector<200x128xf32>
    %add3A_1657 = arith.addf %slice3A_1649, %add3A_1656 : vector<200x128xf32>
    %abs3A_1658 = math.absf %sub3A_1654 : vector<200x128xf32>
    %neg3A_1659 = arith.constant 0.000000e+00 : f32
    %neg3A_1660 = vector.broadcast %neg3A_1659 : f32 to vector<200x128xf32>
    %neg3A_1661 = arith.subf %neg3A_1660, %abs3A_1658 : vector<200x128xf32>
    %exp3A_1662 = math.exp %neg3A_1661 : vector<200x128xf32>
    %log1p3A_1663 = math.log1p %exp3A_1662 : vector<200x128xf32>
    %add3A_1664 = arith.addf %max3A_1652, %log1p3A_1663 : vector<200x128xf32>
    %select_n3A_1665 = arith.select %ne3A_1655, %add3A_1657, %add3A_1664 : vector<200x128xi1>, vector<200x128xf32>
    %mul3A_1666 = arith.mulf %logistic3A_1648, %select_n3A_1665 : vector<200x128xf32>
    %add3A_1667 = arith.addf %add3A_1607, %mul3A_1666 : vector<200x128xf32>
    %get3A_1668 = arith.constant 0 : index
    %get3A_1669 = arith.constant 28 : index
    %get3A_1670 = arith.constant 0 : index
    %get3A_1671 = vector.load %arg4[%get3A_1668, %get3A_1669, %get3A_1670] : memref<200x32x16xf32, #tpu.memory_space<vmem>>, vector<200x1x16xf32>
    %get3A_1672 = vector.shape_cast %get3A_1671 : vector<200x1x16xf32> to vector<200x16xf32>
    %convert_element_type3A_1673 = arith.truncf %get3A_1672 : vector<200x16xf32> to vector<200x16xbf16>
    %get3A_1674 = arith.constant 0 : index
    %get3A_1675 = arith.constant 0 : index
    %get3A_1676 = vector.load %arg5[%get3A_1674, %get3A_1675] : memref<16x128xbf16, #tpu.memory_space<vmem>>, vector<16x128xbf16>
    %dot_general3A_1677 = arith.constant dense<0.000000e+00> : vector<200x128xf32>
    %dot_general3A_1678 = tpu.matmul %convert_element_type3A_1673, %get3A_1676, %dot_general3A_1677 {dimension_numbers = #tpu.dot_dimension_numbers<[1], [0], [0], [1], [0, 0, 1, 1], [], []>, transpose_lhs_hint = false} : vector<200x16xbf16>, vector<16x128xbf16>, vector<200x128xf32> -> vector<200x128xf32>
    %get3A_1679 = arith.constant 0 : index
    %get3A_1680 = arith.constant 0 : index
    %get3A_1681 = vector.load %arg6[%get3A_1679, %get3A_1680] : memref<1x128xf32, #tpu.memory_space<vmem>>, vector<1x128xf32>
    %add3A_1682 = vector.broadcast %get3A_1681 : vector<1x128xf32> to vector<200x128xf32>
    %add3A_1683 = arith.addf %dot_general3A_1678, %add3A_1682 : vector<200x128xf32>
    %get3A_1684 = arith.constant 0 : index
    %get3A_1685 = arith.constant 28 : index
    %get3A_1686 = arith.constant 0 : index
    %get3A_1687 = vector.load %arg3[%get3A_1684, %get3A_1685, %get3A_1686] : memref<200x32x128xf32, #tpu.memory_space<vmem>>, vector<200x1x128xf32>
    %get3A_1688 = vector.shape_cast %get3A_1687 : vector<200x1x128xf32> to vector<200x128xf32>
    %mul3A_1689 = arith.mulf %get3A_1, %get3A_1688 : vector<200x128xf32>
    %mul3A_1690 = arith.mulf %mul3A_1689, %add3A_1683 : vector<200x128xf32>
    %convert_element_type3A_1691 = arith.truncf %mul3A_1690 : vector<200x128xf32> to vector<200x128xbf16>
    %get3A_1692 = arith.constant 0 : index
    %get3A_1693 = arith.constant 0 : index
    %get3A_1694 = vector.load %arg7[%get3A_1692, %get3A_1693] : memref<128x256xbf16, #tpu.memory_space<vmem>>, vector<128x256xbf16>
    %dot_general3A_1695 = arith.constant dense<0.000000e+00> : vector<200x256xf32>
    %dot_general3A_1696 = tpu.matmul %convert_element_type3A_1691, %get3A_1694, %dot_general3A_1695 {dimension_numbers = #tpu.dot_dimension_numbers<[1], [0], [0], [1], [0, 0, 1, 1], [], []>, transpose_lhs_hint = false} : vector<200x128xbf16>, vector<128x256xbf16>, vector<200x256xf32> -> vector<200x256xf32>
    %get3A_1697 = arith.constant 0 : index
    %get3A_1698 = arith.constant 0 : index
    %get3A_1699 = vector.load %arg8[%get3A_1697, %get3A_1698] : memref<1x256xf32, #tpu.memory_space<vmem>>, vector<1x256xf32>
    %add3A_1700 = vector.broadcast %get3A_1699 : vector<1x256xf32> to vector<200x256xf32>
    %add3A_1701 = arith.addf %dot_general3A_1696, %add3A_1700 : vector<200x256xf32>
    %slice3A_1702 = vector.extract_strided_slice %add3A_1701 {offsets = [0, 0], sizes = [200, 128], strides = [1, 1]} : vector<200x256xf32> to vector<200x128xf32>
    %logistic3A_1703 = arith.negf %slice3A_1702 : vector<200x128xf32>
    %logistic3A_1704 = math.exp %logistic3A_1703 : vector<200x128xf32>
    %logistic3A_1705 = arith.constant 1.000000e+00 : f32
    %logistic3A_1706 = vector.broadcast %logistic3A_1705 : f32 to vector<200x128xf32>
    %logistic3A_1707 = arith.addf %logistic3A_1706, %logistic3A_1704 : vector<200x128xf32>
    %logistic3A_1708 = arith.divf %logistic3A_1706, %logistic3A_1707 : vector<200x128xf32>
    %slice3A_1709 = vector.extract_strided_slice %add3A_1701 {offsets = [0, 128], sizes = [200, 128], strides = [1, 1]} : vector<200x256xf32> to vector<200x128xf32>
    %custom_jvp_call3A_1710 = arith.constant 0.000000e+00 : f32
    %max3A_1711 = vector.broadcast %custom_jvp_call3A_1710 : f32 to vector<200x128xf32>
    %max3A_1712 = arith.maximumf %slice3A_1709, %max3A_1711 : vector<200x128xf32>
    %sub3A_1713 = vector.broadcast %custom_jvp_call3A_1710 : f32 to vector<200x128xf32>
    %sub3A_1714 = arith.subf %slice3A_1709, %sub3A_1713 : vector<200x128xf32>
    %ne3A_1715 = arith.cmpf one, %sub3A_1714, %sub3A_1714 : vector<200x128xf32>
    %add3A_1716 = vector.broadcast %custom_jvp_call3A_1710 : f32 to vector<200x128xf32>
    %add3A_1717 = arith.addf %slice3A_1709, %add3A_1716 : vector<200x128xf32>
    %abs3A_1718 = math.absf %sub3A_1714 : vector<200x128xf32>
    %neg3A_1719 = arith.constant 0.000000e+00 : f32
    %neg3A_1720 = vector.broadcast %neg3A_1719 : f32 to vector<200x128xf32>
    %neg3A_1721 = arith.subf %neg3A_1720, %abs3A_1718 : vector<200x128xf32>
    %exp3A_1722 = math.exp %neg3A_1721 : vector<200x128xf32>
    %log1p3A_1723 = math.log1p %exp3A_1722 : vector<200x128xf32>
    %add3A_1724 = arith.addf %max3A_1712, %log1p3A_1723 : vector<200x128xf32>
    %select_n3A_1725 = arith.select %ne3A_1715, %add3A_1717, %add3A_1724 : vector<200x128xi1>, vector<200x128xf32>
    %mul3A_1726 = arith.mulf %logistic3A_1708, %select_n3A_1725 : vector<200x128xf32>
    %add3A_1727 = arith.addf %add3A_1667, %mul3A_1726 : vector<200x128xf32>
    %get3A_1728 = arith.constant 0 : index
    %get3A_1729 = arith.constant 29 : index
    %get3A_1730 = arith.constant 0 : index
    %get3A_1731 = vector.load %arg4[%get3A_1728, %get3A_1729, %get3A_1730] : memref<200x32x16xf32, #tpu.memory_space<vmem>>, vector<200x1x16xf32>
    %get3A_1732 = vector.shape_cast %get3A_1731 : vector<200x1x16xf32> to vector<200x16xf32>
    %convert_element_type3A_1733 = arith.truncf %get3A_1732 : vector<200x16xf32> to vector<200x16xbf16>
    %get3A_1734 = arith.constant 0 : index
    %get3A_1735 = arith.constant 0 : index
    %get3A_1736 = vector.load %arg5[%get3A_1734, %get3A_1735] : memref<16x128xbf16, #tpu.memory_space<vmem>>, vector<16x128xbf16>
    %dot_general3A_1737 = arith.constant dense<0.000000e+00> : vector<200x128xf32>
    %dot_general3A_1738 = tpu.matmul %convert_element_type3A_1733, %get3A_1736, %dot_general3A_1737 {dimension_numbers = #tpu.dot_dimension_numbers<[1], [0], [0], [1], [0, 0, 1, 1], [], []>, transpose_lhs_hint = false} : vector<200x16xbf16>, vector<16x128xbf16>, vector<200x128xf32> -> vector<200x128xf32>
    %get3A_1739 = arith.constant 0 : index
    %get3A_1740 = arith.constant 0 : index
    %get3A_1741 = vector.load %arg6[%get3A_1739, %get3A_1740] : memref<1x128xf32, #tpu.memory_space<vmem>>, vector<1x128xf32>
    %add3A_1742 = vector.broadcast %get3A_1741 : vector<1x128xf32> to vector<200x128xf32>
    %add3A_1743 = arith.addf %dot_general3A_1738, %add3A_1742 : vector<200x128xf32>
    %get3A_1744 = arith.constant 0 : index
    %get3A_1745 = arith.constant 29 : index
    %get3A_1746 = arith.constant 0 : index
    %get3A_1747 = vector.load %arg3[%get3A_1744, %get3A_1745, %get3A_1746] : memref<200x32x128xf32, #tpu.memory_space<vmem>>, vector<200x1x128xf32>
    %get3A_1748 = vector.shape_cast %get3A_1747 : vector<200x1x128xf32> to vector<200x128xf32>
    %mul3A_1749 = arith.mulf %get3A_1, %get3A_1748 : vector<200x128xf32>
    %mul3A_1750 = arith.mulf %mul3A_1749, %add3A_1743 : vector<200x128xf32>
    %convert_element_type3A_1751 = arith.truncf %mul3A_1750 : vector<200x128xf32> to vector<200x128xbf16>
    %get3A_1752 = arith.constant 0 : index
    %get3A_1753 = arith.constant 0 : index
    %get3A_1754 = vector.load %arg7[%get3A_1752, %get3A_1753] : memref<128x256xbf16, #tpu.memory_space<vmem>>, vector<128x256xbf16>
    %dot_general3A_1755 = arith.constant dense<0.000000e+00> : vector<200x256xf32>
    %dot_general3A_1756 = tpu.matmul %convert_element_type3A_1751, %get3A_1754, %dot_general3A_1755 {dimension_numbers = #tpu.dot_dimension_numbers<[1], [0], [0], [1], [0, 0, 1, 1], [], []>, transpose_lhs_hint = false} : vector<200x128xbf16>, vector<128x256xbf16>, vector<200x256xf32> -> vector<200x256xf32>
    %get3A_1757 = arith.constant 0 : index
    %get3A_1758 = arith.constant 0 : index
    %get3A_1759 = vector.load %arg8[%get3A_1757, %get3A_1758] : memref<1x256xf32, #tpu.memory_space<vmem>>, vector<1x256xf32>
    %add3A_1760 = vector.broadcast %get3A_1759 : vector<1x256xf32> to vector<200x256xf32>
    %add3A_1761 = arith.addf %dot_general3A_1756, %add3A_1760 : vector<200x256xf32>
    %slice3A_1762 = vector.extract_strided_slice %add3A_1761 {offsets = [0, 0], sizes = [200, 128], strides = [1, 1]} : vector<200x256xf32> to vector<200x128xf32>
    %logistic3A_1763 = arith.negf %slice3A_1762 : vector<200x128xf32>
    %logistic3A_1764 = math.exp %logistic3A_1763 : vector<200x128xf32>
    %logistic3A_1765 = arith.constant 1.000000e+00 : f32
    %logistic3A_1766 = vector.broadcast %logistic3A_1765 : f32 to vector<200x128xf32>
    %logistic3A_1767 = arith.addf %logistic3A_1766, %logistic3A_1764 : vector<200x128xf32>
    %logistic3A_1768 = arith.divf %logistic3A_1766, %logistic3A_1767 : vector<200x128xf32>
    %slice3A_1769 = vector.extract_strided_slice %add3A_1761 {offsets = [0, 128], sizes = [200, 128], strides = [1, 1]} : vector<200x256xf32> to vector<200x128xf32>
    %custom_jvp_call3A_1770 = arith.constant 0.000000e+00 : f32
    %max3A_1771 = vector.broadcast %custom_jvp_call3A_1770 : f32 to vector<200x128xf32>
    %max3A_1772 = arith.maximumf %slice3A_1769, %max3A_1771 : vector<200x128xf32>
    %sub3A_1773 = vector.broadcast %custom_jvp_call3A_1770 : f32 to vector<200x128xf32>
    %sub3A_1774 = arith.subf %slice3A_1769, %sub3A_1773 : vector<200x128xf32>
    %ne3A_1775 = arith.cmpf one, %sub3A_1774, %sub3A_1774 : vector<200x128xf32>
    %add3A_1776 = vector.broadcast %custom_jvp_call3A_1770 : f32 to vector<200x128xf32>
    %add3A_1777 = arith.addf %slice3A_1769, %add3A_1776 : vector<200x128xf32>
    %abs3A_1778 = math.absf %sub3A_1774 : vector<200x128xf32>
    %neg3A_1779 = arith.constant 0.000000e+00 : f32
    %neg3A_1780 = vector.broadcast %neg3A_1779 : f32 to vector<200x128xf32>
    %neg3A_1781 = arith.subf %neg3A_1780, %abs3A_1778 : vector<200x128xf32>
    %exp3A_1782 = math.exp %neg3A_1781 : vector<200x128xf32>
    %log1p3A_1783 = math.log1p %exp3A_1782 : vector<200x128xf32>
    %add3A_1784 = arith.addf %max3A_1772, %log1p3A_1783 : vector<200x128xf32>
    %select_n3A_1785 = arith.select %ne3A_1775, %add3A_1777, %add3A_1784 : vector<200x128xi1>, vector<200x128xf32>
    %mul3A_1786 = arith.mulf %logistic3A_1768, %select_n3A_1785 : vector<200x128xf32>
    %add3A_1787 = arith.addf %add3A_1727, %mul3A_1786 : vector<200x128xf32>
    %get3A_1788 = arith.constant 0 : index
    %get3A_1789 = arith.constant 30 : index
    %get3A_1790 = arith.constant 0 : index
    %get3A_1791 = vector.load %arg4[%get3A_1788, %get3A_1789, %get3A_1790] : memref<200x32x16xf32, #tpu.memory_space<vmem>>, vector<200x1x16xf32>
    %get3A_1792 = vector.shape_cast %get3A_1791 : vector<200x1x16xf32> to vector<200x16xf32>
    %convert_element_type3A_1793 = arith.truncf %get3A_1792 : vector<200x16xf32> to vector<200x16xbf16>
    %get3A_1794 = arith.constant 0 : index
    %get3A_1795 = arith.constant 0 : index
    %get3A_1796 = vector.load %arg5[%get3A_1794, %get3A_1795] : memref<16x128xbf16, #tpu.memory_space<vmem>>, vector<16x128xbf16>
    %dot_general3A_1797 = arith.constant dense<0.000000e+00> : vector<200x128xf32>
    %dot_general3A_1798 = tpu.matmul %convert_element_type3A_1793, %get3A_1796, %dot_general3A_1797 {dimension_numbers = #tpu.dot_dimension_numbers<[1], [0], [0], [1], [0, 0, 1, 1], [], []>, transpose_lhs_hint = false} : vector<200x16xbf16>, vector<16x128xbf16>, vector<200x128xf32> -> vector<200x128xf32>
    %get3A_1799 = arith.constant 0 : index
    %get3A_1800 = arith.constant 0 : index
    %get3A_1801 = vector.load %arg6[%get3A_1799, %get3A_1800] : memref<1x128xf32, #tpu.memory_space<vmem>>, vector<1x128xf32>
    %add3A_1802 = vector.broadcast %get3A_1801 : vector<1x128xf32> to vector<200x128xf32>
    %add3A_1803 = arith.addf %dot_general3A_1798, %add3A_1802 : vector<200x128xf32>
    %get3A_1804 = arith.constant 0 : index
    %get3A_1805 = arith.constant 30 : index
    %get3A_1806 = arith.constant 0 : index
    %get3A_1807 = vector.load %arg3[%get3A_1804, %get3A_1805, %get3A_1806] : memref<200x32x128xf32, #tpu.memory_space<vmem>>, vector<200x1x128xf32>
    %get3A_1808 = vector.shape_cast %get3A_1807 : vector<200x1x128xf32> to vector<200x128xf32>
    %mul3A_1809 = arith.mulf %get3A_1, %get3A_1808 : vector<200x128xf32>
    %mul3A_1810 = arith.mulf %mul3A_1809, %add3A_1803 : vector<200x128xf32>
    %convert_element_type3A_1811 = arith.truncf %mul3A_1810 : vector<200x128xf32> to vector<200x128xbf16>
    %get3A_1812 = arith.constant 0 : index
    %get3A_1813 = arith.constant 0 : index
    %get3A_1814 = vector.load %arg7[%get3A_1812, %get3A_1813] : memref<128x256xbf16, #tpu.memory_space<vmem>>, vector<128x256xbf16>
    %dot_general3A_1815 = arith.constant dense<0.000000e+00> : vector<200x256xf32>
    %dot_general3A_1816 = tpu.matmul %convert_element_type3A_1811, %get3A_1814, %dot_general3A_1815 {dimension_numbers = #tpu.dot_dimension_numbers<[1], [0], [0], [1], [0, 0, 1, 1], [], []>, transpose_lhs_hint = false} : vector<200x128xbf16>, vector<128x256xbf16>, vector<200x256xf32> -> vector<200x256xf32>
    %get3A_1817 = arith.constant 0 : index
    %get3A_1818 = arith.constant 0 : index
    %get3A_1819 = vector.load %arg8[%get3A_1817, %get3A_1818] : memref<1x256xf32, #tpu.memory_space<vmem>>, vector<1x256xf32>
    %add3A_1820 = vector.broadcast %get3A_1819 : vector<1x256xf32> to vector<200x256xf32>
    %add3A_1821 = arith.addf %dot_general3A_1816, %add3A_1820 : vector<200x256xf32>
    %slice3A_1822 = vector.extract_strided_slice %add3A_1821 {offsets = [0, 0], sizes = [200, 128], strides = [1, 1]} : vector<200x256xf32> to vector<200x128xf32>
    %logistic3A_1823 = arith.negf %slice3A_1822 : vector<200x128xf32>
    %logistic3A_1824 = math.exp %logistic3A_1823 : vector<200x128xf32>
    %logistic3A_1825 = arith.constant 1.000000e+00 : f32
    %logistic3A_1826 = vector.broadcast %logistic3A_1825 : f32 to vector<200x128xf32>
    %logistic3A_1827 = arith.addf %logistic3A_1826, %logistic3A_1824 : vector<200x128xf32>
    %logistic3A_1828 = arith.divf %logistic3A_1826, %logistic3A_1827 : vector<200x128xf32>
    %slice3A_1829 = vector.extract_strided_slice %add3A_1821 {offsets = [0, 128], sizes = [200, 128], strides = [1, 1]} : vector<200x256xf32> to vector<200x128xf32>
    %custom_jvp_call3A_1830 = arith.constant 0.000000e+00 : f32
    %max3A_1831 = vector.broadcast %custom_jvp_call3A_1830 : f32 to vector<200x128xf32>
    %max3A_1832 = arith.maximumf %slice3A_1829, %max3A_1831 : vector<200x128xf32>
    %sub3A_1833 = vector.broadcast %custom_jvp_call3A_1830 : f32 to vector<200x128xf32>
    %sub3A_1834 = arith.subf %slice3A_1829, %sub3A_1833 : vector<200x128xf32>
    %ne3A_1835 = arith.cmpf one, %sub3A_1834, %sub3A_1834 : vector<200x128xf32>
    %add3A_1836 = vector.broadcast %custom_jvp_call3A_1830 : f32 to vector<200x128xf32>
    %add3A_1837 = arith.addf %slice3A_1829, %add3A_1836 : vector<200x128xf32>
    %abs3A_1838 = math.absf %sub3A_1834 : vector<200x128xf32>
    %neg3A_1839 = arith.constant 0.000000e+00 : f32
    %neg3A_1840 = vector.broadcast %neg3A_1839 : f32 to vector<200x128xf32>
    %neg3A_1841 = arith.subf %neg3A_1840, %abs3A_1838 : vector<200x128xf32>
    %exp3A_1842 = math.exp %neg3A_1841 : vector<200x128xf32>
    %log1p3A_1843 = math.log1p %exp3A_1842 : vector<200x128xf32>
    %add3A_1844 = arith.addf %max3A_1832, %log1p3A_1843 : vector<200x128xf32>
    %select_n3A_1845 = arith.select %ne3A_1835, %add3A_1837, %add3A_1844 : vector<200x128xi1>, vector<200x128xf32>
    %mul3A_1846 = arith.mulf %logistic3A_1828, %select_n3A_1845 : vector<200x128xf32>
    %add3A_1847 = arith.addf %add3A_1787, %mul3A_1846 : vector<200x128xf32>
    %get3A_1848 = arith.constant 0 : index
    %get3A_1849 = arith.constant 31 : index
    %get3A_1850 = arith.constant 0 : index
    %get3A_1851 = vector.load %arg4[%get3A_1848, %get3A_1849, %get3A_1850] : memref<200x32x16xf32, #tpu.memory_space<vmem>>, vector<200x1x16xf32>
    %get3A_1852 = vector.shape_cast %get3A_1851 : vector<200x1x16xf32> to vector<200x16xf32>
    %convert_element_type3A_1853 = arith.truncf %get3A_1852 : vector<200x16xf32> to vector<200x16xbf16>
    %get3A_1854 = arith.constant 0 : index
    %get3A_1855 = arith.constant 0 : index
    %get3A_1856 = vector.load %arg5[%get3A_1854, %get3A_1855] : memref<16x128xbf16, #tpu.memory_space<vmem>>, vector<16x128xbf16>
    %dot_general3A_1857 = arith.constant dense<0.000000e+00> : vector<200x128xf32>
    %dot_general3A_1858 = tpu.matmul %convert_element_type3A_1853, %get3A_1856, %dot_general3A_1857 {dimension_numbers = #tpu.dot_dimension_numbers<[1], [0], [0], [1], [0, 0, 1, 1], [], []>, transpose_lhs_hint = false} : vector<200x16xbf16>, vector<16x128xbf16>, vector<200x128xf32> -> vector<200x128xf32>
    %get3A_1859 = arith.constant 0 : index
    %get3A_1860 = arith.constant 0 : index
    %get3A_1861 = vector.load %arg6[%get3A_1859, %get3A_1860] : memref<1x128xf32, #tpu.memory_space<vmem>>, vector<1x128xf32>
    %add3A_1862 = vector.broadcast %get3A_1861 : vector<1x128xf32> to vector<200x128xf32>
    %add3A_1863 = arith.addf %dot_general3A_1858, %add3A_1862 : vector<200x128xf32>
    %get3A_1864 = arith.constant 0 : index
    %get3A_1865 = arith.constant 31 : index
    %get3A_1866 = arith.constant 0 : index
    %get3A_1867 = vector.load %arg3[%get3A_1864, %get3A_1865, %get3A_1866] : memref<200x32x128xf32, #tpu.memory_space<vmem>>, vector<200x1x128xf32>
    %get3A_1868 = vector.shape_cast %get3A_1867 : vector<200x1x128xf32> to vector<200x128xf32>
    %mul3A_1869 = arith.mulf %get3A_1, %get3A_1868 : vector<200x128xf32>
    %mul3A_1870 = arith.mulf %mul3A_1869, %add3A_1863 : vector<200x128xf32>
    %convert_element_type3A_1871 = arith.truncf %mul3A_1870 : vector<200x128xf32> to vector<200x128xbf16>
    %get3A_1872 = arith.constant 0 : index
    %get3A_1873 = arith.constant 0 : index
    %get3A_1874 = vector.load %arg7[%get3A_1872, %get3A_1873] : memref<128x256xbf16, #tpu.memory_space<vmem>>, vector<128x256xbf16>
    %dot_general3A_1875 = arith.constant dense<0.000000e+00> : vector<200x256xf32>
    %dot_general3A_1876 = tpu.matmul %convert_element_type3A_1871, %get3A_1874, %dot_general3A_1875 {dimension_numbers = #tpu.dot_dimension_numbers<[1], [0], [0], [1], [0, 0, 1, 1], [], []>, transpose_lhs_hint = false} : vector<200x128xbf16>, vector<128x256xbf16>, vector<200x256xf32> -> vector<200x256xf32>
    %get3A_1877 = arith.constant 0 : index
    %get3A_1878 = arith.constant 0 : index
    %get3A_1879 = vector.load %arg8[%get3A_1877, %get3A_1878] : memref<1x256xf32, #tpu.memory_space<vmem>>, vector<1x256xf32>
    %add3A_1880 = vector.broadcast %get3A_1879 : vector<1x256xf32> to vector<200x256xf32>
    %add3A_1881 = arith.addf %dot_general3A_1876, %add3A_1880 : vector<200x256xf32>
    %slice3A_1882 = vector.extract_strided_slice %add3A_1881 {offsets = [0, 0], sizes = [200, 128], strides = [1, 1]} : vector<200x256xf32> to vector<200x128xf32>
    %logistic3A_1883 = arith.negf %slice3A_1882 : vector<200x128xf32>
    %logistic3A_1884 = math.exp %logistic3A_1883 : vector<200x128xf32>
    %logistic3A_1885 = arith.constant 1.000000e+00 : f32
    %logistic3A_1886 = vector.broadcast %logistic3A_1885 : f32 to vector<200x128xf32>
    %logistic3A_1887 = arith.addf %logistic3A_1886, %logistic3A_1884 : vector<200x128xf32>
    %logistic3A_1888 = arith.divf %logistic3A_1886, %logistic3A_1887 : vector<200x128xf32>
    %slice3A_1889 = vector.extract_strided_slice %add3A_1881 {offsets = [0, 128], sizes = [200, 128], strides = [1, 1]} : vector<200x256xf32> to vector<200x128xf32>
    %custom_jvp_call3A_1890 = arith.constant 0.000000e+00 : f32
    %max3A_1891 = vector.broadcast %custom_jvp_call3A_1890 : f32 to vector<200x128xf32>
    %max3A_1892 = arith.maximumf %slice3A_1889, %max3A_1891 : vector<200x128xf32>
    %sub3A_1893 = vector.broadcast %custom_jvp_call3A_1890 : f32 to vector<200x128xf32>
    %sub3A_1894 = arith.subf %slice3A_1889, %sub3A_1893 : vector<200x128xf32>
    %ne3A_1895 = arith.cmpf one, %sub3A_1894, %sub3A_1894 : vector<200x128xf32>
    %add3A_1896 = vector.broadcast %custom_jvp_call3A_1890 : f32 to vector<200x128xf32>
    %add3A_1897 = arith.addf %slice3A_1889, %add3A_1896 : vector<200x128xf32>
    %abs3A_1898 = math.absf %sub3A_1894 : vector<200x128xf32>
    %neg3A_1899 = arith.constant 0.000000e+00 : f32
    %neg3A_1900 = vector.broadcast %neg3A_1899 : f32 to vector<200x128xf32>
    %neg3A_1901 = arith.subf %neg3A_1900, %abs3A_1898 : vector<200x128xf32>
    %exp3A_1902 = math.exp %neg3A_1901 : vector<200x128xf32>
    %log1p3A_1903 = math.log1p %exp3A_1902 : vector<200x128xf32>
    %add3A_1904 = arith.addf %max3A_1892, %log1p3A_1903 : vector<200x128xf32>
    %select_n3A_1905 = arith.select %ne3A_1895, %add3A_1897, %add3A_1904 : vector<200x128xi1>, vector<200x128xf32>
    %mul3A_1906 = arith.mulf %logistic3A_1888, %select_n3A_1905 : vector<200x128xf32>
    %add3A_1907 = arith.addf %add3A_1847, %mul3A_1906 : vector<200x128xf32>
    %get3A_1908 = arith.constant 0 : index
    %get3A_1909 = arith.constant 0 : index
    %get3A_1910 = vector.load %arg1[%get3A_1908, %get3A_1909] : memref<200x128xf32, #tpu.memory_space<vmem>>, vector<200x128xf32>
    %add3A_1911 = arith.addf %get3A_1910, %add3A_1907 : vector<200x128xf32>
    %swap3A = arith.constant 0 : index
    %swap3A_1912 = arith.constant 0 : index
    %swap3A_1913 = vector.load %arg9[%swap3A, %swap3A_1912] : memref<200x128xf32, #tpu.memory_space<vmem>>, vector<200x128xf32>
    tpu.vector_store %arg9[%swap3A, %swap3A_1912], %add3A_1911 {strides = array<i32>} : memref<200x128xf32, #tpu.memory_space<vmem>>, vector<200x128xf32>,
    return
  }
  func.func @transform_0(%arg0: i32) -> (i32, i32) {
    %c0_i32 = arith.constant 0 : i32
    %c0_i32_0 = arith.constant 0 : i32
    return %arg0, %c0_i32 : i32, i32
  }
  func.func @transform_1(%arg0: i32) -> (i32, i32) {
    %c0_i32 = arith.constant 0 : i32
    %c0_i32_0 = arith.constant 0 : i32
    return %arg0, %c0_i32 : i32, i32
  }
  func.func @transform_2(%arg0: i32) -> (i32, i32, i32) {
    %c0_i32 = arith.constant 0 : i32
    %c0_i32_0 = arith.constant 0 : i32
    %c0_i32_1 = arith.constant 0 : i32
    return %arg0, %c0_i32, %c0_i32_0 : i32, i32, i32
  }
  func.func @transform_3(%arg0: i32) -> (i32, i32, i32) {
    %c0_i32 = arith.constant 0 : i32
    %c0_i32_0 = arith.constant 0 : i32
    %c0_i32_1 = arith.constant 0 : i32
    return %arg0, %c0_i32, %c0_i32_0 : i32, i32, i32
  }
  func.func @transform_4(%arg0: i32) -> (i32, i32) {
    %c0_i32 = arith.constant 0 : i32
    %c0_i32_0 = arith.constant 0 : i32
    %c0_i32_1 = arith.constant 0 : i32
    return %c0_i32, %c0_i32_0 : i32, i32
  }
  func.func @transform_5(%arg0: i32) -> (i32, i32) {
    %c0_i32 = arith.constant 0 : i32
    %c0_i32_0 = arith.constant 0 : i32
    %c0_i32_1 = arith.constant 0 : i32
    return %c0_i32, %c0_i32_0 : i32, i32
  }
  func.func @transform_6(%arg0: i32) -> (i32, i32) {
    %c0_i32 = arith.constant 0 : i32
    %c0_i32_0 = arith.constant 0 : i32
    %c0_i32_1 = arith.constant 0 : i32
    return %c0_i32, %c0_i32_0 : i32, i32
  }
  func.func @transform_7(%arg0: i32) -> (i32, i32) {
    %c0_i32 = arith.constant 0 : i32
    %c0_i32_0 = arith.constant 0 : i32
    %c0_i32_1 = arith.constant 0 : i32
    return %c0_i32, %c0_i32_0 : i32, i32
  }
  func.func @transform_8(%arg0: i32) -> (i32, i32) {
    %c0_i32 = arith.constant 0 : i32
    %c0_i32_0 = arith.constant 0 : i32
    return %arg0, %c0_i32 : i32, i32
  }
}

</mosaic_0001>

<sc_bundles>
// kernel: kernel.5.cloned.1.call-start
scs
__scs_entry_jumppad:
0x0: {  	(pc) =	sbr.rel $0x88, $3  }
0x1: {  	(tag) =	ssettag $0x0;
	lr =	simm.s32 $0x1  }
0x2: {  	[smem:$0x3F92] =	sst lr;
	_ =	strace $0xD0000000  }
0x3: {  	_ = 	snop  }
0x4: {  	_ = 	snop  }
0x5: {  	_ = 	snop  }
0x6: {  	_ = 	snop  }
0x7: {  	_ = 	snop  }
__scs_overlays_trampoline_lowered:
0x8: {  	[smem:$0x3FA1] =	sst s0  }
0x9: {  	[smem:$0x3FA2] =	sst s1  }
0xa: {  	[smem:$0x3FA3] =	sst s2  }
0xb: {  	[smem:$0x3FA4] =	sst s3  }
0xc: {  	[smem:$0x3FA5] =	sst s4  }
0xd: {  	[smem:$0x3FA6] =	sst s5  }
0xe: {  	[smem:$0x3FA7] =	sst s6  }
0xf: {  	[smem:$0x3FA8] =	sst s7  }
0x10: {  	[smem:$0x3FA9] =	sst s8  }
0x11: {  	[smem:$0x3FAA] =	sst s9;
	s0 =	simm.s32 @!p0 $0x0  }
0x12: {  	s1 =	sld [smem:$0x3F90];
	s0 =	simm.s32 @p0 $0x1  }
0x13: {  	[smem:$0x3FAB] =	sst s0;
	s0 =	simm.s32 @!p1 $0x0  }
0x14: {  	s2 =	sld [smem:$0x3F8F];
	s0 =	simm.s32 @p1 $0x1  }
0x15: {  	[smem:$0x3FAC] =	sst s0;
	s0 =	simm.s32 @!p2 $0x0  }
0x16: {  	s3 =	sld [smem:$0x3FDB];
	s0 =	simm.s32 @p2 $0x1  }
0x17: {  	s4 =	simm.s32 $0x1BF5;
	[smem:$0x3FAE] =	sst s0  }
0x18: {  	s0 =	sld [smem:$0x3F91];
	_ =	swait.ge [sflag:s4], $0x0  }
0x19: {  	s7 =	sld [smem:$0x3F92]  }
0x1a: {  	s8 =	sadd.s32 $0xFFFFE003, lr  }
0x1b: {  	s9 =	sadd.s32 $0xFFFFFEF7, lr;
	s5 =	simm.s32 $0xFFFFFFFF;
	p2 =	slt.u32 s8, $0xFFFFF086  }
0x1c: {  	p1 =	slt.u32 s9, $0xF7A;
	s5 =	simm.s32 @!p2 $0x0  }
0x1d: {  	s5 =	simm.s32 @p1 $0x1;
	p0 =	seq.s32 s7, s2  }
0x1e: {  	s7 =	smul.u32 @!p0 $0xF7A, s2;
	p2 =	seq.s32 @!p0 s5, $0x0  }
0x1f: {  	s9 =	smul.u32 $0xF7A, s1;
	s8 =	simm.s32 @!p0 $0x1BF5;
	p2 =	por !p2, p0  }
0x20: {  	[sflag:s8] =	ssyncset.s32 @!p0 $0xFFFFF086;
	s6 =	sadd.s32 @!p0 s3, s7;
	s7 =	simm.s32 @!p0 $0x108  }
0x21: {  	s3 =	sadd.s32 s3, s9;
	s6 =	sadd.s32 @!p0 $0x88, s6;
	s7 =	simm.s32 @p2 $0x1082  }
0x22: {  	[simem:s7], [sflag:s8] =	dma.local @!p0 [hbm:s6], $0xF7A  }
0x23: {  	s9 =	sor.u32 $0xD0000000, s2;
	s6 =	simm.s32 $0x108;
	_ =	swait.ge @!p0 [sflag:s8], $0x0  }
0x24: {  	s3 =	sadd.s32 $0x88, s3;
	s6 =	simm.s32 @!p1 $0x1082;
	[sflag:s4] =	ssyncset.s32 $0xFFFFF086  }
0x25: {  	[simem:s6], [sflag:s4] =	dma.local [hbm:s3], $0xF7A  }
0x26: {  	[smem:$0x3F92] =	sst s1;
	(tag) =	ssettag s2;
	_ =	strace s9  }
0x27: {  	s1 =	sld [smem:$0x3FA2]  }
0x28: {  	s2 =	sld [smem:$0x3FA3]  }
0x29: {  	s4 =	sld [smem:$0x3FA5]  }
0x2a: {  	p0 =	seq.s32 s5, $0x0;
	s5 =	sld [smem:$0x3FA6]  }
0x2b: {  	s6 =	sld [smem:$0x3FA7]  }
0x2c: {  	s7 =	sld [smem:$0x3FA8]  }
0x2d: {  	s3 =	simm.s32 $0x108;
	s8 =	sld [smem:$0x3FA9]  }
0x2e: {  	s3 =	simm.s32 @!p0 $0x1082;
	s9 =	sld [smem:$0x3FAA]  }
0x2f: {  	lr =	sadd.s32 s0, s3;
	s0 =	sld [smem:$0x3FA1]  }
0x30: {  	s3 =	sld [smem:$0x3FA4]  }
0x31: {  	[smem:$0x3FAD] =	sst s10  }
0x32: {  	s10 =	sld [smem:$0x3FAB];
	_ =	sdelay $0x3  }
0x33: {  	p0 =	seq.s32 s10, $0x1;
	s10 =	sld [smem:$0x3FAD];
	_ =	sdelay $0x3  }
0x34: {  	[smem:$0x3FAD] =	sst s10  }
0x35: {  	s10 =	sld [smem:$0x3FAC];
	_ =	sdelay $0x3  }
0x36: {  	p1 =	seq.s32 s10, $0x1;
	s10 =	sld [smem:$0x3FAD];
	_ =	sdelay $0x3  }
0x37: {  	[smem:$0x3FAD] =	sst s10  }
0x38: {  	s10 =	sld [smem:$0x3FAE]  }
0x39: {  	_ = 	snop;
	(pc) =	sbr.ind lr, $3  }
0x3a: {  	_ = 	snop  }
0x3b: {  	_ = 	snop  }
0x3c: {  	p2 =	seq.s32 s10, $0x1;
	s10 =	sld [smem:$0x3FAD]  }
0x3d: {  	_ =	shalt  }
0x3e: {  	_ =	shalt  }
0x3f: {  	_ =	shalt  }
0x40: {  	_ =	shalt  }
0x41: {  	_ =	shalt  }
0x42: {  	_ =	shalt  }
0x43: {  	_ =	shalt  }
0x44: {  	_ =	shalt  }
0x45: {  	_ =	shalt  }
0x46: {  	_ =	shalt  }
0x47: {  	_ =	shalt  }
0x48: {  	_ =	shalt  }
0x49: {  	_ =	shalt  }
0x4a: {  	_ =	shalt  }
0x4b: {  	_ =	shalt  }
0x4c: {  	_ =	shalt  }
0x4d: {  	_ =	shalt  }
0x4e: {  	_ =	shalt  }
0x4f: {  	_ =	shalt  }
0x50: {  	_ =	shalt  }
0x51: {  	_ =	shalt  }
0x52: {  	_ =	shalt  }
0x53: {  	_ =	shalt  }
0x54: {  	_ =	shalt  }
0x55: {  	_ =	shalt  }
0x56: {  	_ =	shalt  }
0x57: {  	_ =	shalt  }
0x58: {  	_ =	shalt  }
0x59: {  	_ =	shalt  }
0x5a: {  	_ =	shalt  }
0x5b: {  	_ =	shalt  }
0x5c: {  	_ =	shalt  }
0x5d: {  	_ =	shalt  }
0x5e: {  	_ =	shalt  }
0x5f: {  	_ =	shalt  }
0x60: {  	_ =	shalt  }
0x61: {  	_ =	shalt  }
0x62: {  	_ =	shalt  }
0x63: {  	_ =	shalt  }
0x64: {  	_ =	shalt  }
0x65: {  	_ =	shalt  }
0x66: {  	_ =	shalt  }
0x67: {  	_ =	shalt  }
0x68: {  	_ =	shalt  }
0x69: {  	_ =	shalt  }
0x6a: {  	_ =	shalt  }
0x6b: {  	_ =	shalt  }
0x6c: {  	_ =	shalt  }
0x6d: {  	_ =	shalt  }
0x6e: {  	_ =	shalt  }
0x6f: {  	_ =	shalt  }
0x70: {  	_ =	shalt  }
0x71: {  	_ =	shalt  }
0x72: {  	_ =	shalt  }
0x73: {  	_ =	shalt  }
0x74: {  	_ =	shalt  }
0x75: {  	_ =	shalt  }
0x76: {  	_ =	shalt  }
0x77: {  	_ =	shalt  }
0x78: {  	_ =	shalt  }
0x79: {  	_ =	shalt  }
0x7a: {  	_ =	shalt  }
0x7b: {  	_ =	shalt  }
0x7c: {  	_ =	shalt  }
0x7d: {  	_ =	shalt  }
0x7e: {  	_ =	shalt  }
0x7f: {  	_ =	shalt  }
0x80: {  	_ =	shalt  }
0x81: {  	_ =	shalt  }
0x82: {  	_ =	shalt  }
0x83: {  	_ =	shalt  }
0x84: {  	_ =	shalt  }
0x85: {  	_ =	shalt  }
0x86: {  	_ =	shalt  }
0x87: {  	_ =	shalt  }
.Lfunc_end0:
.L_simem_size_0:
called_computation_lowered:
.L_overlay_start_0:
0x88: {  	s2 =	sld [smem:$0x3FD9]  }
0x89: {  	s3 =	sld [smem:$0x3FFE];
	_ =	sdelay $0x1  }
0x8a: {  	s1 =	srdreg.scid  }
0x8b: {  	s0 =	sand.u32 $0x1, s1  }
0x8c: {  	s16 =	sshll.u32 s0, $0xA;
	s2 =	sadd.s32 s3, s2  }
0x8d: {  	s2 =	sadd.s32 s2, s16  }
0x8e: {  	[smem:$0x3FB9] =	sst s2  }
0x8f: {  	_ = 	snop  }
0x90: {  	(tm) =	ssettm $0x1  }
0x91: {  	s17 =	sld [smem:$0x3FFB];
	_ =	sdelay $0x3  }
0x92: {  	_ =	strace s17  }
0x93: {  	s2 =	sld [smem:$0x3FFC];
	_ =	sdelay $0x3  }
0x94: {  	_ =	strace s2  }
0x95: {  	s2 =	sld [smem:$0x3FFD];
	_ =	sdelay $0x3  }
0x96: {  	_ =	strace s2  }
0x97: {  	_ =	strace $0x8FFFFFFF  }
0x98: {  	s18 =	sld [smem:$0x3FDB];
	_ =	sdelay $0x1  }
0x99: {  	s19 =	simm.s32 $_scs_section_size  }
0x9a: {  	s4 =	simm.s32 $_size__tile_overlayer_lowered;
	s5 =	simm.s32 $_tile_overlayer_lowered  }
0x9b: {  	s22 =	simm.s32 $0x1BFF;
	s21 =	sshll.u32 s5, $0x1;
	s2 =	sadd.s32 s19, s18  }
0x9c: {  	s6 =	simm.s32 $0x0;
	s20 =	sshll.u32 s4, $0x1;
	s4 =	sadd.s32 s21, s2  }
0x9d: {  	[timem:s6], [sflag:s22] =	dma.local [hbm:s4], s20  }
0x9e: {  	_ =	swait.ge [sflag:s22], s20  }
0x9f: {  	s3 =	ssub.s32 $0x0, s20;
	[sflag:s22] =	ssyncset.done $0x0  }
0xa0: {  	[sflag:s22] =	ssyncadd.s32 s3;
	_ =	sdelay $0x1  }
0xa1: {  	s23 =	simm.s32 $0x1B8B  }
0xa2: {  	_ =	swait.ge [sflag:s23], $0x1  }
0xa3: {  	[sflag:s23] =	ssyncset.done $0x0  }
0xa4: {  	s25 =	simm.s32 $0x1B8E;
	s24 =	sld [smem:$0x3FFE];
	[sflag:s23] =	ssyncadd.s32 $0xFFFFFFFF  }
0xa5: {  	s26 =	simm.s32 $execute0_lowered;
	[smem:$0x3FD2] =	sst s25  }
0xa6: {  	s4 =	sshll.u32 s26, $0x1;
	_ =	strace $0x80000046;
	[dreg:$0x1] =	wrdreg $0xFFFFFFFF  }
0xa7: {  	s28 =	simm.s32 $_size_execute0_lowered;
	s2 =	sadd.s32 s2, s4;
	[dreg:$0x0] =	wrdreg $0x0  }
0xa8: {  	s4 =	sshll.u32 s28, $0x1;
	[dreg:$0x2] =	wrdreg s2  }
0xa9: {  	[dreg:$0x3] =	wrdreg s4  }
0xaa: {  	[dreg:$0x4] =	wrdreg $0xC0  }
0xab: {  	_ =	task [dreg:s6], $0x5FFFF  }
0xac: {  	[dreg:$0x1] =	wrdreg $0xFFFFFFFF  }
0xad: {  	[dreg:$0x0] =	wrdreg $0x60  }
0xae: {  	[dreg:$0x2] =	wrdreg s24  }
0xaf: {  	[dreg:$0x3] =	wrdreg $0x9  }
0xb0: {  	_ =	task.clear_ibuf [dreg:s6], $0x4FFFF;
	_ =	strace $0x90000046  }
0xb1: {  	s29 =	simm.s32 $0x9;
	_ =	strace $0x8000004F  }
0xb2: {  	_ =	swait.ge [sflag:s29], $0x1  }
0xb3: {  	[sflag:s29] =	ssyncadd.s32 $0xFFFFFFFF  }
0xb4: {  	_ =	strace $0x9000004F  }
0xb5: {  	_ =	sfence  }
0xb6: {  	s30 =	sld [smem:$0x0];
	_ =	sdelay $0x2  }
0xb7: {  	s31 =	sshll.u32 s1, $0xD;
	s1 =	sshrl.u32 s1, $0x2  }
0xb8: {  	s3 =	sand.u32 $0x4000, s31;
	s1 =	sadd.s32 s1, s30  }
0xb9: {  	s0 =	sor.u32 s3, s0;
	s1 =	sshll.u32 s1, $0x11  }
0xba: {  	s0 =	sor.u32 s1, s0  }
0xbb: {  	s0 =	sadd.s32 $0x8F2B, s0  }
0xbc: {  	[sflag:s0] =	ssyncadd.remote.s32 $0x1  }
0xbd: {  	_ =	sfence.sel $0xFFFF  }
0xbe: {  	[dreg:$0x0] =	wrdreg $0xFFFFFFFF;
	(pc) =	sbr.abs _section_cstart, $3  }
0xbf: {  	[dreg:$0x1] =	wrdreg $0xFFFFFFFF  }
0xc0: {  	_ =	task.clear_ibuf [dreg:s6], $0x2FFFF;
	_ =	strace $0x9FFFFFFF  }
0xc1: {  	(tm) =	ssettm $0x7FFFFFFF  }
tec
execute0_lowered:
.L_overlay_start_1:
0x0: {  	(tag) =	ssettag $0x1  }
0x1: {  	s4 =	rddreg [dreg:$0x0];
	s1 =	srdreg.scid  }
0x2: {  	s0 =	rddreg [dreg:$0x1];
	s2 =	simm.s32 $0x0;
	s9 =	simm.s32 $0x1  }
0x3: {  	s10 =	simm.s32 $0x80;
	s11 =	simm.s32 $0x0;
	s5 =	sand.u32 $0x1, s1  }
0x4: {  	s1 =	stileid.u32;
	[smem:$0x7FF] =	sst s2;
	s3 =	sshll.u32 s5, $0x4  }
0x5: {  	s6 =	sadd.s32 $0xCC00, s4;
	s8 =	sadd.s32 $0x33E00, s4;
	s3 =	sor.u32 s1, s3  }
0x6: {  	_ =	strace $0x80000047;
	[dreg:$0x2] =	wrdreg s6;
	s7 =	smul.u32 $0x4E, s3  }
0x7: {  	s4 =	sadd.s32 $0x2E00, s4;
	[dreg:$0x4] =	wrdreg s8;
	s6 =	smul.u32 $0x4F, s3  }
0x8: {  	s29 =	ssub.s32 $0x2, s5;
	p0 =	slt.u32 s3, $0x4;
	s3 =	sadd.s32 $0x4, s7  }
0x9: {  	s5 =	simm.s32 $0x4F;
	[dreg:$0x3] =	wrdreg s10;
	s3 =	smov.u32 @p0 s6  }
0xa: {  	s10 =	simm.s32 $0x5;
	s31 =	sshrl.u32 s29, $0x1;
	s30 =	sshll.u32 s3, $0x4  }
0xb: {  	s8 =	ssub.s32 s29, s31;
	s5 =	simm.s32 @!p0 $0x4E;
	s7 =	sand.u32 $0x1FFFFFF0, s30  }
0xc: {  	s8 =	smax.u32 s8, $0x1;
	s6 =	sadd.s32 s4, s7;
	s7 =	sadd.s32 $0xFFFFFFFF, s5  }
.LBB2_1:
0xd: {  	_ =	strace $0x80000048;
	p2 =	sne.s32 s5, $0x1  }
.Ltmp0:
0xe: {  	p0 =	seq.s32 s5, $0x1;
	s13 =	simm.s32 $0x1;
	(pc) =	sbr.rel @!p2 .LBB2_2-.Ltmp0, $4  }
0xf: {  	[tilespmem:s2], [sflag:$0x1] =	stream.linear.gather [hbm4b:s6+s2], $0x80, $0x200038;
	[tilespmem:$0x8100] =	vst v63  }
0x10: {  	s12 =	simm.s32 $0x1;
	p1 =	por $0x1, $0x1;
	s13 =	simm.s32 @p0 $0x0  }
0x11: {  	p6 =	sgt.u32 s7, $0x0;
	p4 =	por p1, p1;
	p3 =	sne.s32 s13, $0x0  }
0x12: {  	_ =	strace $0x90000048;
	p5 =	por !p6, !p3;
	p6 =	por $0x0, $0x0  }
0x13: {  	p2 =	por !p5, !p5  }
0x14: {  	s21 =	sand.u32 $0x1, s2;
	s19 =	simm.s32 $0x2;
	s14 =	sadd.s32 @p2 s3, s13  }
0x15: {  	p1 =	por p3, p3;
	s15 =	sand.u32 @p2 $0x1, s9;
	s14 =	sshll.u32 @p2 s14, $0x4  }
0x16: {  	_ =	strace @p2 $0x80000049;
	s17 =	simm.s32 @p2 $0x0;
	s14 =	sand.u32 @p2 $0x1FFFFFF0, s14  }
0x17: {  	s16 =	sshll.u32 @p2 s15, $0x7;
	s15 =	sadd.s32 @p2 $0x1, s15;
	s14 =	sadd.s32 @p2 s4, s14  }
0x18: {  	[tilespmem:s16], [sflag:s15] =	stream.linear.gather @p2 [hbm4b:s14+s17], $0x80, $0x200038;
	[tilespmem:$0x8100] =	vst v63  }
0x19: {  	s30 =	simm.s32 $0x0;
	p6 =	por $0x0, $0x0;
	_ =	strace @p2 $0x90000049  }
0x1a: {  	p0 =	sne.s32 s5, $0x2;
	s29 =	sadd.s32 $0x1, s21;
	_ =	strace $0x8000004A  }
0x1b: {  	s24 =	sadd.s32 $0x0, s3;
	p5 =	sgt.u32 s7, $0x1;
	_ =	swait.ge [sflag:s29], $0x80  }
0x1c: {  	s23 =	simm.s32 $0x1;
	s22 =	sshll.u32 s21, $0xE;
	[sflag:s29] =	ssyncset.done $0x0  }
0x1d: {  	s22 =	sor.u32 $0x100, s22;
	s16 =	sand.u32 @!p4 $0x1, s2;
	[sflag:s29] =	ssyncadd.s32 $0xFFFFFF80  }
0x1e: {  	s15 =	simm.s32 $0x1;
	s17 =	sadd.s32 $0x1, s13;
	_ =	strace $0x9000004A  }
0x1f: {  	s14 =	sand.u32 $0x80, s30;
	s15 =	simm.s32 @!p2 $0x0;
	_ =	strace $0x8000004B  }
0x20: {  	p2 =	por p4, p4;
	p4 =	por p6, p6;
	s20 =	rddreg [dreg:$0x3]  }
0x21: {  	p3 =	seq.s32 s17, s5;
	p6 =	seq.s32 s7, $0x0;
	s31 =	rddreg [dreg:$0x2]  }
0x22: {  	[tilespmem:s22], [sflag:$0x5] =	stream.indirect.gather [hbm4b:s31+s20], $0x80, s14, s20, $0x2000b8;
	[tilespmem:$0x8100] =	vst v63  }
.Ltmp1:
0x23: {  	s18 =	sadd.s32 $0x1, s15;
	s17 =	simm.s32 @p3 $0x0;
	(pc) =	sbr.rel @!p0 .LBB2_4-.Ltmp1, $4  }
0x24: {  	p1 =	por p6, p1;
	p6 =	por $0x0, $0x0;
	_ =	swait.ge [sflag:s10], $0x4000  }
0x25: {  	s15 =	simm.s32 $0x0;
	p3 =	sne.s32 s13, s17;
	[sflag:s10] =	ssyncset.done $0x0  }
0x26: {  	s23 =	simm.s32 @!p6 $0x0;
	p5 =	por !p5, !p3;
	[sflag:s10] =	ssyncadd.s32 $0xFFFFC000  }
0x27: {  	s14 =	simm.s32 $0x0;
	s20 =	simm.s32 $0x0;
	_ =	strace $0x9000004B  }
.LBB2_5:
0x28: {  	_ =	strace @p1 $0x8000004C;
	s14 =	sadd.s32 s23, s14;
	s23 =	smov.u32 s12  }
0x29: {  	s12 =	smov.u32 s19;
	s19 =	sadd.s32 $0x1, s19;
	p0 =	por p3, p3  }
0x2a: {  	s29 =	sshll.u32 @p1 s24, $0xB;
	s21 =	sadd.s32 @p1 $0x3, s21;
	s25 =	simm.s32 @!p0 $0x0  }
0x2b: {  	s26 =	rddreg [dreg:$0x4];
	s29 =	sand.u32 @p1 $0x1FFFF800, s29;
	s25 =	simm.s32 @p0 $0x1  }
0x2c: {  	s26 =	sadd.s32 @p1 s26, s29;
	s29 =	simm.s32 @p1 $0x0;
	p0 =	sne.s32 s5, s19  }
0x2d: {  	[hbm4b:s26+s29] =	stream.linear.scatter @p1 [tilespmem:s22], [sflag:s21], $0x4000, $0x200038;
	[tilespmem:$0x8100] =	vst v63  }
0x2e: {  	s21 =	sadd.s32 @!p2 $0x3, s16;
	s16 =	simm.s32 @!p0 $0x0  }
0x2f: {  	s28 =	simm.s32 $0x1;
	[smem:$0x7FC] =	sst s25;
	s16 =	simm.s32 @p0 $0x1  }
0x30: {  	s28 =	simm.s32 @!p1 $0x0;
	_ =	strace @p1 $0x9000004C;
	[smem:$0x7FD] =	sst s16  }
0x31: {  	s20 =	sadd.s32 s28, s20;
	s25 =	sand.u32 @!p4 $0x1, s14;
	_ =	strace @!p2 $0x8000004D  }
0x32: {  	p1 =	por !p5, !p5;
	s16 =	smov.u32 s25;
	_ =	swait.ge @!p2 [sflag:s21], $0x4000  }
0x33: {  	s22 =	sand.u32 @p1 $0x1, s18;
	s25 =	sadd.s32 @p1 s3, s17;
	[sflag:s21] =	ssyncset.done @!p2 $0x0  }
0x34: {  	s26 =	sshll.u32 @p1 s22, $0x7;
	s25 =	sshll.u32 @p1 s25, $0x4;
	[sflag:s21] =	ssyncadd.s32 @!p2 $0xFFFFC000  }
0x35: {  	s21 =	sadd.s32 @p1 $0x1, s22;
	s22 =	sand.u32 @p1 $0x1FFFFFF0, s25;
	_ =	strace @!p2 $0x9000004D  }
0x36: {  	s25 =	simm.s32 @p1 $0x0;
	s22 =	sadd.s32 @p1 s4, s22;
	_ =	strace @p1 $0x80000049  }
0x37: {  	[tilespmem:s26], [sflag:s21] =	stream.linear.gather @p1 [hbm4b:s22+s25], $0x80, $0x200038;
	[tilespmem:$0x8100] =	vst v63  }
0x38: {  	s15 =	sadd.s32 s28, s15;
	s28 =	sand.u32 $0x1, s20;
	_ =	strace @p1 $0x90000049  }
0x39: {  	s28 =	sadd.s32 $0x1, s28;
	_ =	strace $0x8000004A  }
0x3a: {  	_ =	swait.ge [sflag:s28], $0x80  }
0x3b: {  	[sflag:s28] =	ssyncset.done $0x0  }
0x3c: {  	s21 =	simm.s32 $0x1;
	[sflag:s28] =	ssyncadd.s32 $0xFFFFFF80  }
0x3d: {  	s21 =	simm.s32 @!p1 $0x0;
	_ =	strace $0x9000004A  }
0x3e: {  	s18 =	sadd.s32 s21, s18;
	s21 =	sand.u32 $0x1, s15;
	_ =	strace $0x8000004B  }
0x3f: {  	s31 =	sshll.u32 s20, $0x7;
	s29 =	sshll.u32 s21, $0xE;
	s25 =	rddreg [dreg:$0x3]  }
0x40: {  	s31 =	sand.u32 $0x80, s31;
	s22 =	sor.u32 $0x100, s29;
	s26 =	rddreg [dreg:$0x2]  }
0x41: {  	[tilespmem:s22], [sflag:$0x5] =	stream.indirect.gather [hbm4b:s26+s25], $0x80, s31, s25, $0x2000b8;
	[tilespmem:$0x8100] =	vst v63  }
0x42: {  	_ =	swait.ge [sflag:s10], $0x4000  }
0x43: {  	[sflag:s10] =	ssyncset.done $0x0  }
0x44: {  	[sflag:s10] =	ssyncadd.s32 $0xFFFFC000  }
0x45: {  	s30 =	sadd.s32 $0x1, s17;
	_ =	strace $0x9000004B  }
0x46: {  	s24 =	sadd.s32 s3, s13;
	s13 =	smov.u32 s17;
	s31 =	sld [smem:$0x7FD]  }
0x47: {  	p0 =	sne.s32 s23, $0x0;
	s17 =	smov.u32 s30;
	p1 =	seq.s32 s30, s5  }
0x48: {  	s17 =	simm.s32 @p1 $0x0;
	p1 =	seq.s32 s7, s23;
	s23 =	simm.s32 $0x1  }
0x49: {  	s23 =	simm.s32 @!p0 $0x0;
	p0 =	seq.s32 s31, $0x1  }
.Ltmp2:
0x4a: {  	s30 =	sld [smem:$0x7FC];
	(pc) =	sbr.rel @p0 .LBB2_5-.Ltmp2, $4  }
0x4b: {  	p3 =	seq.s32 s12, $0x0  }
0x4c: {  	p6 =	por p3, p3;
	p5 =	slt.u32 s12, s7  }
0x4d: {  	p2 =	por p4, p4;
	p3 =	sne.s32 s13, s17;
	p4 =	seq.s32 s30, $0x1  }
0x4e: {  	p5 =	por !p5, !p3;
	p1 =	por p1, p4;
	p4 =	por p6, p6  }
0x4f: {  	p6 =	por $0x1, $0x1  }
.LBB2_7:
0x50: {  	p0 =	por !p1, !p6  }
0x51: {  	s25 =	simm.s32 $0x1;
	_ =	strace @!p0 $0x8000004C;
	s24 =	sshll.u32 @!p0 s24, $0xB  }
0x52: {  	p2 =	por p2, !p6;
	s19 =	rddreg [dreg:$0x4];
	s24 =	sand.u32 @!p0 $0x1FFFF800, s24  }
0x53: {  	s21 =	sadd.s32 @!p0 $0x3, s21;
	s19 =	sadd.s32 @!p0 s19, s24;
	s24 =	simm.s32 @!p0 $0x0  }
0x54: {  	[hbm4b:s19+s24] =	stream.linear.scatter @!p0 [tilespmem:s22], [sflag:s21], $0x4000, $0x200038;
	[tilespmem:$0x8100] =	vst v63  }
0x55: {  	p1 =	por !p5, !p5;
	s25 =	simm.s32 @p0 $0x0;
	_ =	strace @!p0 $0x9000004C  }
0x56: {  	s16 =	sadd.s32 @!p2 $0x3, s16;
	s17 =	sadd.s32 @p1 s3, s17;
	_ =	strace @!p2 $0x8000004D  }
0x57: {  	s18 =	sand.u32 @p1 $0x1, s18;
	s17 =	sshll.u32 @p1 s17, $0x4;
	_ =	swait.ge @!p2 [sflag:s16], $0x4000  }
0x58: {  	s17 =	sand.u32 @p1 $0x1FFFFFF0, s17;
	s19 =	sadd.s32 @p6 s25, s20;
	[sflag:s16] =	ssyncset.done @!p2 $0x0  }
0x59: {  	s20 =	simm.s32 $0x0;
	s17 =	sadd.s32 @p1 s4, s17;
	[sflag:s16] =	ssyncadd.s32 @!p2 $0xFFFFC000  }
0x5a: {  	s20 =	smov.u32 @p6 s19;
	s19 =	sshll.u32 @p1 s18, $0x7;
	_ =	strace @!p2 $0x9000004D  }
0x5b: {  	s16 =	sadd.s32 @p1 $0x1, s18;
	s18 =	simm.s32 @p1 $0x0;
	_ =	strace @p1 $0x80000049  }
0x5c: {  	[tilespmem:s19], [sflag:s16] =	stream.linear.gather @p1 [hbm4b:s17+s18], $0x80, $0x200038;
	[tilespmem:$0x8100] =	vst v63  }
0x5d: {  	s26 =	sand.u32 $0x1, s20;
	_ =	strace @p1 $0x90000049  }
0x5e: {  	s16 =	sadd.s32 $0x1, s26;
	_ =	strace $0x8000004A  }
0x5f: {  	_ =	swait.ge [sflag:s16], $0x80  }
0x60: {  	[sflag:s16] =	ssyncset.done $0x0  }
0x61: {  	s15 =	sadd.s32 @p6 s25, s15;
	[sflag:s16] =	ssyncadd.s32 $0xFFFFFF80;
	s16 =	simm.s32 $0x0  }
0x62: {  	_ =	strace $0x9000004A;
	s16 =	smov.u32 @p6 s15  }
0x63: {  	_ =	strace $0x8000004B;
	s16 =	sand.u32 $0x1, s16  }
0x64: {  	s30 =	sshll.u32 s20, $0x7;
	s28 =	rddreg [dreg:$0x3];
	s31 =	sshll.u32 s16, $0xE  }
0x65: {  	s18 =	sand.u32 $0x80, s30;
	s29 =	rddreg [dreg:$0x2];
	s19 =	sor.u32 $0x100, s31  }
0x66: {  	[tilespmem:s19], [sflag:$0x5] =	stream.indirect.gather [hbm4b:s29+s28], $0x80, s18, s28, $0x2000b8;
	[tilespmem:$0x8100] =	vst v63  }
0x67: {  	_ =	swait.ge [sflag:s10], $0x4000  }
0x68: {  	p3 =	por p3, p3;
	[sflag:s10] =	ssyncset.done $0x0  }
0x69: {  	p5 =	seq.s32 s7, s12;
	s13 =	sadd.s32 s3, s13;
	[sflag:s10] =	ssyncadd.s32 $0xFFFFC000  }
0x6a: {  	s14 =	sadd.s32 @p6 s23, s14;
	p1 =	por p5, p3;
	_ =	strace $0x9000004B  }
0x6b: {  	s17 =	simm.s32 $0x0;
	s13 =	sshll.u32 @p1 s13, $0xB;
	_ =	strace @p1 $0x8000004C  }
0x6c: {  	s17 =	smov.u32 @p6 s14;
	s13 =	sand.u32 @p1 $0x1FFFF800, s13;
	s15 =	rddreg [dreg:$0x4]  }
0x6d: {  	s14 =	sadd.s32 @p1 $0x3, s16;
	s13 =	sadd.s32 @p1 s15, s13;
	s15 =	simm.s32 @p1 $0x0  }
0x6e: {  	[hbm4b:s13+s15] =	stream.linear.scatter @p1 [tilespmem:s19], [sflag:s14], $0x4000, $0x200038;
	[tilespmem:$0x8100] =	vst v63  }
0x6f: {  	p0 =	por p4, p4;
	s13 =	sand.u32 @!p4 $0x1, s17;
	_ =	strace @p1 $0x9000004C  }
0x70: {  	s13 =	sadd.s32 @!p0 $0x3, s13;
	_ =	strace @!p0 $0x8000004D  }
0x71: {  	p1 =	sne.s32 s12, $0x0;
	s12 =	simm.s32 $0x1;
	_ =	swait.ge @!p0 [sflag:s13], $0x4000  }
0x72: {  	s12 =	simm.s32 @!p1 $0x0;
	[sflag:s13] =	ssyncset.done @!p0 $0x0  }
0x73: {  	s11 =	sadd.s32 $0x1, s11;
	s12 =	sadd.s32 s12, s17;
	[sflag:s13] =	ssyncadd.s32 @!p0 $0xFFFFC000  }
0x74: {  	s12 =	sand.u32 $0x1, s12;
	_ =	strace @!p0 $0x9000004D;
	p0 =	sne.s32 s11, s8  }
.Ltmp3:
0x75: {  	s12 =	sadd.s32 $0x3, s12;
	_ =	strace $0x8000004E;
	(pc) =	sbr.rel @p0 .LBB2_1-.Ltmp3, $4  }
.Ltmp4:
0x76: {  	_ =	swait.ge [sflag:s12], $0x4000;
	(pc) =	sbr.rel @!p0 .LBB2_8-.Ltmp4, $4  }
0x77: {  	[sflag:s12] =	ssyncset.done $0x0  }
0x78: {  	[sflag:s12] =	ssyncadd.s32 $0xFFFFC000  }
0x79: {  	_ =	strace $0x9000004E  }
0x7a: {  	_ = 	snop  }
.LBB2_2:
.Ltmp5:
0x7b: {  	(pc) =	sbr.rel .LBB2_7-.Ltmp5, $4  }
0x7c: {  	_ = 	snop  }
0x7d: {  	s14 =	simm.s32 $0x0  }
0x7e: {  	s12 =	simm.s32 $0x0;
	s15 =	simm.s32 $0x0;
	s17 =	smov.u32 s13  }
0x7f: {  	s20 =	simm.s32 $0x0;
	s18 =	simm.s32 $0x1;
	s13 =	simm.s32 $0x0  }
.LBB2_4:
.Ltmp6:
0x80: {  	(pc) =	sbr.rel .LBB2_7-.Ltmp6, $3  }
0x81: {  	_ =	sdelay $0x1  }
0x82: {  	s14 =	simm.s32 $0x0  }
0x83: {  	s15 =	simm.s32 $0x0;
	s20 =	simm.s32 $0x0;
	p6 =	por $0x1, $0x1  }
.LBB2_8:
0x84: {  	_ =	sfence.sel $0x180000  }
0x85: {  	[bflag:$0x0] =	sbarrier.arrive $0xFFFF  }
0x86: {  	p0 =	sne.s32 s1, $0x0;
	_ =	strace $0x90000047  }
0x87: {  	s0 =	sadd.s32 @!p0 $0x100000, s0;
	[bflag:$0x2] =	sbarrier.arrive $0xFFFF  }
0x88: {  	[sflag:s0] =	ssyncadd.tile.s32 @!p0 $0x1;
	_ =	shalt  }
.Lfunc_end2:
_tile_overlayer_lowered:
.L_overlay_start_2:
0x89: {  	(tag) =	ssettag $0x2  }
0x8a: {  	s0 =	rddreg [dreg:$0x0];
	s2 =	stileid.u32  }
0x8b: {  	s1 =	rddreg [dreg:$0x1];
	p0 =	sne.s32 s2, $0x0  }
0x8c: {  	s3 =	rddreg [dreg:$0x2];
	[bflag:$0x3] =	sbarrier.arrive $0xFFFF;
	s2 =	simm.s32 @!p0 $0x1C01  }
0x8d: {  	[timem:s3], [sflag:s2] =	dma.local @!p0 [hbm:s0], s1  }
0x8e: {  	s0 =	simm.s32 @!p0 $0x1  }
0x8f: {  	_ =	swait.ge @!p0 [sflag:s0], s1  }
0x90: {  	s1 =	ssub.s32 @!p0 $0x0, s1;
	[sflag:s0] =	ssyncset.done @!p0 $0x0  }
0x91: {  	[sflag:s0] =	ssyncadd.s32 @!p0 s1  }
0x92: {  	[bflag:$0x3] =	sbarrier.arrive $0xFFFF  }
0x93: {  	_ =	shalt  }

</sc_bundles>
